<compile_context>
chip_gen: v7x
topology: tpu7x:2x2x1
jax: 0.10.2.dev20260603
libtpu: 0.0.44.dev20260713+nightly
codegen_flags: <defaults>
</compile_context>

<pallas_src>
import jax
import jax.numpy as jnp
from jax import lax
from jax.experimental import pallas as pl
from jax.experimental.pallas import tpu as pltpu
from jax.experimental.pallas import tpu_sc as plsc

_R = 128
_B, _S, _L = 4, 8192, 2048
_WL = 128
_NC = _S // _R
_NV = _WL // 16


def _sc_body(x_hbm, out_hbm, ib0, ib1, ob0, ob1, si0, si1, so0, so1):
    wid = lax.axis_index("s") * 2 + lax.axis_index("c")
    lane0 = (wid % 16) * _WL
    b0 = (wid // 16) * 2

    def in_cp(b, ci, buf, sem):
        return pltpu.make_async_copy(
            x_hbm.at[b, pl.ds(ci * _R, _R), pl.ds(lane0, _WL)], buf, sem
        )

    def out_cp(b, ci, buf, sem):
        return pltpu.make_async_copy(
            buf, out_hbm.at[b, pl.ds(ci * _R, _R), pl.ds(lane0, _WL)], sem
        )

    def scan_chunk(ibuf, obuf, accs):
        def row4(q, accs):
            for rr in range(4):
                r = q * 4 + rr
                new = []
                for c in range(_NV):
                    a = accs[c] + ibuf[r, pl.ds(c * 16, 16)]
                    obuf[r, pl.ds(c * 16, 16)] = a
                    new.append(a)
                accs = tuple(new)
            return accs

        return lax.fori_loop(0, _R // 4, row4, accs)

    for bi in range(2):
        b = b0 + bi
        in_cp(b, 0, ib0, si0).start()

        def pair(i, accs):
            c0 = 2 * i
            in_cp(b, c0 + 1, ib1, si1).start()
            in_cp(b, c0, ib0, si0).wait()

            @pl.when(i > 0)
            def _():
                out_cp(b, c0, ob0, so0).wait()

            accs = scan_chunk(ib0, ob0, accs)
            out_cp(b, c0, ob0, so0).start()
            nxt = jnp.minimum(c0 + 2, _NC - 1)
            in_cp(b, nxt, ib0, si0).start()
            in_cp(b, c0 + 1, ib1, si1).wait()

            @pl.when(i > 0)
            def _():
                out_cp(b, c0 + 1, ob1, so1).wait()

            accs = scan_chunk(ib1, ob1, accs)
            out_cp(b, c0 + 1, ob1, so1).start()
            return accs

        zeros = tuple(jnp.zeros((16,), jnp.float32) for _ in range(_NV))
        lax.fori_loop(0, _NC // 2, pair, zeros)
        in_cp(b, _NC - 1, ib0, si0).wait()
        out_cp(b, _NC - 2, ob0, so0).wait()
        out_cp(b, _NC - 1, ob1, so1).wait()


def kernel(x):
    k = pl.kernel(
        _sc_body,
        out_type=jax.ShapeDtypeStruct((_B, _S, _L), jnp.float32),
        mesh=plsc.VectorSubcoreMesh(core_axis_name="c", subcore_axis_name="s"),
        scratch_types=[
            pltpu.VMEM((_R, _WL), jnp.float32),
            pltpu.VMEM((_R, _WL), jnp.float32),
            pltpu.VMEM((_R, _WL), jnp.float32),
            pltpu.VMEM((_R, _WL), jnp.float32),
            pltpu.SemaphoreType.DMA,
            pltpu.SemaphoreType.DMA,
            pltpu.SemaphoreType.DMA,
            pltpu.SemaphoreType.DMA,
        ],
    )
    return k(x)

# --- scband reference (transcript-rebuilt; emitter-appended) ---
"""Pipeline reference for scband-model-new-73315091744758 (READ-ONLY COPY).

The authoritative reference and input builder live on the scoring server;
editing this copy changes nothing except your own understanding.
"""

import jax, jax.numpy as jnp
import numpy as np

DIM = 1

def setup_inputs(seed: int = 0) -> dict:
    key = jax.random.key(seed)
    x = jax.random.normal(key, (4, 8192, 2048), dtype=jnp.float32)
    return {"x": x}

def reference(x):
    # Faithful semantics of the CUDA prefix-sum kernel: inclusive cumulative sum along `dim`.
    return jnp.cumsum(x, axis=DIM)

if __name__ == "__main__":
    import jax
    _d = setup_inputs()
    print(jax.jit(kernel)(*tuple(_d.values())))

</pallas_src>

<mosaic_0001>
#map = affine_map<(d0, d1) -> (0, 0, 0)>
module attributes {stable_mosaic.version = 14 : i64} {
  func.func @_sc_body(%arg0: i32, %arg1: i32, %arg2: memref<4x8192x2048xf32, #tpu.memory_space<hbm>>, %arg3: memref<4x8192x2048xf32, #tpu.memory_space<hbm>>, %arg4: memref<128x128xf32, #tpu.memory_space<vmem>>, %arg5: memref<128x128xf32, #tpu.memory_space<vmem>>, %arg6: memref<128x128xf32, #tpu.memory_space<vmem>>, %arg7: memref<128x128xf32, #tpu.memory_space<vmem>>, %arg8: memref<!tpu.dma_semaphore, #tpu.memory_space<semaphore_mem>>, %arg9: memref<!tpu.dma_semaphore, #tpu.memory_space<semaphore_mem>>, %arg10: memref<!tpu.dma_semaphore, #tpu.memory_space<semaphore_mem>>, %arg11: memref<!tpu.dma_semaphore, #tpu.memory_space<semaphore_mem>>) attributes {dimension_semantics = [#tpu.dimension_semantics<core_parallel>, #tpu.dimension_semantics<subcore_parallel>], iteration_bounds = array<i64: 2, 16>, scalar_prefetch = 0 : i64, scratch_operands = 8 : i64, tpu.core_type = #tpu.core_type<sc_vector_subcore>, window_params = [{transform_indices = #map}, {transform_indices = #map}]} {
    %mul3A = arith.constant 2 : i32
    %mul3A_0 = arith.muli %arg1, %mul3A : i32
    %add3A = arith.addi %mul3A_0, %arg0 : i32
    %jit3A = arith.constant 16 : i32
    %eq3A = arith.constant 0 : i32
    %eq3A_1 = arith.cmpi eq, %jit3A, %eq3A : i32
    %jit3A_2 = arith.constant 1 : i32
    %select_n3A = arith.select %eq3A_1, %jit3A_2, %jit3A : i32
    %rem3A = arith.remsi %add3A, %select_n3A : i32
    %ne3A = arith.constant 0 : i32
    %ne3A_3 = arith.cmpi ne, %rem3A, %ne3A : i32
    %lt3A = arith.constant 0 : i32
    %lt3A_4 = arith.cmpi slt, %rem3A, %lt3A : i32
    %lt3A_5 = arith.constant 0 : i32
    %lt3A_6 = arith.cmpi slt, %select_n3A, %lt3A_5 : i32
    %ne3A_7 = arith.xori %lt3A_4, %lt3A_6 : i1
    %and3A = arith.andi %ne3A_7, %ne3A_3 : i1
    %add3A_8 = arith.addi %rem3A, %select_n3A : i32
    %select_n3A_9 = arith.select %and3A, %add3A_8, %rem3A : i32
    %mul3A_10 = arith.constant 128 : i32
    %mul3A_11 = arith.muli %select_n3A_9, %mul3A_10 : i32
    %jit3A_12 = arith.constant 16 : i32
    %div3A = arith.divsi %add3A, %jit3A_12 : i32
    %sign3A = arith.constant 0 : i32
    %sign3A_13 = arith.cmpi sgt, %add3A, %sign3A : i32
    %sign3A_14 = arith.extui %sign3A_13 : i1 to i32
    %sign3A_15 = arith.constant 0 : i32
    %sign3A_16 = arith.cmpi slt, %add3A, %sign3A_15 : i32
    %sign3A_17 = arith.extui %sign3A_16 : i1 to i32
    %sign3A_18 = arith.subi %sign3A_14, %sign3A_17 : i32
    %sign3A_19 = arith.constant 0 : i32
    %sign3A_20 = arith.cmpi sgt, %jit3A_12, %sign3A_19 : i32
    %sign3A_21 = arith.extui %sign3A_20 : i1 to i32
    %sign3A_22 = arith.constant 0 : i32
    %sign3A_23 = arith.cmpi slt, %jit3A_12, %sign3A_22 : i32
    %sign3A_24 = arith.extui %sign3A_23 : i1 to i32
    %sign3A_25 = arith.subi %sign3A_21, %sign3A_24 : i32
    %ne3A_26 = arith.cmpi ne, %sign3A_18, %sign3A_25 : i32
    %rem3A_27 = arith.remsi %add3A, %jit3A_12 : i32
    %ne3A_28 = arith.constant 0 : i32
    %ne3A_29 = arith.cmpi ne, %rem3A_27, %ne3A_28 : i32
    %and3A_30 = arith.andi %ne3A_26, %ne3A_29 : i1
    %sub3A = arith.constant 1 : i32
    %sub3A_31 = arith.subi %div3A, %sub3A : i32
    %select_n3A_32 = arith.select %and3A_30, %sub3A_31, %div3A : i32
    %mul3A_33 = arith.constant 2 : i32
    %mul3A_34 = arith.muli %select_n3A_32, %mul3A_33 : i32
    %add3A_35 = arith.constant 0 : i32
    %add3A_36 = arith.addi %mul3A_34, %add3A_35 : i32
    %dma_start3A = arith.constant 0 : i32
    %dma_start3A_37 = tpu.memref_slice %arg2[%add3A_36, %dma_start3A, %mul3A_11] : memref<4x8192x2048xf32, #tpu.memory_space<hbm>> -> memref<1x128x128xf32, #tpu.memory_space<hbm>>
    %dma_start3A_38 = tpu.memref_squeeze %dma_start3A_37 : memref<1x128x128xf32, #tpu.memory_space<hbm>> -> memref<128x128xf32, #tpu.memory_space<hbm>>
    %dma_start3A_39 = arith.constant 0 : i32
    %dma_start3A_40 = tpu.memref_slice %arg2[%add3A_36, %dma_start3A_39, %mul3A_11] : memref<4x8192x2048xf32, #tpu.memory_space<hbm>> -> memref<1x128x128xf32, #tpu.memory_space<hbm>>
    %dma_start3A_41 = tpu.memref_squeeze %dma_start3A_40 : memref<1x128x128xf32, #tpu.memory_space<hbm>> -> memref<128x128xf32, #tpu.memory_space<hbm>>
    tpu.enqueue_dma source(%dma_start3A_41 : memref<128x128xf32, #tpu.memory_space<hbm>>) target(%arg4 : memref<128x128xf32, #tpu.memory_space<vmem>>) target_semaphore(%arg8 : memref<!tpu.dma_semaphore, #tpu.memory_space<semaphore_mem>>)
    %broadcast_in_dim3A = arith.constant 0.000000e+00 : f32
    %broadcast_in_dim3A_42 = vector.broadcast %broadcast_in_dim3A : f32 to vector<16xf32>
    %broadcast_in_dim3A_43 = arith.constant 0.000000e+00 : f32
    %broadcast_in_dim3A_44 = vector.broadcast %broadcast_in_dim3A_43 : f32 to vector<16xf32>
    %broadcast_in_dim3A_45 = arith.constant 0.000000e+00 : f32
    %broadcast_in_dim3A_46 = vector.broadcast %broadcast_in_dim3A_45 : f32 to vector<16xf32>
    %broadcast_in_dim3A_47 = arith.constant 0.000000e+00 : f32
    %broadcast_in_dim3A_48 = vector.broadcast %broadcast_in_dim3A_47 : f32 to vector<16xf32>
    %broadcast_in_dim3A_49 = arith.constant 0.000000e+00 : f32
    %broadcast_in_dim3A_50 = vector.broadcast %broadcast_in_dim3A_49 : f32 to vector<16xf32>
    %broadcast_in_dim3A_51 = arith.constant 0.000000e+00 : f32
    %broadcast_in_dim3A_52 = vector.broadcast %broadcast_in_dim3A_51 : f32 to vector<16xf32>
    %broadcast_in_dim3A_53 = arith.constant 0.000000e+00 : f32
    %broadcast_in_dim3A_54 = vector.broadcast %broadcast_in_dim3A_53 : f32 to vector<16xf32>
    %broadcast_in_dim3A_55 = arith.constant 0.000000e+00 : f32
    %broadcast_in_dim3A_56 = vector.broadcast %broadcast_in_dim3A_55 : f32 to vector<16xf32>
    %scan3A = arith.constant 0 : i32
    %scan3A_57 = arith.constant 32 : i32
    %scan3A_58 = arith.addi %scan3A, %scan3A_57 : i32
    %scan3A_59 = arith.constant 1 : i32
    %scan3A_60:8 = scf.for %scan3A_127 = %scan3A to %scan3A_58 step %scan3A_59 iter_args(%scan3A_128 = %broadcast_in_dim3A_42, %scan3A_129 = %broadcast_in_dim3A_44, %scan3A_130 = %broadcast_in_dim3A_46, %scan3A_131 = %broadcast_in_dim3A_48, %scan3A_132 = %broadcast_in_dim3A_50, %scan3A_133 = %broadcast_in_dim3A_52, %scan3A_134 = %broadcast_in_dim3A_54, %scan3A_135 = %broadcast_in_dim3A_56) -> (vector<16xf32>, vector<16xf32>, vector<16xf32>, vector<16xf32>, vector<16xf32>, vector<16xf32>, vector<16xf32>, vector<16xf32>)  : i32 {
      %mul3A_136 = arith.constant 2 : i32
      %mul3A_137 = arith.muli %mul3A_136, %scan3A_127 : i32
      %add3A_138 = arith.constant 1 : i32
      %add3A_139 = arith.addi %mul3A_137, %add3A_138 : i32
      %mul3A_140 = arith.constant 128 : i32
      %mul3A_141 = arith.muli %add3A_139, %mul3A_140 : i32
      %dma_start3A_142 = tpu.memref_slice %arg2[%add3A_36, %mul3A_141, %mul3A_11] : memref<4x8192x2048xf32, #tpu.memory_space<hbm>> -> memref<1x128x128xf32, #tpu.memory_space<hbm>>
      %dma_start3A_143 = tpu.memref_squeeze %dma_start3A_142 : memref<1x128x128xf32, #tpu.memory_space<hbm>> -> memref<128x128xf32, #tpu.memory_space<hbm>>
      %dma_start3A_144 = tpu.memref_slice %arg2[%add3A_36, %mul3A_141, %mul3A_11] : memref<4x8192x2048xf32, #tpu.memory_space<hbm>> -> memref<1x128x128xf32, #tpu.memory_space<hbm>>
      %dma_start3A_145 = tpu.memref_squeeze %dma_start3A_144 : memref<1x128x128xf32, #tpu.memory_space<hbm>> -> memref<128x128xf32, #tpu.memory_space<hbm>>
      tpu.enqueue_dma source(%dma_start3A_145 : memref<128x128xf32, #tpu.memory_space<hbm>>) target(%arg5 : memref<128x128xf32, #tpu.memory_space<vmem>>) target_semaphore(%arg9 : memref<!tpu.dma_semaphore, #tpu.memory_space<semaphore_mem>>)
      %mul3A_146 = arith.constant 128 : i32
      %mul3A_147 = arith.muli %mul3A_137, %mul3A_146 : i32
      %dma_wait3A_148 = tpu.memref_slice %arg2[%add3A_36, %mul3A_147, %mul3A_11] : memref<4x8192x2048xf32, #tpu.memory_space<hbm>> -> memref<1x128x128xf32, #tpu.memory_space<hbm>>
      %dma_wait3A_149 = tpu.memref_squeeze %dma_wait3A_148 : memref<1x128x128xf32, #tpu.memory_space<hbm>> -> memref<128x128xf32, #tpu.memory_space<hbm>>
      %dma_wait3A_150 = tpu.memref_slice %arg2[%add3A_36, %mul3A_147, %mul3A_11] : memref<4x8192x2048xf32, #tpu.memory_space<hbm>> -> memref<1x128x128xf32, #tpu.memory_space<hbm>>
      %dma_wait3A_151 = tpu.memref_squeeze %dma_wait3A_150 : memref<1x128x128xf32, #tpu.memory_space<hbm>> -> memref<128x128xf32, #tpu.memory_space<hbm>>
      tpu.wait_dma2 semaphore(%arg8 : memref<!tpu.dma_semaphore, #tpu.memory_space<semaphore_mem>>) src(%dma_wait3A_151 : memref<128x128xf32, #tpu.memory_space<hbm>>) dst(%arg4 : memref<128x128xf32, #tpu.memory_space<vmem>>)
      %gt3A = arith.constant 0 : i32
      %gt3A_152 = arith.cmpi sgt, %scan3A_127, %gt3A : i32
      %convert_element_type3A = arith.extui %gt3A_152 : i1 to i32
      %cond3A = arith.constant 0 : i32
      %cond3A_153 = arith.cmpi ne, %convert_element_type3A, %cond3A : i32
      scf.if %cond3A_153 {
        %mul3A_202 = arith.constant 128 : i32
        %mul3A_203 = arith.muli %mul3A_137, %mul3A_202 : i32
        %dma_wait3A_204 = tpu.memref_slice %arg3[%add3A_36, %mul3A_203, %mul3A_11] : memref<4x8192x2048xf32, #tpu.memory_space<hbm>> -> memref<1x128x128xf32, #tpu.memory_space<hbm>>
        %dma_wait3A_205 = tpu.memref_squeeze %dma_wait3A_204 : memref<1x128x128xf32, #tpu.memory_space<hbm>> -> memref<128x128xf32, #tpu.memory_space<hbm>>
        %dma_wait3A_206 = tpu.memref_slice %arg3[%add3A_36, %mul3A_203, %mul3A_11] : memref<4x8192x2048xf32, #tpu.memory_space<hbm>> -> memref<1x128x128xf32, #tpu.memory_space<hbm>>
        %dma_wait3A_207 = tpu.memref_squeeze %dma_wait3A_206 : memref<1x128x128xf32, #tpu.memory_space<hbm>> -> memref<128x128xf32, #tpu.memory_space<hbm>>
        tpu.wait_dma2 semaphore(%arg10 : memref<!tpu.dma_semaphore, #tpu.memory_space<semaphore_mem>>) src(%arg6 : memref<128x128xf32, #tpu.memory_space<vmem>>) dst(%dma_wait3A_207 : memref<128x128xf32, #tpu.memory_space<hbm>>)
      } else {
      }
      %scan3A_154 = arith.constant 0 : i32
      %scan3A_155 = arith.constant 32 : i32
      %scan3A_156 = arith.addi %scan3A_154, %scan3A_155 : i32
      %scan3A_157 = arith.constant 1 : i32
      %scan3A_158:8 = scf.for %scan3A_202 = %scan3A_154 to %scan3A_156 step %scan3A_157 iter_args(%scan3A_203 = %scan3A_128, %scan3A_204 = %scan3A_129, %scan3A_205 = %scan3A_130, %scan3A_206 = %scan3A_131, %scan3A_207 = %scan3A_132, %scan3A_208 = %scan3A_133, %scan3A_209 = %scan3A_134, %scan3A_210 = %scan3A_135) -> (vector<16xf32>, vector<16xf32>, vector<16xf32>, vector<16xf32>, vector<16xf32>, vector<16xf32>, vector<16xf32>, vector<16xf32>)  : i32 {
        %mul3A_211 = arith.constant 4 : i32
        %mul3A_212 = arith.muli %scan3A_202, %mul3A_211 : i32
        %add3A_213 = arith.constant 0 : i32
        %add3A_214 = arith.addi %mul3A_212, %add3A_213 : i32
        %get3A = arith.index_cast %add3A_214 : i32 to index
        %get3A_215 = arith.constant 0 : index
        %get3A_216 = tpu.vector_load %arg4[%get3A, %get3A_215] {strides = array<i32>} : memref<128x128xf32, #tpu.memory_space<vmem>>, vector<1x16xf32>,
        %get3A_217 = vector.shape_cast %get3A_216 : vector<1x16xf32> to vector<16xf32>
        %add3A_218 = arith.addf %scan3A_203, %get3A_217 : vector<16xf32>
        %swap3A = arith.index_cast %add3A_214 : i32 to index
        %swap3A_219 = arith.constant 0 : index
        %swap3A_220 = tpu.vector_load %arg6[%swap3A, %swap3A_219] {strides = array<i32>} : memref<128x128xf32, #tpu.memory_space<vmem>>, vector<1x16xf32>,
        %swap3A_221 = vector.shape_cast %swap3A_220 : vector<1x16xf32> to vector<16xf32>
        %swap3A_222 = vector.shape_cast %add3A_218 : vector<16xf32> to vector<1x16xf32>
        tpu.vector_store %arg6[%swap3A, %swap3A_219], %swap3A_222 {strides = array<i32>} : memref<128x128xf32, #tpu.memory_space<vmem>>, vector<1x16xf32>,
        %get3A_223 = arith.index_cast %add3A_214 : i32 to index
        %get3A_224 = arith.constant 16 : index
        %get3A_225 = tpu.vector_load %arg4[%get3A_223, %get3A_224] {strides = array<i32>} : memref<128x128xf32, #tpu.memory_space<vmem>>, vector<1x16xf32>,
        %get3A_226 = vector.shape_cast %get3A_225 : vector<1x16xf32> to vector<16xf32>
        %add3A_227 = arith.addf %scan3A_204, %get3A_226 : vector<16xf32>
        %swap3A_228 = arith.index_cast %add3A_214 : i32 to index
        %swap3A_229 = arith.constant 16 : index
        %swap3A_230 = tpu.vector_load %arg6[%swap3A_228, %swap3A_229] {strides = array<i32>} : memref<128x128xf32, #tpu.memory_space<vmem>>, vector<1x16xf32>,
        %swap3A_231 = vector.shape_cast %swap3A_230 : vector<1x16xf32> to vector<16xf32>
        %swap3A_232 = vector.shape_cast %add3A_227 : vector<16xf32> to vector<1x16xf32>
        tpu.vector_store %arg6[%swap3A_228, %swap3A_229], %swap3A_232 {strides = array<i32>} : memref<128x128xf32, #tpu.memory_space<vmem>>, vector<1x16xf32>,
        %get3A_233 = arith.index_cast %add3A_214 : i32 to index
        %get3A_234 = arith.constant 32 : index
        %get3A_235 = tpu.vector_load %arg4[%get3A_233, %get3A_234] {strides = array<i32>} : memref<128x128xf32, #tpu.memory_space<vmem>>, vector<1x16xf32>,
        %get3A_236 = vector.shape_cast %get3A_235 : vector<1x16xf32> to vector<16xf32>
        %add3A_237 = arith.addf %scan3A_205, %get3A_236 : vector<16xf32>
        %swap3A_238 = arith.index_cast %add3A_214 : i32 to index
        %swap3A_239 = arith.constant 32 : index
        %swap3A_240 = tpu.vector_load %arg6[%swap3A_238, %swap3A_239] {strides = array<i32>} : memref<128x128xf32, #tpu.memory_space<vmem>>, vector<1x16xf32>,
        %swap3A_241 = vector.shape_cast %swap3A_240 : vector<1x16xf32> to vector<16xf32>
        %swap3A_242 = vector.shape_cast %add3A_237 : vector<16xf32> to vector<1x16xf32>
        tpu.vector_store %arg6[%swap3A_238, %swap3A_239], %swap3A_242 {strides = array<i32>} : memref<128x128xf32, #tpu.memory_space<vmem>>, vector<1x16xf32>,
        %get3A_243 = arith.index_cast %add3A_214 : i32 to index
        %get3A_244 = arith.constant 48 : index
        %get3A_245 = tpu.vector_load %arg4[%get3A_243, %get3A_244] {strides = array<i32>} : memref<128x128xf32, #tpu.memory_space<vmem>>, vector<1x16xf32>,
        %get3A_246 = vector.shape_cast %get3A_245 : vector<1x16xf32> to vector<16xf32>
        %add3A_247 = arith.addf %scan3A_206, %get3A_246 : vector<16xf32>
        %swap3A_248 = arith.index_cast %add3A_214 : i32 to index
        %swap3A_249 = arith.constant 48 : index
        %swap3A_250 = tpu.vector_load %arg6[%swap3A_248, %swap3A_249] {strides = array<i32>} : memref<128x128xf32, #tpu.memory_space<vmem>>, vector<1x16xf32>,
        %swap3A_251 = vector.shape_cast %swap3A_250 : vector<1x16xf32> to vector<16xf32>
        %swap3A_252 = vector.shape_cast %add3A_247 : vector<16xf32> to vector<1x16xf32>
        tpu.vector_store %arg6[%swap3A_248, %swap3A_249], %swap3A_252 {strides = array<i32>} : memref<128x128xf32, #tpu.memory_space<vmem>>, vector<1x16xf32>,
        %get3A_253 = arith.index_cast %add3A_214 : i32 to index
        %get3A_254 = arith.constant 64 : index
        %get3A_255 = tpu.vector_load %arg4[%get3A_253, %get3A_254] {strides = array<i32>} : memref<128x128xf32, #tpu.memory_space<vmem>>, vector<1x16xf32>,
        %get3A_256 = vector.shape_cast %get3A_255 : vector<1x16xf32> to vector<16xf32>
        %add3A_257 = arith.addf %scan3A_207, %get3A_256 : vector<16xf32>
        %swap3A_258 = arith.index_cast %add3A_214 : i32 to index
        %swap3A_259 = arith.constant 64 : index
        %swap3A_260 = tpu.vector_load %arg6[%swap3A_258, %swap3A_259] {strides = array<i32>} : memref<128x128xf32, #tpu.memory_space<vmem>>, vector<1x16xf32>,
        %swap3A_261 = vector.shape_cast %swap3A_260 : vector<1x16xf32> to vector<16xf32>
        %swap3A_262 = vector.shape_cast %add3A_257 : vector<16xf32> to vector<1x16xf32>
        tpu.vector_store %arg6[%swap3A_258, %swap3A_259], %swap3A_262 {strides = array<i32>} : memref<128x128xf32, #tpu.memory_space<vmem>>, vector<1x16xf32>,
        %get3A_263 = arith.index_cast %add3A_214 : i32 to index
        %get3A_264 = arith.constant 80 : index
        %get3A_265 = tpu.vector_load %arg4[%get3A_263, %get3A_264] {strides = array<i32>} : memref<128x128xf32, #tpu.memory_space<vmem>>, vector<1x16xf32>,
        %get3A_266 = vector.shape_cast %get3A_265 : vector<1x16xf32> to vector<16xf32>
        %add3A_267 = arith.addf %scan3A_208, %get3A_266 : vector<16xf32>
        %swap3A_268 = arith.index_cast %add3A_214 : i32 to index
        %swap3A_269 = arith.constant 80 : index
        %swap3A_270 = tpu.vector_load %arg6[%swap3A_268, %swap3A_269] {strides = array<i32>} : memref<128x128xf32, #tpu.memory_space<vmem>>, vector<1x16xf32>,
        %swap3A_271 = vector.shape_cast %swap3A_270 : vector<1x16xf32> to vector<16xf32>
        %swap3A_272 = vector.shape_cast %add3A_267 : vector<16xf32> to vector<1x16xf32>
        tpu.vector_store %arg6[%swap3A_268, %swap3A_269], %swap3A_272 {strides = array<i32>} : memref<128x128xf32, #tpu.memory_space<vmem>>, vector<1x16xf32>,
        %get3A_273 = arith.index_cast %add3A_214 : i32 to index
        %get3A_274 = arith.constant 96 : index
        %get3A_275 = tpu.vector_load %arg4[%get3A_273, %get3A_274] {strides = array<i32>} : memref<128x128xf32, #tpu.memory_space<vmem>>, vector<1x16xf32>,
        %get3A_276 = vector.shape_cast %get3A_275 : vector<1x16xf32> to vector<16xf32>
        %add3A_277 = arith.addf %scan3A_209, %get3A_276 : vector<16xf32>
        %swap3A_278 = arith.index_cast %add3A_214 : i32 to index
        %swap3A_279 = arith.constant 96 : index
        %swap3A_280 = tpu.vector_load %arg6[%swap3A_278, %swap3A_279] {strides = array<i32>} : memref<128x128xf32, #tpu.memory_space<vmem>>, vector<1x16xf32>,
        %swap3A_281 = vector.shape_cast %swap3A_280 : vector<1x16xf32> to vector<16xf32>
        %swap3A_282 = vector.shape_cast %add3A_277 : vector<16xf32> to vector<1x16xf32>
        tpu.vector_store %arg6[%swap3A_278, %swap3A_279], %swap3A_282 {strides = array<i32>} : memref<128x128xf32, #tpu.memory_space<vmem>>, vector<1x16xf32>,
        %get3A_283 = arith.index_cast %add3A_214 : i32 to index
        %get3A_284 = arith.constant 112 : index
        %get3A_285 = tpu.vector_load %arg4[%get3A_283, %get3A_284] {strides = array<i32>} : memref<128x128xf32, #tpu.memory_space<vmem>>, vector<1x16xf32>,
        %get3A_286 = vector.shape_cast %get3A_285 : vector<1x16xf32> to vector<16xf32>
        %add3A_287 = arith.addf %scan3A_210, %get3A_286 : vector<16xf32>
        %swap3A_288 = arith.index_cast %add3A_214 : i32 to index
        %swap3A_289 = arith.constant 112 : index
        %swap3A_290 = tpu.vector_load %arg6[%swap3A_288, %swap3A_289] {strides = array<i32>} : memref<128x128xf32, #tpu.memory_space<vmem>>, vector<1x16xf32>,
        %swap3A_291 = vector.shape_cast %swap3A_290 : vector<1x16xf32> to vector<16xf32>
        %swap3A_292 = vector.shape_cast %add3A_287 : vector<16xf32> to vector<1x16xf32>
        tpu.vector_store %arg6[%swap3A_288, %swap3A_289], %swap3A_292 {strides = array<i32>} : memref<128x128xf32, #tpu.memory_space<vmem>>, vector<1x16xf32>,
        %mul3A_293 = arith.constant 4 : i32
        %mul3A_294 = arith.muli %scan3A_202, %mul3A_293 : i32
        %add3A_295 = arith.constant 1 : i32
        %add3A_296 = arith.addi %mul3A_294, %add3A_295 : i32
        %get3A_297 = arith.index_cast %add3A_296 : i32 to index
        %get3A_298 = arith.constant 0 : index
        %get3A_299 = tpu.vector_load %arg4[%get3A_297, %get3A_298] {strides = array<i32>} : memref<128x128xf32, #tpu.memory_space<vmem>>, vector<1x16xf32>,
        %get3A_300 = vector.shape_cast %get3A_299 : vector<1x16xf32> to vector<16xf32>
        %add3A_301 = arith.addf %add3A_218, %get3A_300 : vector<16xf32>
        %swap3A_302 = arith.index_cast %add3A_296 : i32 to index
        %swap3A_303 = arith.constant 0 : index
        %swap3A_304 = tpu.vector_load %arg6[%swap3A_302, %swap3A_303] {strides = array<i32>} : memref<128x128xf32, #tpu.memory_space<vmem>>, vector<1x16xf32>,
        %swap3A_305 = vector.shape_cast %swap3A_304 : vector<1x16xf32> to vector<16xf32>
        %swap3A_306 = vector.shape_cast %add3A_301 : vector<16xf32> to vector<1x16xf32>
        tpu.vector_store %arg6[%swap3A_302, %swap3A_303], %swap3A_306 {strides = array<i32>} : memref<128x128xf32, #tpu.memory_space<vmem>>, vector<1x16xf32>,
        %get3A_307 = arith.index_cast %add3A_296 : i32 to index
        %get3A_308 = arith.constant 16 : index
        %get3A_309 = tpu.vector_load %arg4[%get3A_307, %get3A_308] {strides = array<i32>} : memref<128x128xf32, #tpu.memory_space<vmem>>, vector<1x16xf32>,
        %get3A_310 = vector.shape_cast %get3A_309 : vector<1x16xf32> to vector<16xf32>
        %add3A_311 = arith.addf %add3A_227, %get3A_310 : vector<16xf32>
        %swap3A_312 = arith.index_cast %add3A_296 : i32 to index
        %swap3A_313 = arith.constant 16 : index
        %swap3A_314 = tpu.vector_load %arg6[%swap3A_312, %swap3A_313] {strides = array<i32>} : memref<128x128xf32, #tpu.memory_space<vmem>>, vector<1x16xf32>,
        %swap3A_315 = vector.shape_cast %swap3A_314 : vector<1x16xf32> to vector<16xf32>
        %swap3A_316 = vector.shape_cast %add3A_311 : vector<16xf32> to vector<1x16xf32>
        tpu.vector_store %arg6[%swap3A_312, %swap3A_313], %swap3A_316 {strides = array<i32>} : memref<128x128xf32, #tpu.memory_space<vmem>>, vector<1x16xf32>,
        %get3A_317 = arith.index_cast %add3A_296 : i32 to index
        %get3A_318 = arith.constant 32 : index
        %get3A_319 = tpu.vector_load %arg4[%get3A_317, %get3A_318] {strides = array<i32>} : memref<128x128xf32, #tpu.memory_space<vmem>>, vector<1x16xf32>,
        %get3A_320 = vector.shape_cast %get3A_319 : vector<1x16xf32> to vector<16xf32>
        %add3A_321 = arith.addf %add3A_237, %get3A_320 : vector<16xf32>
        %swap3A_322 = arith.index_cast %add3A_296 : i32 to index
        %swap3A_323 = arith.constant 32 : index
        %swap3A_324 = tpu.vector_load %arg6[%swap3A_322, %swap3A_323] {strides = array<i32>} : memref<128x128xf32, #tpu.memory_space<vmem>>, vector<1x16xf32>,
        %swap3A_325 = vector.shape_cast %swap3A_324 : vector<1x16xf32> to vector<16xf32>
        %swap3A_326 = vector.shape_cast %add3A_321 : vector<16xf32> to vector<1x16xf32>
        tpu.vector_store %arg6[%swap3A_322, %swap3A_323], %swap3A_326 {strides = array<i32>} : memref<128x128xf32, #tpu.memory_space<vmem>>, vector<1x16xf32>,
        %get3A_327 = arith.index_cast %add3A_296 : i32 to index
        %get3A_328 = arith.constant 48 : index
        %get3A_329 = tpu.vector_load %arg4[%get3A_327, %get3A_328] {strides = array<i32>} : memref<128x128xf32, #tpu.memory_space<vmem>>, vector<1x16xf32>,
        %get3A_330 = vector.shape_cast %get3A_329 : vector<1x16xf32> to vector<16xf32>
        %add3A_331 = arith.addf %add3A_247, %get3A_330 : vector<16xf32>
        %swap3A_332 = arith.index_cast %add3A_296 : i32 to index
        %swap3A_333 = arith.constant 48 : index
        %swap3A_334 = tpu.vector_load %arg6[%swap3A_332, %swap3A_333] {strides = array<i32>} : memref<128x128xf32, #tpu.memory_space<vmem>>, vector<1x16xf32>,
        %swap3A_335 = vector.shape_cast %swap3A_334 : vector<1x16xf32> to vector<16xf32>
        %swap3A_336 = vector.shape_cast %add3A_331 : vector<16xf32> to vector<1x16xf32>
        tpu.vector_store %arg6[%swap3A_332, %swap3A_333], %swap3A_336 {strides = array<i32>} : memref<128x128xf32, #tpu.memory_space<vmem>>, vector<1x16xf32>,
        %get3A_337 = arith.index_cast %add3A_296 : i32 to index
        %get3A_338 = arith.constant 64 : index
        %get3A_339 = tpu.vector_load %arg4[%get3A_337, %get3A_338] {strides = array<i32>} : memref<128x128xf32, #tpu.memory_space<vmem>>, vector<1x16xf32>,
        %get3A_340 = vector.shape_cast %get3A_339 : vector<1x16xf32> to vector<16xf32>
        %add3A_341 = arith.addf %add3A_257, %get3A_340 : vector<16xf32>
        %swap3A_342 = arith.index_cast %add3A_296 : i32 to index
        %swap3A_343 = arith.constant 64 : index
        %swap3A_344 = tpu.vector_load %arg6[%swap3A_342, %swap3A_343] {strides = array<i32>} : memref<128x128xf32, #tpu.memory_space<vmem>>, vector<1x16xf32>,
        %swap3A_345 = vector.shape_cast %swap3A_344 : vector<1x16xf32> to vector<16xf32>
        %swap3A_346 = vector.shape_cast %add3A_341 : vector<16xf32> to vector<1x16xf32>
        tpu.vector_store %arg6[%swap3A_342, %swap3A_343], %swap3A_346 {strides = array<i32>} : memref<128x128xf32, #tpu.memory_space<vmem>>, vector<1x16xf32>,
        %get3A_347 = arith.index_cast %add3A_296 : i32 to index
        %get3A_348 = arith.constant 80 : index
        %get3A_349 = tpu.vector_load %arg4[%get3A_347, %get3A_348] {strides = array<i32>} : memref<128x128xf32, #tpu.memory_space<vmem>>, vector<1x16xf32>,
        %get3A_350 = vector.shape_cast %get3A_349 : vector<1x16xf32> to vector<16xf32>
        %add3A_351 = arith.addf %add3A_267, %get3A_350 : vector<16xf32>
        %swap3A_352 = arith.index_cast %add3A_296 : i32 to index
        %swap3A_353 = arith.constant 80 : index
        %swap3A_354 = tpu.vector_load %arg6[%swap3A_352, %swap3A_353] {strides = array<i32>} : memref<128x128xf32, #tpu.memory_space<vmem>>, vector<1x16xf32>,
        %swap3A_355 = vector.shape_cast %swap3A_354 : vector<1x16xf32> to vector<16xf32>
        %swap3A_356 = vector.shape_cast %add3A_351 : vector<16xf32> to vector<1x16xf32>
        tpu.vector_store %arg6[%swap3A_352, %swap3A_353], %swap3A_356 {strides = array<i32>} : memref<128x128xf32, #tpu.memory_space<vmem>>, vector<1x16xf32>,
        %get3A_357 = arith.index_cast %add3A_296 : i32 to index
        %get3A_358 = arith.constant 96 : index
        %get3A_359 = tpu.vector_load %arg4[%get3A_357, %get3A_358] {strides = array<i32>} : memref<128x128xf32, #tpu.memory_space<vmem>>, vector<1x16xf32>,
        %get3A_360 = vector.shape_cast %get3A_359 : vector<1x16xf32> to vector<16xf32>
        %add3A_361 = arith.addf %add3A_277, %get3A_360 : vector<16xf32>
        %swap3A_362 = arith.index_cast %add3A_296 : i32 to index
        %swap3A_363 = arith.constant 96 : index
        %swap3A_364 = tpu.vector_load %arg6[%swap3A_362, %swap3A_363] {strides = array<i32>} : memref<128x128xf32, #tpu.memory_space<vmem>>, vector<1x16xf32>,
        %swap3A_365 = vector.shape_cast %swap3A_364 : vector<1x16xf32> to vector<16xf32>
        %swap3A_366 = vector.shape_cast %add3A_361 : vector<16xf32> to vector<1x16xf32>
        tpu.vector_store %arg6[%swap3A_362, %swap3A_363], %swap3A_366 {strides = array<i32>} : memref<128x128xf32, #tpu.memory_space<vmem>>, vector<1x16xf32>,
        %get3A_367 = arith.index_cast %add3A_296 : i32 to index
        %get3A_368 = arith.constant 112 : index
        %get3A_369 = tpu.vector_load %arg4[%get3A_367, %get3A_368] {strides = array<i32>} : memref<128x128xf32, #tpu.memory_space<vmem>>, vector<1x16xf32>,
        %get3A_370 = vector.shape_cast %get3A_369 : vector<1x16xf32> to vector<16xf32>
        %add3A_371 = arith.addf %add3A_287, %get3A_370 : vector<16xf32>
        %swap3A_372 = arith.index_cast %add3A_296 : i32 to index
        %swap3A_373 = arith.constant 112 : index
        %swap3A_374 = tpu.vector_load %arg6[%swap3A_372, %swap3A_373] {strides = array<i32>} : memref<128x128xf32, #tpu.memory_space<vmem>>, vector<1x16xf32>,
        %swap3A_375 = vector.shape_cast %swap3A_374 : vector<1x16xf32> to vector<16xf32>
        %swap3A_376 = vector.shape_cast %add3A_371 : vector<16xf32> to vector<1x16xf32>
        tpu.vector_store %arg6[%swap3A_372, %swap3A_373], %swap3A_376 {strides = array<i32>} : memref<128x128xf32, #tpu.memory_space<vmem>>, vector<1x16xf32>,
        %mul3A_377 = arith.constant 4 : i32
        %mul3A_378 = arith.muli %scan3A_202, %mul3A_377 : i32
        %add3A_379 = arith.constant 2 : i32
        %add3A_380 = arith.addi %mul3A_378, %add3A_379 : i32
        %get3A_381 = arith.index_cast %add3A_380 : i32 to index
        %get3A_382 = arith.constant 0 : index
        %get3A_383 = tpu.vector_load %arg4[%get3A_381, %get3A_382] {strides = array<i32>} : memref<128x128xf32, #tpu.memory_space<vmem>>, vector<1x16xf32>,
        %get3A_384 = vector.shape_cast %get3A_383 : vector<1x16xf32> to vector<16xf32>
        %add3A_385 = arith.addf %add3A_301, %get3A_384 : vector<16xf32>
        %swap3A_386 = arith.index_cast %add3A_380 : i32 to index
        %swap3A_387 = arith.constant 0 : index
        %swap3A_388 = tpu.vector_load %arg6[%swap3A_386, %swap3A_387] {strides = array<i32>} : memref<128x128xf32, #tpu.memory_space<vmem>>, vector<1x16xf32>,
        %swap3A_389 = vector.shape_cast %swap3A_388 : vector<1x16xf32> to vector<16xf32>
        %swap3A_390 = vector.shape_cast %add3A_385 : vector<16xf32> to vector<1x16xf32>
        tpu.vector_store %arg6[%swap3A_386, %swap3A_387], %swap3A_390 {strides = array<i32>} : memref<128x128xf32, #tpu.memory_space<vmem>>, vector<1x16xf32>,
        %get3A_391 = arith.index_cast %add3A_380 : i32 to index
        %get3A_392 = arith.constant 16 : index
        %get3A_393 = tpu.vector_load %arg4[%get3A_391, %get3A_392] {strides = array<i32>} : memref<128x128xf32, #tpu.memory_space<vmem>>, vector<1x16xf32>,
        %get3A_394 = vector.shape_cast %get3A_393 : vector<1x16xf32> to vector<16xf32>
        %add3A_395 = arith.addf %add3A_311, %get3A_394 : vector<16xf32>
        %swap3A_396 = arith.index_cast %add3A_380 : i32 to index
        %swap3A_397 = arith.constant 16 : index
        %swap3A_398 = tpu.vector_load %arg6[%swap3A_396, %swap3A_397] {strides = array<i32>} : memref<128x128xf32, #tpu.memory_space<vmem>>, vector<1x16xf32>,
        %swap3A_399 = vector.shape_cast %swap3A_398 : vector<1x16xf32> to vector<16xf32>
        %swap3A_400 = vector.shape_cast %add3A_395 : vector<16xf32> to vector<1x16xf32>
        tpu.vector_store %arg6[%swap3A_396, %swap3A_397], %swap3A_400 {strides = array<i32>} : memref<128x128xf32, #tpu.memory_space<vmem>>, vector<1x16xf32>,
        %get3A_401 = arith.index_cast %add3A_380 : i32 to index
        %get3A_402 = arith.constant 32 : index
        %get3A_403 = tpu.vector_load %arg4[%get3A_401, %get3A_402] {strides = array<i32>} : memref<128x128xf32, #tpu.memory_space<vmem>>, vector<1x16xf32>,
        %get3A_404 = vector.shape_cast %get3A_403 : vector<1x16xf32> to vector<16xf32>
        %add3A_405 = arith.addf %add3A_321, %get3A_404 : vector<16xf32>
        %swap3A_406 = arith.index_cast %add3A_380 : i32 to index
        %swap3A_407 = arith.constant 32 : index
        %swap3A_408 = tpu.vector_load %arg6[%swap3A_406, %swap3A_407] {strides = array<i32>} : memref<128x128xf32, #tpu.memory_space<vmem>>, vector<1x16xf32>,
        %swap3A_409 = vector.shape_cast %swap3A_408 : vector<1x16xf32> to vector<16xf32>
        %swap3A_410 = vector.shape_cast %add3A_405 : vector<16xf32> to vector<1x16xf32>
        tpu.vector_store %arg6[%swap3A_406, %swap3A_407], %swap3A_410 {strides = array<i32>} : memref<128x128xf32, #tpu.memory_space<vmem>>, vector<1x16xf32>,
        %get3A_411 = arith.index_cast %add3A_380 : i32 to index
        %get3A_412 = arith.constant 48 : index
        %get3A_413 = tpu.vector_load %arg4[%get3A_411, %get3A_412] {strides = array<i32>} : memref<128x128xf32, #tpu.memory_space<vmem>>, vector<1x16xf32>,
        %get3A_414 = vector.shape_cast %get3A_413 : vector<1x16xf32> to vector<16xf32>
        %add3A_415 = arith.addf %add3A_331, %get3A_414 : vector<16xf32>
        %swap3A_416 = arith.index_cast %add3A_380 : i32 to index
        %swap3A_417 = arith.constant 48 : index
        %swap3A_418 = tpu.vector_load %arg6[%swap3A_416, %swap3A_417] {strides = array<i32>} : memref<128x128xf32, #tpu.memory_space<vmem>>, vector<1x16xf32>,
        %swap3A_419 = vector.shape_cast %swap3A_418 : vector<1x16xf32> to vector<16xf32>
        %swap3A_420 = vector.shape_cast %add3A_415 : vector<16xf32> to vector<1x16xf32>
        tpu.vector_store %arg6[%swap3A_416, %swap3A_417], %swap3A_420 {strides = array<i32>} : memref<128x128xf32, #tpu.memory_space<vmem>>, vector<1x16xf32>,
        %get3A_421 = arith.index_cast %add3A_380 : i32 to index
        %get3A_422 = arith.constant 64 : index
        %get3A_423 = tpu.vector_load %arg4[%get3A_421, %get3A_422] {strides = array<i32>} : memref<128x128xf32, #tpu.memory_space<vmem>>, vector<1x16xf32>,
        %get3A_424 = vector.shape_cast %get3A_423 : vector<1x16xf32> to vector<16xf32>
        %add3A_425 = arith.addf %add3A_341, %get3A_424 : vector<16xf32>
        %swap3A_426 = arith.index_cast %add3A_380 : i32 to index
        %swap3A_427 = arith.constant 64 : index
        %swap3A_428 = tpu.vector_load %arg6[%swap3A_426, %swap3A_427] {strides = array<i32>} : memref<128x128xf32, #tpu.memory_space<vmem>>, vector<1x16xf32>,
        %swap3A_429 = vector.shape_cast %swap3A_428 : vector<1x16xf32> to vector<16xf32>
        %swap3A_430 = vector.shape_cast %add3A_425 : vector<16xf32> to vector<1x16xf32>
        tpu.vector_store %arg6[%swap3A_426, %swap3A_427], %swap3A_430 {strides = array<i32>} : memref<128x128xf32, #tpu.memory_space<vmem>>, vector<1x16xf32>,
        %get3A_431 = arith.index_cast %add3A_380 : i32 to index
        %get3A_432 = arith.constant 80 : index
        %get3A_433 = tpu.vector_load %arg4[%get3A_431, %get3A_432] {strides = array<i32>} : memref<128x128xf32, #tpu.memory_space<vmem>>, vector<1x16xf32>,
        %get3A_434 = vector.shape_cast %get3A_433 : vector<1x16xf32> to vector<16xf32>
        %add3A_435 = arith.addf %add3A_351, %get3A_434 : vector<16xf32>
        %swap3A_436 = arith.index_cast %add3A_380 : i32 to index
        %swap3A_437 = arith.constant 80 : index
        %swap3A_438 = tpu.vector_load %arg6[%swap3A_436, %swap3A_437] {strides = array<i32>} : memref<128x128xf32, #tpu.memory_space<vmem>>, vector<1x16xf32>,
        %swap3A_439 = vector.shape_cast %swap3A_438 : vector<1x16xf32> to vector<16xf32>
        %swap3A_440 = vector.shape_cast %add3A_435 : vector<16xf32> to vector<1x16xf32>
        tpu.vector_store %arg6[%swap3A_436, %swap3A_437], %swap3A_440 {strides = array<i32>} : memref<128x128xf32, #tpu.memory_space<vmem>>, vector<1x16xf32>,
        %get3A_441 = arith.index_cast %add3A_380 : i32 to index
        %get3A_442 = arith.constant 96 : index
        %get3A_443 = tpu.vector_load %arg4[%get3A_441, %get3A_442] {strides = array<i32>} : memref<128x128xf32, #tpu.memory_space<vmem>>, vector<1x16xf32>,
        %get3A_444 = vector.shape_cast %get3A_443 : vector<1x16xf32> to vector<16xf32>
        %add3A_445 = arith.addf %add3A_361, %get3A_444 : vector<16xf32>
        %swap3A_446 = arith.index_cast %add3A_380 : i32 to index
        %swap3A_447 = arith.constant 96 : index
        %swap3A_448 = tpu.vector_load %arg6[%swap3A_446, %swap3A_447] {strides = array<i32>} : memref<128x128xf32, #tpu.memory_space<vmem>>, vector<1x16xf32>,
        %swap3A_449 = vector.shape_cast %swap3A_448 : vector<1x16xf32> to vector<16xf32>
        %swap3A_450 = vector.shape_cast %add3A_445 : vector<16xf32> to vector<1x16xf32>
        tpu.vector_store %arg6[%swap3A_446, %swap3A_447], %swap3A_450 {strides = array<i32>} : memref<128x128xf32, #tpu.memory_space<vmem>>, vector<1x16xf32>,
        %get3A_451 = arith.index_cast %add3A_380 : i32 to index
        %get3A_452 = arith.constant 112 : index
        %get3A_453 = tpu.vector_load %arg4[%get3A_451, %get3A_452] {strides = array<i32>} : memref<128x128xf32, #tpu.memory_space<vmem>>, vector<1x16xf32>,
        %get3A_454 = vector.shape_cast %get3A_453 : vector<1x16xf32> to vector<16xf32>
        %add3A_455 = arith.addf %add3A_371, %get3A_454 : vector<16xf32>
        %swap3A_456 = arith.index_cast %add3A_380 : i32 to index
        %swap3A_457 = arith.constant 112 : index
        %swap3A_458 = tpu.vector_load %arg6[%swap3A_456, %swap3A_457] {strides = array<i32>} : memref<128x128xf32, #tpu.memory_space<vmem>>, vector<1x16xf32>,
        %swap3A_459 = vector.shape_cast %swap3A_458 : vector<1x16xf32> to vector<16xf32>
        %swap3A_460 = vector.shape_cast %add3A_455 : vector<16xf32> to vector<1x16xf32>
        tpu.vector_store %arg6[%swap3A_456, %swap3A_457], %swap3A_460 {strides = array<i32>} : memref<128x128xf32, #tpu.memory_space<vmem>>, vector<1x16xf32>,
        %mul3A_461 = arith.constant 4 : i32
        %mul3A_462 = arith.muli %scan3A_202, %mul3A_461 : i32
        %add3A_463 = arith.constant 3 : i32
        %add3A_464 = arith.addi %mul3A_462, %add3A_463 : i32
        %get3A_465 = arith.index_cast %add3A_464 : i32 to index
        %get3A_466 = arith.constant 0 : index
        %get3A_467 = tpu.vector_load %arg4[%get3A_465, %get3A_466] {strides = array<i32>} : memref<128x128xf32, #tpu.memory_space<vmem>>, vector<1x16xf32>,
        %get3A_468 = vector.shape_cast %get3A_467 : vector<1x16xf32> to vector<16xf32>
        %add3A_469 = arith.addf %add3A_385, %get3A_468 : vector<16xf32>
        %swap3A_470 = arith.index_cast %add3A_464 : i32 to index
        %swap3A_471 = arith.constant 0 : index
        %swap3A_472 = tpu.vector_load %arg6[%swap3A_470, %swap3A_471] {strides = array<i32>} : memref<128x128xf32, #tpu.memory_space<vmem>>, vector<1x16xf32>,
        %swap3A_473 = vector.shape_cast %swap3A_472 : vector<1x16xf32> to vector<16xf32>
        %swap3A_474 = vector.shape_cast %add3A_469 : vector<16xf32> to vector<1x16xf32>
        tpu.vector_store %arg6[%swap3A_470, %swap3A_471], %swap3A_474 {strides = array<i32>} : memref<128x128xf32, #tpu.memory_space<vmem>>, vector<1x16xf32>,
        %get3A_475 = arith.index_cast %add3A_464 : i32 to index
        %get3A_476 = arith.constant 16 : index
        %get3A_477 = tpu.vector_load %arg4[%get3A_475, %get3A_476] {strides = array<i32>} : memref<128x128xf32, #tpu.memory_space<vmem>>, vector<1x16xf32>,
        %get3A_478 = vector.shape_cast %get3A_477 : vector<1x16xf32> to vector<16xf32>
        %add3A_479 = arith.addf %add3A_395, %get3A_478 : vector<16xf32>
        %swap3A_480 = arith.index_cast %add3A_464 : i32 to index
        %swap3A_481 = arith.constant 16 : index
        %swap3A_482 = tpu.vector_load %arg6[%swap3A_480, %swap3A_481] {strides = array<i32>} : memref<128x128xf32, #tpu.memory_space<vmem>>, vector<1x16xf32>,
        %swap3A_483 = vector.shape_cast %swap3A_482 : vector<1x16xf32> to vector<16xf32>
        %swap3A_484 = vector.shape_cast %add3A_479 : vector<16xf32> to vector<1x16xf32>
        tpu.vector_store %arg6[%swap3A_480, %swap3A_481], %swap3A_484 {strides = array<i32>} : memref<128x128xf32, #tpu.memory_space<vmem>>, vector<1x16xf32>,
        %get3A_485 = arith.index_cast %add3A_464 : i32 to index
        %get3A_486 = arith.constant 32 : index
        %get3A_487 = tpu.vector_load %arg4[%get3A_485, %get3A_486] {strides = array<i32>} : memref<128x128xf32, #tpu.memory_space<vmem>>, vector<1x16xf32>,
        %get3A_488 = vector.shape_cast %get3A_487 : vector<1x16xf32> to vector<16xf32>
        %add3A_489 = arith.addf %add3A_405, %get3A_488 : vector<16xf32>
        %swap3A_490 = arith.index_cast %add3A_464 : i32 to index
        %swap3A_491 = arith.constant 32 : index
        %swap3A_492 = tpu.vector_load %arg6[%swap3A_490, %swap3A_491] {strides = array<i32>} : memref<128x128xf32, #tpu.memory_space<vmem>>, vector<1x16xf32>,
        %swap3A_493 = vector.shape_cast %swap3A_492 : vector<1x16xf32> to vector<16xf32>
        %swap3A_494 = vector.shape_cast %add3A_489 : vector<16xf32> to vector<1x16xf32>
        tpu.vector_store %arg6[%swap3A_490, %swap3A_491], %swap3A_494 {strides = array<i32>} : memref<128x128xf32, #tpu.memory_space<vmem>>, vector<1x16xf32>,
        %get3A_495 = arith.index_cast %add3A_464 : i32 to index
        %get3A_496 = arith.constant 48 : index
        %get3A_497 = tpu.vector_load %arg4[%get3A_495, %get3A_496] {strides = array<i32>} : memref<128x128xf32, #tpu.memory_space<vmem>>, vector<1x16xf32>,
        %get3A_498 = vector.shape_cast %get3A_497 : vector<1x16xf32> to vector<16xf32>
        %add3A_499 = arith.addf %add3A_415, %get3A_498 : vector<16xf32>
        %swap3A_500 = arith.index_cast %add3A_464 : i32 to index
        %swap3A_501 = arith.constant 48 : index
        %swap3A_502 = tpu.vector_load %arg6[%swap3A_500, %swap3A_501] {strides = array<i32>} : memref<128x128xf32, #tpu.memory_space<vmem>>, vector<1x16xf32>,
        %swap3A_503 = vector.shape_cast %swap3A_502 : vector<1x16xf32> to vector<16xf32>
        %swap3A_504 = vector.shape_cast %add3A_499 : vector<16xf32> to vector<1x16xf32>
        tpu.vector_store %arg6[%swap3A_500, %swap3A_501], %swap3A_504 {strides = array<i32>} : memref<128x128xf32, #tpu.memory_space<vmem>>, vector<1x16xf32>,
        %get3A_505 = arith.index_cast %add3A_464 : i32 to index
        %get3A_506 = arith.constant 64 : index
        %get3A_507 = tpu.vector_load %arg4[%get3A_505, %get3A_506] {strides = array<i32>} : memref<128x128xf32, #tpu.memory_space<vmem>>, vector<1x16xf32>,
        %get3A_508 = vector.shape_cast %get3A_507 : vector<1x16xf32> to vector<16xf32>
        %add3A_509 = arith.addf %add3A_425, %get3A_508 : vector<16xf32>
        %swap3A_510 = arith.index_cast %add3A_464 : i32 to index
        %swap3A_511 = arith.constant 64 : index
        %swap3A_512 = tpu.vector_load %arg6[%swap3A_510, %swap3A_511] {strides = array<i32>} : memref<128x128xf32, #tpu.memory_space<vmem>>, vector<1x16xf32>,
        %swap3A_513 = vector.shape_cast %swap3A_512 : vector<1x16xf32> to vector<16xf32>
        %swap3A_514 = vector.shape_cast %add3A_509 : vector<16xf32> to vector<1x16xf32>
        tpu.vector_store %arg6[%swap3A_510, %swap3A_511], %swap3A_514 {strides = array<i32>} : memref<128x128xf32, #tpu.memory_space<vmem>>, vector<1x16xf32>,
        %get3A_515 = arith.index_cast %add3A_464 : i32 to index
        %get3A_516 = arith.constant 80 : index
        %get3A_517 = tpu.vector_load %arg4[%get3A_515, %get3A_516] {strides = array<i32>} : memref<128x128xf32, #tpu.memory_space<vmem>>, vector<1x16xf32>,
        %get3A_518 = vector.shape_cast %get3A_517 : vector<1x16xf32> to vector<16xf32>
        %add3A_519 = arith.addf %add3A_435, %get3A_518 : vector<16xf32>
        %swap3A_520 = arith.index_cast %add3A_464 : i32 to index
        %swap3A_521 = arith.constant 80 : index
        %swap3A_522 = tpu.vector_load %arg6[%swap3A_520, %swap3A_521] {strides = array<i32>} : memref<128x128xf32, #tpu.memory_space<vmem>>, vector<1x16xf32>,
        %swap3A_523 = vector.shape_cast %swap3A_522 : vector<1x16xf32> to vector<16xf32>
        %swap3A_524 = vector.shape_cast %add3A_519 : vector<16xf32> to vector<1x16xf32>
        tpu.vector_store %arg6[%swap3A_520, %swap3A_521], %swap3A_524 {strides = array<i32>} : memref<128x128xf32, #tpu.memory_space<vmem>>, vector<1x16xf32>,
        %get3A_525 = arith.index_cast %add3A_464 : i32 to index
        %get3A_526 = arith.constant 96 : index
        %get3A_527 = tpu.vector_load %arg4[%get3A_525, %get3A_526] {strides = array<i32>} : memref<128x128xf32, #tpu.memory_space<vmem>>, vector<1x16xf32>,
        %get3A_528 = vector.shape_cast %get3A_527 : vector<1x16xf32> to vector<16xf32>
        %add3A_529 = arith.addf %add3A_445, %get3A_528 : vector<16xf32>
        %swap3A_530 = arith.index_cast %add3A_464 : i32 to index
        %swap3A_531 = arith.constant 96 : index
        %swap3A_532 = tpu.vector_load %arg6[%swap3A_530, %swap3A_531] {strides = array<i32>} : memref<128x128xf32, #tpu.memory_space<vmem>>, vector<1x16xf32>,
        %swap3A_533 = vector.shape_cast %swap3A_532 : vector<1x16xf32> to vector<16xf32>
        %swap3A_534 = vector.shape_cast %add3A_529 : vector<16xf32> to vector<1x16xf32>
        tpu.vector_store %arg6[%swap3A_530, %swap3A_531], %swap3A_534 {strides = array<i32>} : memref<128x128xf32, #tpu.memory_space<vmem>>, vector<1x16xf32>,
        %get3A_535 = arith.index_cast %add3A_464 : i32 to index
        %get3A_536 = arith.constant 112 : index
        %get3A_537 = tpu.vector_load %arg4[%get3A_535, %get3A_536] {strides = array<i32>} : memref<128x128xf32, #tpu.memory_space<vmem>>, vector<1x16xf32>,
        %get3A_538 = vector.shape_cast %get3A_537 : vector<1x16xf32> to vector<16xf32>
        %add3A_539 = arith.addf %add3A_455, %get3A_538 : vector<16xf32>
        %swap3A_540 = arith.index_cast %add3A_464 : i32 to index
        %swap3A_541 = arith.constant 112 : index
        %swap3A_542 = tpu.vector_load %arg6[%swap3A_540, %swap3A_541] {strides = array<i32>} : memref<128x128xf32, #tpu.memory_space<vmem>>, vector<1x16xf32>,
        %swap3A_543 = vector.shape_cast %swap3A_542 : vector<1x16xf32> to vector<16xf32>
        %swap3A_544 = vector.shape_cast %add3A_539 : vector<16xf32> to vector<1x16xf32>
        tpu.vector_store %arg6[%swap3A_540, %swap3A_541], %swap3A_544 {strides = array<i32>} : memref<128x128xf32, #tpu.memory_space<vmem>>, vector<1x16xf32>,
        scf.yield %add3A_469, %add3A_479, %add3A_489, %add3A_499, %add3A_509, %add3A_519, %add3A_529, %add3A_539 : vector<16xf32>, vector<16xf32>, vector<16xf32>, vector<16xf32>, vector<16xf32>, vector<16xf32>, vector<16xf32>, vector<16xf32>
      }
      %scan3A_159 = arith.constant 32 : i32
      %mul3A_160 = arith.constant 128 : i32
      %mul3A_161 = arith.muli %mul3A_137, %mul3A_160 : i32
      %dma_start3A_162 = tpu.memref_slice %arg3[%add3A_36, %mul3A_161, %mul3A_11] : memref<4x8192x2048xf32, #tpu.memory_space<hbm>> -> memref<1x128x128xf32, #tpu.memory_space<hbm>>
      %dma_start3A_163 = tpu.memref_squeeze %dma_start3A_162 : memref<1x128x128xf32, #tpu.memory_space<hbm>> -> memref<128x128xf32, #tpu.memory_space<hbm>>
      %dma_start3A_164 = tpu.memref_slice %arg3[%add3A_36, %mul3A_161, %mul3A_11] : memref<4x8192x2048xf32, #tpu.memory_space<hbm>> -> memref<1x128x128xf32, #tpu.memory_space<hbm>>
      %dma_start3A_165 = tpu.memref_squeeze %dma_start3A_164 : memref<1x128x128xf32, #tpu.memory_space<hbm>> -> memref<128x128xf32, #tpu.memory_space<hbm>>
      tpu.enqueue_dma source(%arg6 : memref<128x128xf32, #tpu.memory_space<vmem>>) target(%dma_start3A_165 : memref<128x128xf32, #tpu.memory_space<hbm>>) target_semaphore(%arg10 : memref<!tpu.dma_semaphore, #tpu.memory_space<semaphore_mem>>)
      %add3A_166 = arith.constant 2 : i32
      %add3A_167 = arith.addi %mul3A_137, %add3A_166 : i32
      %min3A = arith.constant 63 : i32
      %min3A_168 = arith.minsi %add3A_167, %min3A : i32
      %mul3A_169 = arith.constant 128 : i32
      %mul3A_170 = arith.muli %min3A_168, %mul3A_169 : i32
      %dma_start3A_171 = tpu.memref_slice %arg2[%add3A_36, %mul3A_170, %mul3A_11] : memref<4x8192x2048xf32, #tpu.memory_space<hbm>> -> memref<1x128x128xf32, #tpu.memory_space<hbm>>
      %dma_start3A_172 = tpu.memref_squeeze %dma_start3A_171 : memref<1x128x128xf32, #tpu.memory_space<hbm>> -> memref<128x128xf32, #tpu.memory_space<hbm>>
      %dma_start3A_173 = tpu.memref_slice %arg2[%add3A_36, %mul3A_170, %mul3A_11] : memref<4x8192x2048xf32, #tpu.memory_space<hbm>> -> memref<1x128x128xf32, #tpu.memory_space<hbm>>
      %dma_start3A_174 = tpu.memref_squeeze %dma_start3A_173 : memref<1x128x128xf32, #tpu.memory_space<hbm>> -> memref<128x128xf32, #tpu.memory_space<hbm>>
      tpu.enqueue_dma source(%dma_start3A_174 : memref<128x128xf32, #tpu.memory_space<hbm>>) target(%arg4 : memref<128x128xf32, #tpu.memory_space<vmem>>) target_semaphore(%arg8 : memref<!tpu.dma_semaphore, #tpu.memory_space<semaphore_mem>>)
      %add3A_175 = arith.constant 1 : i32
      %add3A_176 = arith.addi %mul3A_137, %add3A_175 : i32
      %mul3A_177 = arith.constant 128 : i32
      %mul3A_178 = arith.muli %add3A_176, %mul3A_177 : i32
      %dma_wait3A_179 = tpu.memref_slice %arg2[%add3A_36, %mul3A_178, %mul3A_11] : memref<4x8192x2048xf32, #tpu.memory_space<hbm>> -> memref<1x128x128xf32, #tpu.memory_space<hbm>>
      %dma_wait3A_180 = tpu.memref_squeeze %dma_wait3A_179 : memref<1x128x128xf32, #tpu.memory_space<hbm>> -> memref<128x128xf32, #tpu.memory_space<hbm>>
      %dma_wait3A_181 = tpu.memref_slice %arg2[%add3A_36, %mul3A_178, %mul3A_11] : memref<4x8192x2048xf32, #tpu.memory_space<hbm>> -> memref<1x128x128xf32, #tpu.memory_space<hbm>>
      %dma_wait3A_182 = tpu.memref_squeeze %dma_wait3A_181 : memref<1x128x128xf32, #tpu.memory_space<hbm>> -> memref<128x128xf32, #tpu.memory_space<hbm>>
      tpu.wait_dma2 semaphore(%arg9 : memref<!tpu.dma_semaphore, #tpu.memory_space<semaphore_mem>>) src(%dma_wait3A_182 : memref<128x128xf32, #tpu.memory_space<hbm>>) dst(%arg5 : memref<128x128xf32, #tpu.memory_space<vmem>>)
      %gt3A_183 = arith.constant 0 : i32
      %gt3A_184 = arith.cmpi sgt, %scan3A_127, %gt3A_183 : i32
      %convert_element_type3A_185 = arith.extui %gt3A_184 : i1 to i32
      %cond3A_186 = arith.constant 0 : i32
      %cond3A_187 = arith.cmpi ne, %convert_element_type3A_185, %cond3A_186 : i32
      scf.if %cond3A_187 {
        %add3A_202 = arith.constant 1 : i32
        %add3A_203 = arith.addi %mul3A_137, %add3A_202 : i32
        %mul3A_204 = arith.constant 128 : i32
        %mul3A_205 = arith.muli %add3A_203, %mul3A_204 : i32
        %dma_wait3A_206 = tpu.memref_slice %arg3[%add3A_36, %mul3A_205, %mul3A_11] : memref<4x8192x2048xf32, #tpu.memory_space<hbm>> -> memref<1x128x128xf32, #tpu.memory_space<hbm>>
        %dma_wait3A_207 = tpu.memref_squeeze %dma_wait3A_206 : memref<1x128x128xf32, #tpu.memory_space<hbm>> -> memref<128x128xf32, #tpu.memory_space<hbm>>
        %dma_wait3A_208 = tpu.memref_slice %arg3[%add3A_36, %mul3A_205, %mul3A_11] : memref<4x8192x2048xf32, #tpu.memory_space<hbm>> -> memref<1x128x128xf32, #tpu.memory_space<hbm>>
        %dma_wait3A_209 = tpu.memref_squeeze %dma_wait3A_208 : memref<1x128x128xf32, #tpu.memory_space<hbm>> -> memref<128x128xf32, #tpu.memory_space<hbm>>
        tpu.wait_dma2 semaphore(%arg11 : memref<!tpu.dma_semaphore, #tpu.memory_space<semaphore_mem>>) src(%arg7 : memref<128x128xf32, #tpu.memory_space<vmem>>) dst(%dma_wait3A_209 : memref<128x128xf32, #tpu.memory_space<hbm>>)
      } else {
      }
      %scan3A_188 = arith.constant 0 : i32
      %scan3A_189 = arith.constant 32 : i32
      %scan3A_190 = arith.addi %scan3A_188, %scan3A_189 : i32
      %scan3A_191 = arith.constant 1 : i32
      %scan3A_192:8 = scf.for %scan3A_202 = %scan3A_188 to %scan3A_190 step %scan3A_191 iter_args(%scan3A_203 = %scan3A_158#0, %scan3A_204 = %scan3A_158#1, %scan3A_205 = %scan3A_158#2, %scan3A_206 = %scan3A_158#3, %scan3A_207 = %scan3A_158#4, %scan3A_208 = %scan3A_158#5, %scan3A_209 = %scan3A_158#6, %scan3A_210 = %scan3A_158#7) -> (vector<16xf32>, vector<16xf32>, vector<16xf32>, vector<16xf32>, vector<16xf32>, vector<16xf32>, vector<16xf32>, vector<16xf32>)  : i32 {
        %mul3A_211 = arith.constant 4 : i32
        %mul3A_212 = arith.muli %scan3A_202, %mul3A_211 : i32
        %add3A_213 = arith.constant 0 : i32
        %add3A_214 = arith.addi %mul3A_212, %add3A_213 : i32
        %get3A = arith.index_cast %add3A_214 : i32 to index
        %get3A_215 = arith.constant 0 : index
        %get3A_216 = tpu.vector_load %arg5[%get3A, %get3A_215] {strides = array<i32>} : memref<128x128xf32, #tpu.memory_space<vmem>>, vector<1x16xf32>,
        %get3A_217 = vector.shape_cast %get3A_216 : vector<1x16xf32> to vector<16xf32>
        %add3A_218 = arith.addf %scan3A_203, %get3A_217 : vector<16xf32>
        %swap3A = arith.index_cast %add3A_214 : i32 to index
        %swap3A_219 = arith.constant 0 : index
        %swap3A_220 = tpu.vector_load %arg7[%swap3A, %swap3A_219] {strides = array<i32>} : memref<128x128xf32, #tpu.memory_space<vmem>>, vector<1x16xf32>,
        %swap3A_221 = vector.shape_cast %swap3A_220 : vector<1x16xf32> to vector<16xf32>
        %swap3A_222 = vector.shape_cast %add3A_218 : vector<16xf32> to vector<1x16xf32>
        tpu.vector_store %arg7[%swap3A, %swap3A_219], %swap3A_222 {strides = array<i32>} : memref<128x128xf32, #tpu.memory_space<vmem>>, vector<1x16xf32>,
        %get3A_223 = arith.index_cast %add3A_214 : i32 to index
        %get3A_224 = arith.constant 16 : index
        %get3A_225 = tpu.vector_load %arg5[%get3A_223, %get3A_224] {strides = array<i32>} : memref<128x128xf32, #tpu.memory_space<vmem>>, vector<1x16xf32>,
        %get3A_226 = vector.shape_cast %get3A_225 : vector<1x16xf32> to vector<16xf32>
        %add3A_227 = arith.addf %scan3A_204, %get3A_226 : vector<16xf32>
        %swap3A_228 = arith.index_cast %add3A_214 : i32 to index
        %swap3A_229 = arith.constant 16 : index
        %swap3A_230 = tpu.vector_load %arg7[%swap3A_228, %swap3A_229] {strides = array<i32>} : memref<128x128xf32, #tpu.memory_space<vmem>>, vector<1x16xf32>,
        %swap3A_231 = vector.shape_cast %swap3A_230 : vector<1x16xf32> to vector<16xf32>
        %swap3A_232 = vector.shape_cast %add3A_227 : vector<16xf32> to vector<1x16xf32>
        tpu.vector_store %arg7[%swap3A_228, %swap3A_229], %swap3A_232 {strides = array<i32>} : memref<128x128xf32, #tpu.memory_space<vmem>>, vector<1x16xf32>,
        %get3A_233 = arith.index_cast %add3A_214 : i32 to index
        %get3A_234 = arith.constant 32 : index
        %get3A_235 = tpu.vector_load %arg5[%get3A_233, %get3A_234] {strides = array<i32>} : memref<128x128xf32, #tpu.memory_space<vmem>>, vector<1x16xf32>,
        %get3A_236 = vector.shape_cast %get3A_235 : vector<1x16xf32> to vector<16xf32>
        %add3A_237 = arith.addf %scan3A_205, %get3A_236 : vector<16xf32>
        %swap3A_238 = arith.index_cast %add3A_214 : i32 to index
        %swap3A_239 = arith.constant 32 : index
        %swap3A_240 = tpu.vector_load %arg7[%swap3A_238, %swap3A_239] {strides = array<i32>} : memref<128x128xf32, #tpu.memory_space<vmem>>, vector<1x16xf32>,
        %swap3A_241 = vector.shape_cast %swap3A_240 : vector<1x16xf32> to vector<16xf32>
        %swap3A_242 = vector.shape_cast %add3A_237 : vector<16xf32> to vector<1x16xf32>
        tpu.vector_store %arg7[%swap3A_238, %swap3A_239], %swap3A_242 {strides = array<i32>} : memref<128x128xf32, #tpu.memory_space<vmem>>, vector<1x16xf32>,
        %get3A_243 = arith.index_cast %add3A_214 : i32 to index
        %get3A_244 = arith.constant 48 : index
        %get3A_245 = tpu.vector_load %arg5[%get3A_243, %get3A_244] {strides = array<i32>} : memref<128x128xf32, #tpu.memory_space<vmem>>, vector<1x16xf32>,
        %get3A_246 = vector.shape_cast %get3A_245 : vector<1x16xf32> to vector<16xf32>
        %add3A_247 = arith.addf %scan3A_206, %get3A_246 : vector<16xf32>
        %swap3A_248 = arith.index_cast %add3A_214 : i32 to index
        %swap3A_249 = arith.constant 48 : index
        %swap3A_250 = tpu.vector_load %arg7[%swap3A_248, %swap3A_249] {strides = array<i32>} : memref<128x128xf32, #tpu.memory_space<vmem>>, vector<1x16xf32>,
        %swap3A_251 = vector.shape_cast %swap3A_250 : vector<1x16xf32> to vector<16xf32>
        %swap3A_252 = vector.shape_cast %add3A_247 : vector<16xf32> to vector<1x16xf32>
        tpu.vector_store %arg7[%swap3A_248, %swap3A_249], %swap3A_252 {strides = array<i32>} : memref<128x128xf32, #tpu.memory_space<vmem>>, vector<1x16xf32>,
        %get3A_253 = arith.index_cast %add3A_214 : i32 to index
        %get3A_254 = arith.constant 64 : index
        %get3A_255 = tpu.vector_load %arg5[%get3A_253, %get3A_254] {strides = array<i32>} : memref<128x128xf32, #tpu.memory_space<vmem>>, vector<1x16xf32>,
        %get3A_256 = vector.shape_cast %get3A_255 : vector<1x16xf32> to vector<16xf32>
        %add3A_257 = arith.addf %scan3A_207, %get3A_256 : vector<16xf32>
        %swap3A_258 = arith.index_cast %add3A_214 : i32 to index
        %swap3A_259 = arith.constant 64 : index
        %swap3A_260 = tpu.vector_load %arg7[%swap3A_258, %swap3A_259] {strides = array<i32>} : memref<128x128xf32, #tpu.memory_space<vmem>>, vector<1x16xf32>,
        %swap3A_261 = vector.shape_cast %swap3A_260 : vector<1x16xf32> to vector<16xf32>
        %swap3A_262 = vector.shape_cast %add3A_257 : vector<16xf32> to vector<1x16xf32>
        tpu.vector_store %arg7[%swap3A_258, %swap3A_259], %swap3A_262 {strides = array<i32>} : memref<128x128xf32, #tpu.memory_space<vmem>>, vector<1x16xf32>,
        %get3A_263 = arith.index_cast %add3A_214 : i32 to index
        %get3A_264 = arith.constant 80 : index
        %get3A_265 = tpu.vector_load %arg5[%get3A_263, %get3A_264] {strides = array<i32>} : memref<128x128xf32, #tpu.memory_space<vmem>>, vector<1x16xf32>,
        %get3A_266 = vector.shape_cast %get3A_265 : vector<1x16xf32> to vector<16xf32>
        %add3A_267 = arith.addf %scan3A_208, %get3A_266 : vector<16xf32>
        %swap3A_268 = arith.index_cast %add3A_214 : i32 to index
        %swap3A_269 = arith.constant 80 : index
        %swap3A_270 = tpu.vector_load %arg7[%swap3A_268, %swap3A_269] {strides = array<i32>} : memref<128x128xf32, #tpu.memory_space<vmem>>, vector<1x16xf32>,
        %swap3A_271 = vector.shape_cast %swap3A_270 : vector<1x16xf32> to vector<16xf32>
        %swap3A_272 = vector.shape_cast %add3A_267 : vector<16xf32> to vector<1x16xf32>
        tpu.vector_store %arg7[%swap3A_268, %swap3A_269], %swap3A_272 {strides = array<i32>} : memref<128x128xf32, #tpu.memory_space<vmem>>, vector<1x16xf32>,
        %get3A_273 = arith.index_cast %add3A_214 : i32 to index
        %get3A_274 = arith.constant 96 : index
        %get3A_275 = tpu.vector_load %arg5[%get3A_273, %get3A_274] {strides = array<i32>} : memref<128x128xf32, #tpu.memory_space<vmem>>, vector<1x16xf32>,
        %get3A_276 = vector.shape_cast %get3A_275 : vector<1x16xf32> to vector<16xf32>
        %add3A_277 = arith.addf %scan3A_209, %get3A_276 : vector<16xf32>
        %swap3A_278 = arith.index_cast %add3A_214 : i32 to index
        %swap3A_279 = arith.constant 96 : index
        %swap3A_280 = tpu.vector_load %arg7[%swap3A_278, %swap3A_279] {strides = array<i32>} : memref<128x128xf32, #tpu.memory_space<vmem>>, vector<1x16xf32>,
        %swap3A_281 = vector.shape_cast %swap3A_280 : vector<1x16xf32> to vector<16xf32>
        %swap3A_282 = vector.shape_cast %add3A_277 : vector<16xf32> to vector<1x16xf32>
        tpu.vector_store %arg7[%swap3A_278, %swap3A_279], %swap3A_282 {strides = array<i32>} : memref<128x128xf32, #tpu.memory_space<vmem>>, vector<1x16xf32>,
        %get3A_283 = arith.index_cast %add3A_214 : i32 to index
        %get3A_284 = arith.constant 112 : index
        %get3A_285 = tpu.vector_load %arg5[%get3A_283, %get3A_284] {strides = array<i32>} : memref<128x128xf32, #tpu.memory_space<vmem>>, vector<1x16xf32>,
        %get3A_286 = vector.shape_cast %get3A_285 : vector<1x16xf32> to vector<16xf32>
        %add3A_287 = arith.addf %scan3A_210, %get3A_286 : vector<16xf32>
        %swap3A_288 = arith.index_cast %add3A_214 : i32 to index
        %swap3A_289 = arith.constant 112 : index
        %swap3A_290 = tpu.vector_load %arg7[%swap3A_288, %swap3A_289] {strides = array<i32>} : memref<128x128xf32, #tpu.memory_space<vmem>>, vector<1x16xf32>,
        %swap3A_291 = vector.shape_cast %swap3A_290 : vector<1x16xf32> to vector<16xf32>
        %swap3A_292 = vector.shape_cast %add3A_287 : vector<16xf32> to vector<1x16xf32>
        tpu.vector_store %arg7[%swap3A_288, %swap3A_289], %swap3A_292 {strides = array<i32>} : memref<128x128xf32, #tpu.memory_space<vmem>>, vector<1x16xf32>,
        %mul3A_293 = arith.constant 4 : i32
        %mul3A_294 = arith.muli %scan3A_202, %mul3A_293 : i32
        %add3A_295 = arith.constant 1 : i32
        %add3A_296 = arith.addi %mul3A_294, %add3A_295 : i32
        %get3A_297 = arith.index_cast %add3A_296 : i32 to index
        %get3A_298 = arith.constant 0 : index
        %get3A_299 = tpu.vector_load %arg5[%get3A_297, %get3A_298] {strides = array<i32>} : memref<128x128xf32, #tpu.memory_space<vmem>>, vector<1x16xf32>,
        %get3A_300 = vector.shape_cast %get3A_299 : vector<1x16xf32> to vector<16xf32>
        %add3A_301 = arith.addf %add3A_218, %get3A_300 : vector<16xf32>
        %swap3A_302 = arith.index_cast %add3A_296 : i32 to index
        %swap3A_303 = arith.constant 0 : index
        %swap3A_304 = tpu.vector_load %arg7[%swap3A_302, %swap3A_303] {strides = array<i32>} : memref<128x128xf32, #tpu.memory_space<vmem>>, vector<1x16xf32>,
        %swap3A_305 = vector.shape_cast %swap3A_304 : vector<1x16xf32> to vector<16xf32>
        %swap3A_306 = vector.shape_cast %add3A_301 : vector<16xf32> to vector<1x16xf32>
        tpu.vector_store %arg7[%swap3A_302, %swap3A_303], %swap3A_306 {strides = array<i32>} : memref<128x128xf32, #tpu.memory_space<vmem>>, vector<1x16xf32>,
        %get3A_307 = arith.index_cast %add3A_296 : i32 to index
        %get3A_308 = arith.constant 16 : index
        %get3A_309 = tpu.vector_load %arg5[%get3A_307, %get3A_308] {strides = array<i32>} : memref<128x128xf32, #tpu.memory_space<vmem>>, vector<1x16xf32>,
        %get3A_310 = vector.shape_cast %get3A_309 : vector<1x16xf32> to vector<16xf32>
        %add3A_311 = arith.addf %add3A_227, %get3A_310 : vector<16xf32>
        %swap3A_312 = arith.index_cast %add3A_296 : i32 to index
        %swap3A_313 = arith.constant 16 : index
        %swap3A_314 = tpu.vector_load %arg7[%swap3A_312, %swap3A_313] {strides = array<i32>} : memref<128x128xf32, #tpu.memory_space<vmem>>, vector<1x16xf32>,
        %swap3A_315 = vector.shape_cast %swap3A_314 : vector<1x16xf32> to vector<16xf32>
        %swap3A_316 = vector.shape_cast %add3A_311 : vector<16xf32> to vector<1x16xf32>
        tpu.vector_store %arg7[%swap3A_312, %swap3A_313], %swap3A_316 {strides = array<i32>} : memref<128x128xf32, #tpu.memory_space<vmem>>, vector<1x16xf32>,
        %get3A_317 = arith.index_cast %add3A_296 : i32 to index
        %get3A_318 = arith.constant 32 : index
        %get3A_319 = tpu.vector_load %arg5[%get3A_317, %get3A_318] {strides = array<i32>} : memref<128x128xf32, #tpu.memory_space<vmem>>, vector<1x16xf32>,
        %get3A_320 = vector.shape_cast %get3A_319 : vector<1x16xf32> to vector<16xf32>
        %add3A_321 = arith.addf %add3A_237, %get3A_320 : vector<16xf32>
        %swap3A_322 = arith.index_cast %add3A_296 : i32 to index
        %swap3A_323 = arith.constant 32 : index
        %swap3A_324 = tpu.vector_load %arg7[%swap3A_322, %swap3A_323] {strides = array<i32>} : memref<128x128xf32, #tpu.memory_space<vmem>>, vector<1x16xf32>,
        %swap3A_325 = vector.shape_cast %swap3A_324 : vector<1x16xf32> to vector<16xf32>
        %swap3A_326 = vector.shape_cast %add3A_321 : vector<16xf32> to vector<1x16xf32>
        tpu.vector_store %arg7[%swap3A_322, %swap3A_323], %swap3A_326 {strides = array<i32>} : memref<128x128xf32, #tpu.memory_space<vmem>>, vector<1x16xf32>,
        %get3A_327 = arith.index_cast %add3A_296 : i32 to index
        %get3A_328 = arith.constant 48 : index
        %get3A_329 = tpu.vector_load %arg5[%get3A_327, %get3A_328] {strides = array<i32>} : memref<128x128xf32, #tpu.memory_space<vmem>>, vector<1x16xf32>,
        %get3A_330 = vector.shape_cast %get3A_329 : vector<1x16xf32> to vector<16xf32>
        %add3A_331 = arith.addf %add3A_247, %get3A_330 : vector<16xf32>
        %swap3A_332 = arith.index_cast %add3A_296 : i32 to index
        %swap3A_333 = arith.constant 48 : index
        %swap3A_334 = tpu.vector_load %arg7[%swap3A_332, %swap3A_333] {strides = array<i32>} : memref<128x128xf32, #tpu.memory_space<vmem>>, vector<1x16xf32>,
        %swap3A_335 = vector.shape_cast %swap3A_334 : vector<1x16xf32> to vector<16xf32>
        %swap3A_336 = vector.shape_cast %add3A_331 : vector<16xf32> to vector<1x16xf32>
        tpu.vector_store %arg7[%swap3A_332, %swap3A_333], %swap3A_336 {strides = array<i32>} : memref<128x128xf32, #tpu.memory_space<vmem>>, vector<1x16xf32>,
        %get3A_337 = arith.index_cast %add3A_296 : i32 to index
        %get3A_338 = arith.constant 64 : index
        %get3A_339 = tpu.vector_load %arg5[%get3A_337, %get3A_338] {strides = array<i32>} : memref<128x128xf32, #tpu.memory_space<vmem>>, vector<1x16xf32>,
        %get3A_340 = vector.shape_cast %get3A_339 : vector<1x16xf32> to vector<16xf32>
        %add3A_341 = arith.addf %add3A_257, %get3A_340 : vector<16xf32>
        %swap3A_342 = arith.index_cast %add3A_296 : i32 to index
        %swap3A_343 = arith.constant 64 : index
        %swap3A_344 = tpu.vector_load %arg7[%swap3A_342, %swap3A_343] {strides = array<i32>} : memref<128x128xf32, #tpu.memory_space<vmem>>, vector<1x16xf32>,
        %swap3A_345 = vector.shape_cast %swap3A_344 : vector<1x16xf32> to vector<16xf32>
        %swap3A_346 = vector.shape_cast %add3A_341 : vector<16xf32> to vector<1x16xf32>
        tpu.vector_store %arg7[%swap3A_342, %swap3A_343], %swap3A_346 {strides = array<i32>} : memref<128x128xf32, #tpu.memory_space<vmem>>, vector<1x16xf32>,
        %get3A_347 = arith.index_cast %add3A_296 : i32 to index
        %get3A_348 = arith.constant 80 : index
        %get3A_349 = tpu.vector_load %arg5[%get3A_347, %get3A_348] {strides = array<i32>} : memref<128x128xf32, #tpu.memory_space<vmem>>, vector<1x16xf32>,
        %get3A_350 = vector.shape_cast %get3A_349 : vector<1x16xf32> to vector<16xf32>
        %add3A_351 = arith.addf %add3A_267, %get3A_350 : vector<16xf32>
        %swap3A_352 = arith.index_cast %add3A_296 : i32 to index
        %swap3A_353 = arith.constant 80 : index
        %swap3A_354 = tpu.vector_load %arg7[%swap3A_352, %swap3A_353] {strides = array<i32>} : memref<128x128xf32, #tpu.memory_space<vmem>>, vector<1x16xf32>,
        %swap3A_355 = vector.shape_cast %swap3A_354 : vector<1x16xf32> to vector<16xf32>
        %swap3A_356 = vector.shape_cast %add3A_351 : vector<16xf32> to vector<1x16xf32>
        tpu.vector_store %arg7[%swap3A_352, %swap3A_353], %swap3A_356 {strides = array<i32>} : memref<128x128xf32, #tpu.memory_space<vmem>>, vector<1x16xf32>,
        %get3A_357 = arith.index_cast %add3A_296 : i32 to index
        %get3A_358 = arith.constant 96 : index
        %get3A_359 = tpu.vector_load %arg5[%get3A_357, %get3A_358] {strides = array<i32>} : memref<128x128xf32, #tpu.memory_space<vmem>>, vector<1x16xf32>,
        %get3A_360 = vector.shape_cast %get3A_359 : vector<1x16xf32> to vector<16xf32>
        %add3A_361 = arith.addf %add3A_277, %get3A_360 : vector<16xf32>
        %swap3A_362 = arith.index_cast %add3A_296 : i32 to index
        %swap3A_363 = arith.constant 96 : index
        %swap3A_364 = tpu.vector_load %arg7[%swap3A_362, %swap3A_363] {strides = array<i32>} : memref<128x128xf32, #tpu.memory_space<vmem>>, vector<1x16xf32>,
        %swap3A_365 = vector.shape_cast %swap3A_364 : vector<1x16xf32> to vector<16xf32>
        %swap3A_366 = vector.shape_cast %add3A_361 : vector<16xf32> to vector<1x16xf32>
        tpu.vector_store %arg7[%swap3A_362, %swap3A_363], %swap3A_366 {strides = array<i32>} : memref<128x128xf32, #tpu.memory_space<vmem>>, vector<1x16xf32>,
        %get3A_367 = arith.index_cast %add3A_296 : i32 to index
        %get3A_368 = arith.constant 112 : index
        %get3A_369 = tpu.vector_load %arg5[%get3A_367, %get3A_368] {strides = array<i32>} : memref<128x128xf32, #tpu.memory_space<vmem>>, vector<1x16xf32>,
        %get3A_370 = vector.shape_cast %get3A_369 : vector<1x16xf32> to vector<16xf32>
        %add3A_371 = arith.addf %add3A_287, %get3A_370 : vector<16xf32>
        %swap3A_372 = arith.index_cast %add3A_296 : i32 to index
        %swap3A_373 = arith.constant 112 : index
        %swap3A_374 = tpu.vector_load %arg7[%swap3A_372, %swap3A_373] {strides = array<i32>} : memref<128x128xf32, #tpu.memory_space<vmem>>, vector<1x16xf32>,
        %swap3A_375 = vector.shape_cast %swap3A_374 : vector<1x16xf32> to vector<16xf32>
        %swap3A_376 = vector.shape_cast %add3A_371 : vector<16xf32> to vector<1x16xf32>
        tpu.vector_store %arg7[%swap3A_372, %swap3A_373], %swap3A_376 {strides = array<i32>} : memref<128x128xf32, #tpu.memory_space<vmem>>, vector<1x16xf32>,
        %mul3A_377 = arith.constant 4 : i32
        %mul3A_378 = arith.muli %scan3A_202, %mul3A_377 : i32
        %add3A_379 = arith.constant 2 : i32
        %add3A_380 = arith.addi %mul3A_378, %add3A_379 : i32
        %get3A_381 = arith.index_cast %add3A_380 : i32 to index
        %get3A_382 = arith.constant 0 : index
        %get3A_383 = tpu.vector_load %arg5[%get3A_381, %get3A_382] {strides = array<i32>} : memref<128x128xf32, #tpu.memory_space<vmem>>, vector<1x16xf32>,
        %get3A_384 = vector.shape_cast %get3A_383 : vector<1x16xf32> to vector<16xf32>
        %add3A_385 = arith.addf %add3A_301, %get3A_384 : vector<16xf32>
        %swap3A_386 = arith.index_cast %add3A_380 : i32 to index
        %swap3A_387 = arith.constant 0 : index
        %swap3A_388 = tpu.vector_load %arg7[%swap3A_386, %swap3A_387] {strides = array<i32>} : memref<128x128xf32, #tpu.memory_space<vmem>>, vector<1x16xf32>,
        %swap3A_389 = vector.shape_cast %swap3A_388 : vector<1x16xf32> to vector<16xf32>
        %swap3A_390 = vector.shape_cast %add3A_385 : vector<16xf32> to vector<1x16xf32>
        tpu.vector_store %arg7[%swap3A_386, %swap3A_387], %swap3A_390 {strides = array<i32>} : memref<128x128xf32, #tpu.memory_space<vmem>>, vector<1x16xf32>,
        %get3A_391 = arith.index_cast %add3A_380 : i32 to index
        %get3A_392 = arith.constant 16 : index
        %get3A_393 = tpu.vector_load %arg5[%get3A_391, %get3A_392] {strides = array<i32>} : memref<128x128xf32, #tpu.memory_space<vmem>>, vector<1x16xf32>,
        %get3A_394 = vector.shape_cast %get3A_393 : vector<1x16xf32> to vector<16xf32>
        %add3A_395 = arith.addf %add3A_311, %get3A_394 : vector<16xf32>
        %swap3A_396 = arith.index_cast %add3A_380 : i32 to index
        %swap3A_397 = arith.constant 16 : index
        %swap3A_398 = tpu.vector_load %arg7[%swap3A_396, %swap3A_397] {strides = array<i32>} : memref<128x128xf32, #tpu.memory_space<vmem>>, vector<1x16xf32>,
        %swap3A_399 = vector.shape_cast %swap3A_398 : vector<1x16xf32> to vector<16xf32>
        %swap3A_400 = vector.shape_cast %add3A_395 : vector<16xf32> to vector<1x16xf32>
        tpu.vector_store %arg7[%swap3A_396, %swap3A_397], %swap3A_400 {strides = array<i32>} : memref<128x128xf32, #tpu.memory_space<vmem>>, vector<1x16xf32>,
        %get3A_401 = arith.index_cast %add3A_380 : i32 to index
        %get3A_402 = arith.constant 32 : index
        %get3A_403 = tpu.vector_load %arg5[%get3A_401, %get3A_402] {strides = array<i32>} : memref<128x128xf32, #tpu.memory_space<vmem>>, vector<1x16xf32>,
        %get3A_404 = vector.shape_cast %get3A_403 : vector<1x16xf32> to vector<16xf32>
        %add3A_405 = arith.addf %add3A_321, %get3A_404 : vector<16xf32>
        %swap3A_406 = arith.index_cast %add3A_380 : i32 to index
        %swap3A_407 = arith.constant 32 : index
        %swap3A_408 = tpu.vector_load %arg7[%swap3A_406, %swap3A_407] {strides = array<i32>} : memref<128x128xf32, #tpu.memory_space<vmem>>, vector<1x16xf32>,
        %swap3A_409 = vector.shape_cast %swap3A_408 : vector<1x16xf32> to vector<16xf32>
        %swap3A_410 = vector.shape_cast %add3A_405 : vector<16xf32> to vector<1x16xf32>
        tpu.vector_store %arg7[%swap3A_406, %swap3A_407], %swap3A_410 {strides = array<i32>} : memref<128x128xf32, #tpu.memory_space<vmem>>, vector<1x16xf32>,
        %get3A_411 = arith.index_cast %add3A_380 : i32 to index
        %get3A_412 = arith.constant 48 : index
        %get3A_413 = tpu.vector_load %arg5[%get3A_411, %get3A_412] {strides = array<i32>} : memref<128x128xf32, #tpu.memory_space<vmem>>, vector<1x16xf32>,
        %get3A_414 = vector.shape_cast %get3A_413 : vector<1x16xf32> to vector<16xf32>
        %add3A_415 = arith.addf %add3A_331, %get3A_414 : vector<16xf32>
        %swap3A_416 = arith.index_cast %add3A_380 : i32 to index
        %swap3A_417 = arith.constant 48 : index
        %swap3A_418 = tpu.vector_load %arg7[%swap3A_416, %swap3A_417] {strides = array<i32>} : memref<128x128xf32, #tpu.memory_space<vmem>>, vector<1x16xf32>,
        %swap3A_419 = vector.shape_cast %swap3A_418 : vector<1x16xf32> to vector<16xf32>
        %swap3A_420 = vector.shape_cast %add3A_415 : vector<16xf32> to vector<1x16xf32>
        tpu.vector_store %arg7[%swap3A_416, %swap3A_417], %swap3A_420 {strides = array<i32>} : memref<128x128xf32, #tpu.memory_space<vmem>>, vector<1x16xf32>,
        %get3A_421 = arith.index_cast %add3A_380 : i32 to index
        %get3A_422 = arith.constant 64 : index
        %get3A_423 = tpu.vector_load %arg5[%get3A_421, %get3A_422] {strides = array<i32>} : memref<128x128xf32, #tpu.memory_space<vmem>>, vector<1x16xf32>,
        %get3A_424 = vector.shape_cast %get3A_423 : vector<1x16xf32> to vector<16xf32>
        %add3A_425 = arith.addf %add3A_341, %get3A_424 : vector<16xf32>
        %swap3A_426 = arith.index_cast %add3A_380 : i32 to index
        %swap3A_427 = arith.constant 64 : index
        %swap3A_428 = tpu.vector_load %arg7[%swap3A_426, %swap3A_427] {strides = array<i32>} : memref<128x128xf32, #tpu.memory_space<vmem>>, vector<1x16xf32>,
        %swap3A_429 = vector.shape_cast %swap3A_428 : vector<1x16xf32> to vector<16xf32>
        %swap3A_430 = vector.shape_cast %add3A_425 : vector<16xf32> to vector<1x16xf32>
        tpu.vector_store %arg7[%swap3A_426, %swap3A_427], %swap3A_430 {strides = array<i32>} : memref<128x128xf32, #tpu.memory_space<vmem>>, vector<1x16xf32>,
        %get3A_431 = arith.index_cast %add3A_380 : i32 to index
        %get3A_432 = arith.constant 80 : index
        %get3A_433 = tpu.vector_load %arg5[%get3A_431, %get3A_432] {strides = array<i32>} : memref<128x128xf32, #tpu.memory_space<vmem>>, vector<1x16xf32>,
        %get3A_434 = vector.shape_cast %get3A_433 : vector<1x16xf32> to vector<16xf32>
        %add3A_435 = arith.addf %add3A_351, %get3A_434 : vector<16xf32>
        %swap3A_436 = arith.index_cast %add3A_380 : i32 to index
        %swap3A_437 = arith.constant 80 : index
        %swap3A_438 = tpu.vector_load %arg7[%swap3A_436, %swap3A_437] {strides = array<i32>} : memref<128x128xf32, #tpu.memory_space<vmem>>, vector<1x16xf32>,
        %swap3A_439 = vector.shape_cast %swap3A_438 : vector<1x16xf32> to vector<16xf32>
        %swap3A_440 = vector.shape_cast %add3A_435 : vector<16xf32> to vector<1x16xf32>
        tpu.vector_store %arg7[%swap3A_436, %swap3A_437], %swap3A_440 {strides = array<i32>} : memref<128x128xf32, #tpu.memory_space<vmem>>, vector<1x16xf32>,
        %get3A_441 = arith.index_cast %add3A_380 : i32 to index
        %get3A_442 = arith.constant 96 : index
        %get3A_443 = tpu.vector_load %arg5[%get3A_441, %get3A_442] {strides = array<i32>} : memref<128x128xf32, #tpu.memory_space<vmem>>, vector<1x16xf32>,
        %get3A_444 = vector.shape_cast %get3A_443 : vector<1x16xf32> to vector<16xf32>
        %add3A_445 = arith.addf %add3A_361, %get3A_444 : vector<16xf32>
        %swap3A_446 = arith.index_cast %add3A_380 : i32 to index
        %swap3A_447 = arith.constant 96 : index
        %swap3A_448 = tpu.vector_load %arg7[%swap3A_446, %swap3A_447] {strides = array<i32>} : memref<128x128xf32, #tpu.memory_space<vmem>>, vector<1x16xf32>,
        %swap3A_449 = vector.shape_cast %swap3A_448 : vector<1x16xf32> to vector<16xf32>
        %swap3A_450 = vector.shape_cast %add3A_445 : vector<16xf32> to vector<1x16xf32>
        tpu.vector_store %arg7[%swap3A_446, %swap3A_447], %swap3A_450 {strides = array<i32>} : memref<128x128xf32, #tpu.memory_space<vmem>>, vector<1x16xf32>,
        %get3A_451 = arith.index_cast %add3A_380 : i32 to index
        %get3A_452 = arith.constant 112 : index
        %get3A_453 = tpu.vector_load %arg5[%get3A_451, %get3A_452] {strides = array<i32>} : memref<128x128xf32, #tpu.memory_space<vmem>>, vector<1x16xf32>,
        %get3A_454 = vector.shape_cast %get3A_453 : vector<1x16xf32> to vector<16xf32>
        %add3A_455 = arith.addf %add3A_371, %get3A_454 : vector<16xf32>
        %swap3A_456 = arith.index_cast %add3A_380 : i32 to index
        %swap3A_457 = arith.constant 112 : index
        %swap3A_458 = tpu.vector_load %arg7[%swap3A_456, %swap3A_457] {strides = array<i32>} : memref<128x128xf32, #tpu.memory_space<vmem>>, vector<1x16xf32>,
        %swap3A_459 = vector.shape_cast %swap3A_458 : vector<1x16xf32> to vector<16xf32>
        %swap3A_460 = vector.shape_cast %add3A_455 : vector<16xf32> to vector<1x16xf32>
        tpu.vector_store %arg7[%swap3A_456, %swap3A_457], %swap3A_460 {strides = array<i32>} : memref<128x128xf32, #tpu.memory_space<vmem>>, vector<1x16xf32>,
        %mul3A_461 = arith.constant 4 : i32
        %mul3A_462 = arith.muli %scan3A_202, %mul3A_461 : i32
        %add3A_463 = arith.constant 3 : i32
        %add3A_464 = arith.addi %mul3A_462, %add3A_463 : i32
        %get3A_465 = arith.index_cast %add3A_464 : i32 to index
        %get3A_466 = arith.constant 0 : index
        %get3A_467 = tpu.vector_load %arg5[%get3A_465, %get3A_466] {strides = array<i32>} : memref<128x128xf32, #tpu.memory_space<vmem>>, vector<1x16xf32>,
        %get3A_468 = vector.shape_cast %get3A_467 : vector<1x16xf32> to vector<16xf32>
        %add3A_469 = arith.addf %add3A_385, %get3A_468 : vector<16xf32>
        %swap3A_470 = arith.index_cast %add3A_464 : i32 to index
        %swap3A_471 = arith.constant 0 : index
        %swap3A_472 = tpu.vector_load %arg7[%swap3A_470, %swap3A_471] {strides = array<i32>} : memref<128x128xf32, #tpu.memory_space<vmem>>, vector<1x16xf32>,
        %swap3A_473 = vector.shape_cast %swap3A_472 : vector<1x16xf32> to vector<16xf32>
        %swap3A_474 = vector.shape_cast %add3A_469 : vector<16xf32> to vector<1x16xf32>
        tpu.vector_store %arg7[%swap3A_470, %swap3A_471], %swap3A_474 {strides = array<i32>} : memref<128x128xf32, #tpu.memory_space<vmem>>, vector<1x16xf32>,
        %get3A_475 = arith.index_cast %add3A_464 : i32 to index
        %get3A_476 = arith.constant 16 : index
        %get3A_477 = tpu.vector_load %arg5[%get3A_475, %get3A_476] {strides = array<i32>} : memref<128x128xf32, #tpu.memory_space<vmem>>, vector<1x16xf32>,
        %get3A_478 = vector.shape_cast %get3A_477 : vector<1x16xf32> to vector<16xf32>
        %add3A_479 = arith.addf %add3A_395, %get3A_478 : vector<16xf32>
        %swap3A_480 = arith.index_cast %add3A_464 : i32 to index
        %swap3A_481 = arith.constant 16 : index
        %swap3A_482 = tpu.vector_load %arg7[%swap3A_480, %swap3A_481] {strides = array<i32>} : memref<128x128xf32, #tpu.memory_space<vmem>>, vector<1x16xf32>,
        %swap3A_483 = vector.shape_cast %swap3A_482 : vector<1x16xf32> to vector<16xf32>
        %swap3A_484 = vector.shape_cast %add3A_479 : vector<16xf32> to vector<1x16xf32>
        tpu.vector_store %arg7[%swap3A_480, %swap3A_481], %swap3A_484 {strides = array<i32>} : memref<128x128xf32, #tpu.memory_space<vmem>>, vector<1x16xf32>,
        %get3A_485 = arith.index_cast %add3A_464 : i32 to index
        %get3A_486 = arith.constant 32 : index
        %get3A_487 = tpu.vector_load %arg5[%get3A_485, %get3A_486] {strides = array<i32>} : memref<128x128xf32, #tpu.memory_space<vmem>>, vector<1x16xf32>,
        %get3A_488 = vector.shape_cast %get3A_487 : vector<1x16xf32> to vector<16xf32>
        %add3A_489 = arith.addf %add3A_405, %get3A_488 : vector<16xf32>
        %swap3A_490 = arith.index_cast %add3A_464 : i32 to index
        %swap3A_491 = arith.constant 32 : index
        %swap3A_492 = tpu.vector_load %arg7[%swap3A_490, %swap3A_491] {strides = array<i32>} : memref<128x128xf32, #tpu.memory_space<vmem>>, vector<1x16xf32>,
        %swap3A_493 = vector.shape_cast %swap3A_492 : vector<1x16xf32> to vector<16xf32>
        %swap3A_494 = vector.shape_cast %add3A_489 : vector<16xf32> to vector<1x16xf32>
        tpu.vector_store %arg7[%swap3A_490, %swap3A_491], %swap3A_494 {strides = array<i32>} : memref<128x128xf32, #tpu.memory_space<vmem>>, vector<1x16xf32>,
        %get3A_495 = arith.index_cast %add3A_464 : i32 to index
        %get3A_496 = arith.constant 48 : index
        %get3A_497 = tpu.vector_load %arg5[%get3A_495, %get3A_496] {strides = array<i32>} : memref<128x128xf32, #tpu.memory_space<vmem>>, vector<1x16xf32>,
        %get3A_498 = vector.shape_cast %get3A_497 : vector<1x16xf32> to vector<16xf32>
        %add3A_499 = arith.addf %add3A_415, %get3A_498 : vector<16xf32>
        %swap3A_500 = arith.index_cast %add3A_464 : i32 to index
        %swap3A_501 = arith.constant 48 : index
        %swap3A_502 = tpu.vector_load %arg7[%swap3A_500, %swap3A_501] {strides = array<i32>} : memref<128x128xf32, #tpu.memory_space<vmem>>, vector<1x16xf32>,
        %swap3A_503 = vector.shape_cast %swap3A_502 : vector<1x16xf32> to vector<16xf32>
        %swap3A_504 = vector.shape_cast %add3A_499 : vector<16xf32> to vector<1x16xf32>
        tpu.vector_store %arg7[%swap3A_500, %swap3A_501], %swap3A_504 {strides = array<i32>} : memref<128x128xf32, #tpu.memory_space<vmem>>, vector<1x16xf32>,
        %get3A_505 = arith.index_cast %add3A_464 : i32 to index
        %get3A_506 = arith.constant 64 : index
        %get3A_507 = tpu.vector_load %arg5[%get3A_505, %get3A_506] {strides = array<i32>} : memref<128x128xf32, #tpu.memory_space<vmem>>, vector<1x16xf32>,
        %get3A_508 = vector.shape_cast %get3A_507 : vector<1x16xf32> to vector<16xf32>
        %add3A_509 = arith.addf %add3A_425, %get3A_508 : vector<16xf32>
        %swap3A_510 = arith.index_cast %add3A_464 : i32 to index
        %swap3A_511 = arith.constant 64 : index
        %swap3A_512 = tpu.vector_load %arg7[%swap3A_510, %swap3A_511] {strides = array<i32>} : memref<128x128xf32, #tpu.memory_space<vmem>>, vector<1x16xf32>,
        %swap3A_513 = vector.shape_cast %swap3A_512 : vector<1x16xf32> to vector<16xf32>
        %swap3A_514 = vector.shape_cast %add3A_509 : vector<16xf32> to vector<1x16xf32>
        tpu.vector_store %arg7[%swap3A_510, %swap3A_511], %swap3A_514 {strides = array<i32>} : memref<128x128xf32, #tpu.memory_space<vmem>>, vector<1x16xf32>,
        %get3A_515 = arith.index_cast %add3A_464 : i32 to index
        %get3A_516 = arith.constant 80 : index
        %get3A_517 = tpu.vector_load %arg5[%get3A_515, %get3A_516] {strides = array<i32>} : memref<128x128xf32, #tpu.memory_space<vmem>>, vector<1x16xf32>,
        %get3A_518 = vector.shape_cast %get3A_517 : vector<1x16xf32> to vector<16xf32>
        %add3A_519 = arith.addf %add3A_435, %get3A_518 : vector<16xf32>
        %swap3A_520 = arith.index_cast %add3A_464 : i32 to index
        %swap3A_521 = arith.constant 80 : index
        %swap3A_522 = tpu.vector_load %arg7[%swap3A_520, %swap3A_521] {strides = array<i32>} : memref<128x128xf32, #tpu.memory_space<vmem>>, vector<1x16xf32>,
        %swap3A_523 = vector.shape_cast %swap3A_522 : vector<1x16xf32> to vector<16xf32>
        %swap3A_524 = vector.shape_cast %add3A_519 : vector<16xf32> to vector<1x16xf32>
        tpu.vector_store %arg7[%swap3A_520, %swap3A_521], %swap3A_524 {strides = array<i32>} : memref<128x128xf32, #tpu.memory_space<vmem>>, vector<1x16xf32>,
        %get3A_525 = arith.index_cast %add3A_464 : i32 to index
        %get3A_526 = arith.constant 96 : index
        %get3A_527 = tpu.vector_load %arg5[%get3A_525, %get3A_526] {strides = array<i32>} : memref<128x128xf32, #tpu.memory_space<vmem>>, vector<1x16xf32>,
        %get3A_528 = vector.shape_cast %get3A_527 : vector<1x16xf32> to vector<16xf32>
        %add3A_529 = arith.addf %add3A_445, %get3A_528 : vector<16xf32>
        %swap3A_530 = arith.index_cast %add3A_464 : i32 to index
        %swap3A_531 = arith.constant 96 : index
        %swap3A_532 = tpu.vector_load %arg7[%swap3A_530, %swap3A_531] {strides = array<i32>} : memref<128x128xf32, #tpu.memory_space<vmem>>, vector<1x16xf32>,
        %swap3A_533 = vector.shape_cast %swap3A_532 : vector<1x16xf32> to vector<16xf32>
        %swap3A_534 = vector.shape_cast %add3A_529 : vector<16xf32> to vector<1x16xf32>
        tpu.vector_store %arg7[%swap3A_530, %swap3A_531], %swap3A_534 {strides = array<i32>} : memref<128x128xf32, #tpu.memory_space<vmem>>, vector<1x16xf32>,
        %get3A_535 = arith.index_cast %add3A_464 : i32 to index
        %get3A_536 = arith.constant 112 : index
        %get3A_537 = tpu.vector_load %arg5[%get3A_535, %get3A_536] {strides = array<i32>} : memref<128x128xf32, #tpu.memory_space<vmem>>, vector<1x16xf32>,
        %get3A_538 = vector.shape_cast %get3A_537 : vector<1x16xf32> to vector<16xf32>
        %add3A_539 = arith.addf %add3A_455, %get3A_538 : vector<16xf32>
        %swap3A_540 = arith.index_cast %add3A_464 : i32 to index
        %swap3A_541 = arith.constant 112 : index
        %swap3A_542 = tpu.vector_load %arg7[%swap3A_540, %swap3A_541] {strides = array<i32>} : memref<128x128xf32, #tpu.memory_space<vmem>>, vector<1x16xf32>,
        %swap3A_543 = vector.shape_cast %swap3A_542 : vector<1x16xf32> to vector<16xf32>
        %swap3A_544 = vector.shape_cast %add3A_539 : vector<16xf32> to vector<1x16xf32>
        tpu.vector_store %arg7[%swap3A_540, %swap3A_541], %swap3A_544 {strides = array<i32>} : memref<128x128xf32, #tpu.memory_space<vmem>>, vector<1x16xf32>,
        scf.yield %add3A_469, %add3A_479, %add3A_489, %add3A_499, %add3A_509, %add3A_519, %add3A_529, %add3A_539 : vector<16xf32>, vector<16xf32>, vector<16xf32>, vector<16xf32>, vector<16xf32>, vector<16xf32>, vector<16xf32>, vector<16xf32>
      }
      %scan3A_193 = arith.constant 32 : i32
      %add3A_194 = arith.constant 1 : i32
      %add3A_195 = arith.addi %mul3A_137, %add3A_194 : i32
      %mul3A_196 = arith.constant 128 : i32
      %mul3A_197 = arith.muli %add3A_195, %mul3A_196 : i32
      %dma_start3A_198 = tpu.memref_slice %arg3[%add3A_36, %mul3A_197, %mul3A_11] : memref<4x8192x2048xf32, #tpu.memory_space<hbm>> -> memref<1x128x128xf32, #tpu.memory_space<hbm>>
      %dma_start3A_199 = tpu.memref_squeeze %dma_start3A_198 : memref<1x128x128xf32, #tpu.memory_space<hbm>> -> memref<128x128xf32, #tpu.memory_space<hbm>>
      %dma_start3A_200 = tpu.memref_slice %arg3[%add3A_36, %mul3A_197, %mul3A_11] : memref<4x8192x2048xf32, #tpu.memory_space<hbm>> -> memref<1x128x128xf32, #tpu.memory_space<hbm>>
      %dma_start3A_201 = tpu.memref_squeeze %dma_start3A_200 : memref<1x128x128xf32, #tpu.memory_space<hbm>> -> memref<128x128xf32, #tpu.memory_space<hbm>>
      tpu.enqueue_dma source(%arg7 : memref<128x128xf32, #tpu.memory_space<vmem>>) target(%dma_start3A_201 : memref<128x128xf32, #tpu.memory_space<hbm>>) target_semaphore(%arg11 : memref<!tpu.dma_semaphore, #tpu.memory_space<semaphore_mem>>)
      scf.yield %scan3A_192#0, %scan3A_192#1, %scan3A_192#2, %scan3A_192#3, %scan3A_192#4, %scan3A_192#5, %scan3A_192#6, %scan3A_192#7 : vector<16xf32>, vector<16xf32>, vector<16xf32>, vector<16xf32>, vector<16xf32>, vector<16xf32>, vector<16xf32>, vector<16xf32>
    }
    %scan3A_61 = arith.constant 32 : i32
    %dma_wait3A = arith.constant 8064 : i32
    %dma_wait3A_62 = tpu.memref_slice %arg2[%add3A_36, %dma_wait3A, %mul3A_11] : memref<4x8192x2048xf32, #tpu.memory_space<hbm>> -> memref<1x128x128xf32, #tpu.memory_space<hbm>>
    %dma_wait3A_63 = tpu.memref_squeeze %dma_wait3A_62 : memref<1x128x128xf32, #tpu.memory_space<hbm>> -> memref<128x128xf32, #tpu.memory_space<hbm>>
    %dma_wait3A_64 = arith.constant 8064 : i32
    %dma_wait3A_65 = tpu.memref_slice %arg2[%add3A_36, %dma_wait3A_64, %mul3A_11] : memref<4x8192x2048xf32, #tpu.memory_space<hbm>> -> memref<1x128x128xf32, #tpu.memory_space<hbm>>
    %dma_wait3A_66 = tpu.memref_squeeze %dma_wait3A_65 : memref<1x128x128xf32, #tpu.memory_space<hbm>> -> memref<128x128xf32, #tpu.memory_space<hbm>>
    tpu.wait_dma2 semaphore(%arg8 : memref<!tpu.dma_semaphore, #tpu.memory_space<semaphore_mem>>) src(%dma_wait3A_66 : memref<128x128xf32, #tpu.memory_space<hbm>>) dst(%arg4 : memref<128x128xf32, #tpu.memory_space<vmem>>)
    %dma_wait3A_67 = arith.constant 7936 : i32
    %dma_wait3A_68 = tpu.memref_slice %arg3[%add3A_36, %dma_wait3A_67, %mul3A_11] : memref<4x8192x2048xf32, #tpu.memory_space<hbm>> -> memref<1x128x128xf32, #tpu.memory_space<hbm>>
    %dma_wait3A_69 = tpu.memref_squeeze %dma_wait3A_68 : memref<1x128x128xf32, #tpu.memory_space<hbm>> -> memref<128x128xf32, #tpu.memory_space<hbm>>
    %dma_wait3A_70 = arith.constant 7936 : i32
    %dma_wait3A_71 = tpu.memref_slice %arg3[%add3A_36, %dma_wait3A_70, %mul3A_11] : memref<4x8192x2048xf32, #tpu.memory_space<hbm>> -> memref<1x128x128xf32, #tpu.memory_space<hbm>>
    %dma_wait3A_72 = tpu.memref_squeeze %dma_wait3A_71 : memref<1x128x128xf32, #tpu.memory_space<hbm>> -> memref<128x128xf32, #tpu.memory_space<hbm>>
    tpu.wait_dma2 semaphore(%arg10 : memref<!tpu.dma_semaphore, #tpu.memory_space<semaphore_mem>>) src(%arg6 : memref<128x128xf32, #tpu.memory_space<vmem>>) dst(%dma_wait3A_72 : memref<128x128xf32, #tpu.memory_space<hbm>>)
    %dma_wait3A_73 = arith.constant 8064 : i32
    %dma_wait3A_74 = tpu.memref_slice %arg3[%add3A_36, %dma_wait3A_73, %mul3A_11] : memref<4x8192x2048xf32, #tpu.memory_space<hbm>> -> memref<1x128x128xf32, #tpu.memory_space<hbm>>
    %dma_wait3A_75 = tpu.memref_squeeze %dma_wait3A_74 : memref<1x128x128xf32, #tpu.memory_space<hbm>> -> memref<128x128xf32, #tpu.memory_space<hbm>>
    %dma_wait3A_76 = arith.constant 8064 : i32
    %dma_wait3A_77 = tpu.memref_slice %arg3[%add3A_36, %dma_wait3A_76, %mul3A_11] : memref<4x8192x2048xf32, #tpu.memory_space<hbm>> -> memref<1x128x128xf32, #tpu.memory_space<hbm>>
    %dma_wait3A_78 = tpu.memref_squeeze %dma_wait3A_77 : memref<1x128x128xf32, #tpu.memory_space<hbm>> -> memref<128x128xf32, #tpu.memory_space<hbm>>
    tpu.wait_dma2 semaphore(%arg11 : memref<!tpu.dma_semaphore, #tpu.memory_space<semaphore_mem>>) src(%arg7 : memref<128x128xf32, #tpu.memory_space<vmem>>) dst(%dma_wait3A_78 : memref<128x128xf32, #tpu.memory_space<hbm>>)
    %add3A_79 = arith.constant 1 : i32
    %add3A_80 = arith.addi %mul3A_34, %add3A_79 : i32
    %dma_start3A_81 = arith.constant 0 : i32
    %dma_start3A_82 = tpu.memref_slice %arg2[%add3A_80, %dma_start3A_81, %mul3A_11] : memref<4x8192x2048xf32, #tpu.memory_space<hbm>> -> memref<1x128x128xf32, #tpu.memory_space<hbm>>
    %dma_start3A_83 = tpu.memref_squeeze %dma_start3A_82 : memref<1x128x128xf32, #tpu.memory_space<hbm>> -> memref<128x128xf32, #tpu.memory_space<hbm>>
    %dma_start3A_84 = arith.constant 0 : i32
    %dma_start3A_85 = tpu.memref_slice %arg2[%add3A_80, %dma_start3A_84, %mul3A_11] : memref<4x8192x2048xf32, #tpu.memory_space<hbm>> -> memref<1x128x128xf32, #tpu.memory_space<hbm>>
    %dma_start3A_86 = tpu.memref_squeeze %dma_start3A_85 : memref<1x128x128xf32, #tpu.memory_space<hbm>> -> memref<128x128xf32, #tpu.memory_space<hbm>>
    tpu.enqueue_dma source(%dma_start3A_86 : memref<128x128xf32, #tpu.memory_space<hbm>>) target(%arg4 : memref<128x128xf32, #tpu.memory_space<vmem>>) target_semaphore(%arg8 : memref<!tpu.dma_semaphore, #tpu.memory_space<semaphore_mem>>)
    %broadcast_in_dim3A_87 = arith.constant 0.000000e+00 : f32
    %broadcast_in_dim3A_88 = vector.broadcast %broadcast_in_dim3A_87 : f32 to vector<16xf32>
    %broadcast_in_dim3A_89 = arith.constant 0.000000e+00 : f32
    %broadcast_in_dim3A_90 = vector.broadcast %broadcast_in_dim3A_89 : f32 to vector<16xf32>
    %broadcast_in_dim3A_91 = arith.constant 0.000000e+00 : f32
    %broadcast_in_dim3A_92 = vector.broadcast %broadcast_in_dim3A_91 : f32 to vector<16xf32>
    %broadcast_in_dim3A_93 = arith.constant 0.000000e+00 : f32
    %broadcast_in_dim3A_94 = vector.broadcast %broadcast_in_dim3A_93 : f32 to vector<16xf32>
    %broadcast_in_dim3A_95 = arith.constant 0.000000e+00 : f32
    %broadcast_in_dim3A_96 = vector.broadcast %broadcast_in_dim3A_95 : f32 to vector<16xf32>
    %broadcast_in_dim3A_97 = arith.constant 0.000000e+00 : f32
    %broadcast_in_dim3A_98 = vector.broadcast %broadcast_in_dim3A_97 : f32 to vector<16xf32>
    %broadcast_in_dim3A_99 = arith.constant 0.000000e+00 : f32
    %broadcast_in_dim3A_100 = vector.broadcast %broadcast_in_dim3A_99 : f32 to vector<16xf32>
    %broadcast_in_dim3A_101 = arith.constant 0.000000e+00 : f32
    %broadcast_in_dim3A_102 = vector.broadcast %broadcast_in_dim3A_101 : f32 to vector<16xf32>
    %scan3A_103 = arith.constant 0 : i32
    %scan3A_104 = arith.constant 32 : i32
    %scan3A_105 = arith.addi %scan3A_103, %scan3A_104 : i32
    %scan3A_106 = arith.constant 1 : i32
    %scan3A_107:8 = scf.for %scan3A_127 = %scan3A_103 to %scan3A_105 step %scan3A_106 iter_args(%scan3A_128 = %broadcast_in_dim3A_88, %scan3A_129 = %broadcast_in_dim3A_90, %scan3A_130 = %broadcast_in_dim3A_92, %scan3A_131 = %broadcast_in_dim3A_94, %scan3A_132 = %broadcast_in_dim3A_96, %scan3A_133 = %broadcast_in_dim3A_98, %scan3A_134 = %broadcast_in_dim3A_100, %scan3A_135 = %broadcast_in_dim3A_102) -> (vector<16xf32>, vector<16xf32>, vector<16xf32>, vector<16xf32>, vector<16xf32>, vector<16xf32>, vector<16xf32>, vector<16xf32>)  : i32 {
      %mul3A_136 = arith.constant 2 : i32
      %mul3A_137 = arith.muli %mul3A_136, %scan3A_127 : i32
      %add3A_138 = arith.constant 1 : i32
      %add3A_139 = arith.addi %mul3A_137, %add3A_138 : i32
      %mul3A_140 = arith.constant 128 : i32
      %mul3A_141 = arith.muli %add3A_139, %mul3A_140 : i32
      %dma_start3A_142 = tpu.memref_slice %arg2[%add3A_80, %mul3A_141, %mul3A_11] : memref<4x8192x2048xf32, #tpu.memory_space<hbm>> -> memref<1x128x128xf32, #tpu.memory_space<hbm>>
      %dma_start3A_143 = tpu.memref_squeeze %dma_start3A_142 : memref<1x128x128xf32, #tpu.memory_space<hbm>> -> memref<128x128xf32, #tpu.memory_space<hbm>>
      %dma_start3A_144 = tpu.memref_slice %arg2[%add3A_80, %mul3A_141, %mul3A_11] : memref<4x8192x2048xf32, #tpu.memory_space<hbm>> -> memref<1x128x128xf32, #tpu.memory_space<hbm>>
      %dma_start3A_145 = tpu.memref_squeeze %dma_start3A_144 : memref<1x128x128xf32, #tpu.memory_space<hbm>> -> memref<128x128xf32, #tpu.memory_space<hbm>>
      tpu.enqueue_dma source(%dma_start3A_145 : memref<128x128xf32, #tpu.memory_space<hbm>>) target(%arg5 : memref<128x128xf32, #tpu.memory_space<vmem>>) target_semaphore(%arg9 : memref<!tpu.dma_semaphore, #tpu.memory_space<semaphore_mem>>)
      %mul3A_146 = arith.constant 128 : i32
      %mul3A_147 = arith.muli %mul3A_137, %mul3A_146 : i32
      %dma_wait3A_148 = tpu.memref_slice %arg2[%add3A_80, %mul3A_147, %mul3A_11] : memref<4x8192x2048xf32, #tpu.memory_space<hbm>> -> memref<1x128x128xf32, #tpu.memory_space<hbm>>
      %dma_wait3A_149 = tpu.memref_squeeze %dma_wait3A_148 : memref<1x128x128xf32, #tpu.memory_space<hbm>> -> memref<128x128xf32, #tpu.memory_space<hbm>>
      %dma_wait3A_150 = tpu.memref_slice %arg2[%add3A_80, %mul3A_147, %mul3A_11] : memref<4x8192x2048xf32, #tpu.memory_space<hbm>> -> memref<1x128x128xf32, #tpu.memory_space<hbm>>
      %dma_wait3A_151 = tpu.memref_squeeze %dma_wait3A_150 : memref<1x128x128xf32, #tpu.memory_space<hbm>> -> memref<128x128xf32, #tpu.memory_space<hbm>>
      tpu.wait_dma2 semaphore(%arg8 : memref<!tpu.dma_semaphore, #tpu.memory_space<semaphore_mem>>) src(%dma_wait3A_151 : memref<128x128xf32, #tpu.memory_space<hbm>>) dst(%arg4 : memref<128x128xf32, #tpu.memory_space<vmem>>)
      %gt3A = arith.constant 0 : i32
      %gt3A_152 = arith.cmpi sgt, %scan3A_127, %gt3A : i32
      %convert_element_type3A = arith.extui %gt3A_152 : i1 to i32
      %cond3A = arith.constant 0 : i32
      %cond3A_153 = arith.cmpi ne, %convert_element_type3A, %cond3A : i32
      scf.if %cond3A_153 {
        %mul3A_202 = arith.constant 128 : i32
        %mul3A_203 = arith.muli %mul3A_137, %mul3A_202 : i32
        %dma_wait3A_204 = tpu.memref_slice %arg3[%add3A_80, %mul3A_203, %mul3A_11] : memref<4x8192x2048xf32, #tpu.memory_space<hbm>> -> memref<1x128x128xf32, #tpu.memory_space<hbm>>
        %dma_wait3A_205 = tpu.memref_squeeze %dma_wait3A_204 : memref<1x128x128xf32, #tpu.memory_space<hbm>> -> memref<128x128xf32, #tpu.memory_space<hbm>>
        %dma_wait3A_206 = tpu.memref_slice %arg3[%add3A_80, %mul3A_203, %mul3A_11] : memref<4x8192x2048xf32, #tpu.memory_space<hbm>> -> memref<1x128x128xf32, #tpu.memory_space<hbm>>
        %dma_wait3A_207 = tpu.memref_squeeze %dma_wait3A_206 : memref<1x128x128xf32, #tpu.memory_space<hbm>> -> memref<128x128xf32, #tpu.memory_space<hbm>>
        tpu.wait_dma2 semaphore(%arg10 : memref<!tpu.dma_semaphore, #tpu.memory_space<semaphore_mem>>) src(%arg6 : memref<128x128xf32, #tpu.memory_space<vmem>>) dst(%dma_wait3A_207 : memref<128x128xf32, #tpu.memory_space<hbm>>)
      } else {
      }
      %scan3A_154 = arith.constant 0 : i32
      %scan3A_155 = arith.constant 32 : i32
      %scan3A_156 = arith.addi %scan3A_154, %scan3A_155 : i32
      %scan3A_157 = arith.constant 1 : i32
      %scan3A_158:8 = scf.for %scan3A_202 = %scan3A_154 to %scan3A_156 step %scan3A_157 iter_args(%scan3A_203 = %scan3A_128, %scan3A_204 = %scan3A_129, %scan3A_205 = %scan3A_130, %scan3A_206 = %scan3A_131, %scan3A_207 = %scan3A_132, %scan3A_208 = %scan3A_133, %scan3A_209 = %scan3A_134, %scan3A_210 = %scan3A_135) -> (vector<16xf32>, vector<16xf32>, vector<16xf32>, vector<16xf32>, vector<16xf32>, vector<16xf32>, vector<16xf32>, vector<16xf32>)  : i32 {
        %mul3A_211 = arith.constant 4 : i32
        %mul3A_212 = arith.muli %scan3A_202, %mul3A_211 : i32
        %add3A_213 = arith.constant 0 : i32
        %add3A_214 = arith.addi %mul3A_212, %add3A_213 : i32
        %get3A = arith.index_cast %add3A_214 : i32 to index
        %get3A_215 = arith.constant 0 : index
        %get3A_216 = tpu.vector_load %arg4[%get3A, %get3A_215] {strides = array<i32>} : memref<128x128xf32, #tpu.memory_space<vmem>>, vector<1x16xf32>,
        %get3A_217 = vector.shape_cast %get3A_216 : vector<1x16xf32> to vector<16xf32>
        %add3A_218 = arith.addf %scan3A_203, %get3A_217 : vector<16xf32>
        %swap3A = arith.index_cast %add3A_214 : i32 to index
        %swap3A_219 = arith.constant 0 : index
        %swap3A_220 = tpu.vector_load %arg6[%swap3A, %swap3A_219] {strides = array<i32>} : memref<128x128xf32, #tpu.memory_space<vmem>>, vector<1x16xf32>,
        %swap3A_221 = vector.shape_cast %swap3A_220 : vector<1x16xf32> to vector<16xf32>
        %swap3A_222 = vector.shape_cast %add3A_218 : vector<16xf32> to vector<1x16xf32>
        tpu.vector_store %arg6[%swap3A, %swap3A_219], %swap3A_222 {strides = array<i32>} : memref<128x128xf32, #tpu.memory_space<vmem>>, vector<1x16xf32>,
        %get3A_223 = arith.index_cast %add3A_214 : i32 to index
        %get3A_224 = arith.constant 16 : index
        %get3A_225 = tpu.vector_load %arg4[%get3A_223, %get3A_224] {strides = array<i32>} : memref<128x128xf32, #tpu.memory_space<vmem>>, vector<1x16xf32>,
        %get3A_226 = vector.shape_cast %get3A_225 : vector<1x16xf32> to vector<16xf32>
        %add3A_227 = arith.addf %scan3A_204, %get3A_226 : vector<16xf32>
        %swap3A_228 = arith.index_cast %add3A_214 : i32 to index
        %swap3A_229 = arith.constant 16 : index
        %swap3A_230 = tpu.vector_load %arg6[%swap3A_228, %swap3A_229] {strides = array<i32>} : memref<128x128xf32, #tpu.memory_space<vmem>>, vector<1x16xf32>,
        %swap3A_231 = vector.shape_cast %swap3A_230 : vector<1x16xf32> to vector<16xf32>
        %swap3A_232 = vector.shape_cast %add3A_227 : vector<16xf32> to vector<1x16xf32>
        tpu.vector_store %arg6[%swap3A_228, %swap3A_229], %swap3A_232 {strides = array<i32>} : memref<128x128xf32, #tpu.memory_space<vmem>>, vector<1x16xf32>,
        %get3A_233 = arith.index_cast %add3A_214 : i32 to index
        %get3A_234 = arith.constant 32 : index
        %get3A_235 = tpu.vector_load %arg4[%get3A_233, %get3A_234] {strides = array<i32>} : memref<128x128xf32, #tpu.memory_space<vmem>>, vector<1x16xf32>,
        %get3A_236 = vector.shape_cast %get3A_235 : vector<1x16xf32> to vector<16xf32>
        %add3A_237 = arith.addf %scan3A_205, %get3A_236 : vector<16xf32>
        %swap3A_238 = arith.index_cast %add3A_214 : i32 to index
        %swap3A_239 = arith.constant 32 : index
        %swap3A_240 = tpu.vector_load %arg6[%swap3A_238, %swap3A_239] {strides = array<i32>} : memref<128x128xf32, #tpu.memory_space<vmem>>, vector<1x16xf32>,
        %swap3A_241 = vector.shape_cast %swap3A_240 : vector<1x16xf32> to vector<16xf32>
        %swap3A_242 = vector.shape_cast %add3A_237 : vector<16xf32> to vector<1x16xf32>
        tpu.vector_store %arg6[%swap3A_238, %swap3A_239], %swap3A_242 {strides = array<i32>} : memref<128x128xf32, #tpu.memory_space<vmem>>, vector<1x16xf32>,
        %get3A_243 = arith.index_cast %add3A_214 : i32 to index
        %get3A_244 = arith.constant 48 : index
        %get3A_245 = tpu.vector_load %arg4[%get3A_243, %get3A_244] {strides = array<i32>} : memref<128x128xf32, #tpu.memory_space<vmem>>, vector<1x16xf32>,
        %get3A_246 = vector.shape_cast %get3A_245 : vector<1x16xf32> to vector<16xf32>
        %add3A_247 = arith.addf %scan3A_206, %get3A_246 : vector<16xf32>
        %swap3A_248 = arith.index_cast %add3A_214 : i32 to index
        %swap3A_249 = arith.constant 48 : index
        %swap3A_250 = tpu.vector_load %arg6[%swap3A_248, %swap3A_249] {strides = array<i32>} : memref<128x128xf32, #tpu.memory_space<vmem>>, vector<1x16xf32>,
        %swap3A_251 = vector.shape_cast %swap3A_250 : vector<1x16xf32> to vector<16xf32>
        %swap3A_252 = vector.shape_cast %add3A_247 : vector<16xf32> to vector<1x16xf32>
        tpu.vector_store %arg6[%swap3A_248, %swap3A_249], %swap3A_252 {strides = array<i32>} : memref<128x128xf32, #tpu.memory_space<vmem>>, vector<1x16xf32>,
        %get3A_253 = arith.index_cast %add3A_214 : i32 to index
        %get3A_254 = arith.constant 64 : index
        %get3A_255 = tpu.vector_load %arg4[%get3A_253, %get3A_254] {strides = array<i32>} : memref<128x128xf32, #tpu.memory_space<vmem>>, vector<1x16xf32>,
        %get3A_256 = vector.shape_cast %get3A_255 : vector<1x16xf32> to vector<16xf32>
        %add3A_257 = arith.addf %scan3A_207, %get3A_256 : vector<16xf32>
        %swap3A_258 = arith.index_cast %add3A_214 : i32 to index
        %swap3A_259 = arith.constant 64 : index
        %swap3A_260 = tpu.vector_load %arg6[%swap3A_258, %swap3A_259] {strides = array<i32>} : memref<128x128xf32, #tpu.memory_space<vmem>>, vector<1x16xf32>,
        %swap3A_261 = vector.shape_cast %swap3A_260 : vector<1x16xf32> to vector<16xf32>
        %swap3A_262 = vector.shape_cast %add3A_257 : vector<16xf32> to vector<1x16xf32>
        tpu.vector_store %arg6[%swap3A_258, %swap3A_259], %swap3A_262 {strides = array<i32>} : memref<128x128xf32, #tpu.memory_space<vmem>>, vector<1x16xf32>,
        %get3A_263 = arith.index_cast %add3A_214 : i32 to index
        %get3A_264 = arith.constant 80 : index
        %get3A_265 = tpu.vector_load %arg4[%get3A_263, %get3A_264] {strides = array<i32>} : memref<128x128xf32, #tpu.memory_space<vmem>>, vector<1x16xf32>,
        %get3A_266 = vector.shape_cast %get3A_265 : vector<1x16xf32> to vector<16xf32>
        %add3A_267 = arith.addf %scan3A_208, %get3A_266 : vector<16xf32>
        %swap3A_268 = arith.index_cast %add3A_214 : i32 to index
        %swap3A_269 = arith.constant 80 : index
        %swap3A_270 = tpu.vector_load %arg6[%swap3A_268, %swap3A_269] {strides = array<i32>} : memref<128x128xf32, #tpu.memory_space<vmem>>, vector<1x16xf32>,
        %swap3A_271 = vector.shape_cast %swap3A_270 : vector<1x16xf32> to vector<16xf32>
        %swap3A_272 = vector.shape_cast %add3A_267 : vector<16xf32> to vector<1x16xf32>
        tpu.vector_store %arg6[%swap3A_268, %swap3A_269], %swap3A_272 {strides = array<i32>} : memref<128x128xf32, #tpu.memory_space<vmem>>, vector<1x16xf32>,
        %get3A_273 = arith.index_cast %add3A_214 : i32 to index
        %get3A_274 = arith.constant 96 : index
        %get3A_275 = tpu.vector_load %arg4[%get3A_273, %get3A_274] {strides = array<i32>} : memref<128x128xf32, #tpu.memory_space<vmem>>, vector<1x16xf32>,
        %get3A_276 = vector.shape_cast %get3A_275 : vector<1x16xf32> to vector<16xf32>
        %add3A_277 = arith.addf %scan3A_209, %get3A_276 : vector<16xf32>
        %swap3A_278 = arith.index_cast %add3A_214 : i32 to index
        %swap3A_279 = arith.constant 96 : index
        %swap3A_280 = tpu.vector_load %arg6[%swap3A_278, %swap3A_279] {strides = array<i32>} : memref<128x128xf32, #tpu.memory_space<vmem>>, vector<1x16xf32>,
        %swap3A_281 = vector.shape_cast %swap3A_280 : vector<1x16xf32> to vector<16xf32>
        %swap3A_282 = vector.shape_cast %add3A_277 : vector<16xf32> to vector<1x16xf32>
        tpu.vector_store %arg6[%swap3A_278, %swap3A_279], %swap3A_282 {strides = array<i32>} : memref<128x128xf32, #tpu.memory_space<vmem>>, vector<1x16xf32>,
        %get3A_283 = arith.index_cast %add3A_214 : i32 to index
        %get3A_284 = arith.constant 112 : index
        %get3A_285 = tpu.vector_load %arg4[%get3A_283, %get3A_284] {strides = array<i32>} : memref<128x128xf32, #tpu.memory_space<vmem>>, vector<1x16xf32>,
        %get3A_286 = vector.shape_cast %get3A_285 : vector<1x16xf32> to vector<16xf32>
        %add3A_287 = arith.addf %scan3A_210, %get3A_286 : vector<16xf32>
        %swap3A_288 = arith.index_cast %add3A_214 : i32 to index
        %swap3A_289 = arith.constant 112 : index
        %swap3A_290 = tpu.vector_load %arg6[%swap3A_288, %swap3A_289] {strides = array<i32>} : memref<128x128xf32, #tpu.memory_space<vmem>>, vector<1x16xf32>,
        %swap3A_291 = vector.shape_cast %swap3A_290 : vector<1x16xf32> to vector<16xf32>
        %swap3A_292 = vector.shape_cast %add3A_287 : vector<16xf32> to vector<1x16xf32>
        tpu.vector_store %arg6[%swap3A_288, %swap3A_289], %swap3A_292 {strides = array<i32>} : memref<128x128xf32, #tpu.memory_space<vmem>>, vector<1x16xf32>,
        %mul3A_293 = arith.constant 4 : i32
        %mul3A_294 = arith.muli %scan3A_202, %mul3A_293 : i32
        %add3A_295 = arith.constant 1 : i32
        %add3A_296 = arith.addi %mul3A_294, %add3A_295 : i32
        %get3A_297 = arith.index_cast %add3A_296 : i32 to index
        %get3A_298 = arith.constant 0 : index
        %get3A_299 = tpu.vector_load %arg4[%get3A_297, %get3A_298] {strides = array<i32>} : memref<128x128xf32, #tpu.memory_space<vmem>>, vector<1x16xf32>,
        %get3A_300 = vector.shape_cast %get3A_299 : vector<1x16xf32> to vector<16xf32>
        %add3A_301 = arith.addf %add3A_218, %get3A_300 : vector<16xf32>
        %swap3A_302 = arith.index_cast %add3A_296 : i32 to index
        %swap3A_303 = arith.constant 0 : index
        %swap3A_304 = tpu.vector_load %arg6[%swap3A_302, %swap3A_303] {strides = array<i32>} : memref<128x128xf32, #tpu.memory_space<vmem>>, vector<1x16xf32>,
        %swap3A_305 = vector.shape_cast %swap3A_304 : vector<1x16xf32> to vector<16xf32>
        %swap3A_306 = vector.shape_cast %add3A_301 : vector<16xf32> to vector<1x16xf32>
        tpu.vector_store %arg6[%swap3A_302, %swap3A_303], %swap3A_306 {strides = array<i32>} : memref<128x128xf32, #tpu.memory_space<vmem>>, vector<1x16xf32>,
        %get3A_307 = arith.index_cast %add3A_296 : i32 to index
        %get3A_308 = arith.constant 16 : index
        %get3A_309 = tpu.vector_load %arg4[%get3A_307, %get3A_308] {strides = array<i32>} : memref<128x128xf32, #tpu.memory_space<vmem>>, vector<1x16xf32>,
        %get3A_310 = vector.shape_cast %get3A_309 : vector<1x16xf32> to vector<16xf32>
        %add3A_311 = arith.addf %add3A_227, %get3A_310 : vector<16xf32>
        %swap3A_312 = arith.index_cast %add3A_296 : i32 to index
        %swap3A_313 = arith.constant 16 : index
        %swap3A_314 = tpu.vector_load %arg6[%swap3A_312, %swap3A_313] {strides = array<i32>} : memref<128x128xf32, #tpu.memory_space<vmem>>, vector<1x16xf32>,
        %swap3A_315 = vector.shape_cast %swap3A_314 : vector<1x16xf32> to vector<16xf32>
        %swap3A_316 = vector.shape_cast %add3A_311 : vector<16xf32> to vector<1x16xf32>
        tpu.vector_store %arg6[%swap3A_312, %swap3A_313], %swap3A_316 {strides = array<i32>} : memref<128x128xf32, #tpu.memory_space<vmem>>, vector<1x16xf32>,
        %get3A_317 = arith.index_cast %add3A_296 : i32 to index
        %get3A_318 = arith.constant 32 : index
        %get3A_319 = tpu.vector_load %arg4[%get3A_317, %get3A_318] {strides = array<i32>} : memref<128x128xf32, #tpu.memory_space<vmem>>, vector<1x16xf32>,
        %get3A_320 = vector.shape_cast %get3A_319 : vector<1x16xf32> to vector<16xf32>
        %add3A_321 = arith.addf %add3A_237, %get3A_320 : vector<16xf32>
        %swap3A_322 = arith.index_cast %add3A_296 : i32 to index
        %swap3A_323 = arith.constant 32 : index
        %swap3A_324 = tpu.vector_load %arg6[%swap3A_322, %swap3A_323] {strides = array<i32>} : memref<128x128xf32, #tpu.memory_space<vmem>>, vector<1x16xf32>,
        %swap3A_325 = vector.shape_cast %swap3A_324 : vector<1x16xf32> to vector<16xf32>
        %swap3A_326 = vector.shape_cast %add3A_321 : vector<16xf32> to vector<1x16xf32>
        tpu.vector_store %arg6[%swap3A_322, %swap3A_323], %swap3A_326 {strides = array<i32>} : memref<128x128xf32, #tpu.memory_space<vmem>>, vector<1x16xf32>,
        %get3A_327 = arith.index_cast %add3A_296 : i32 to index
        %get3A_328 = arith.constant 48 : index
        %get3A_329 = tpu.vector_load %arg4[%get3A_327, %get3A_328] {strides = array<i32>} : memref<128x128xf32, #tpu.memory_space<vmem>>, vector<1x16xf32>,
        %get3A_330 = vector.shape_cast %get3A_329 : vector<1x16xf32> to vector<16xf32>
        %add3A_331 = arith.addf %add3A_247, %get3A_330 : vector<16xf32>
        %swap3A_332 = arith.index_cast %add3A_296 : i32 to index
        %swap3A_333 = arith.constant 48 : index
        %swap3A_334 = tpu.vector_load %arg6[%swap3A_332, %swap3A_333] {strides = array<i32>} : memref<128x128xf32, #tpu.memory_space<vmem>>, vector<1x16xf32>,
        %swap3A_335 = vector.shape_cast %swap3A_334 : vector<1x16xf32> to vector<16xf32>
        %swap3A_336 = vector.shape_cast %add3A_331 : vector<16xf32> to vector<1x16xf32>
        tpu.vector_store %arg6[%swap3A_332, %swap3A_333], %swap3A_336 {strides = array<i32>} : memref<128x128xf32, #tpu.memory_space<vmem>>, vector<1x16xf32>,
        %get3A_337 = arith.index_cast %add3A_296 : i32 to index
        %get3A_338 = arith.constant 64 : index
        %get3A_339 = tpu.vector_load %arg4[%get3A_337, %get3A_338] {strides = array<i32>} : memref<128x128xf32, #tpu.memory_space<vmem>>, vector<1x16xf32>,
        %get3A_340 = vector.shape_cast %get3A_339 : vector<1x16xf32> to vector<16xf32>
        %add3A_341 = arith.addf %add3A_257, %get3A_340 : vector<16xf32>
        %swap3A_342 = arith.index_cast %add3A_296 : i32 to index
        %swap3A_343 = arith.constant 64 : index
        %swap3A_344 = tpu.vector_load %arg6[%swap3A_342, %swap3A_343] {strides = array<i32>} : memref<128x128xf32, #tpu.memory_space<vmem>>, vector<1x16xf32>,
        %swap3A_345 = vector.shape_cast %swap3A_344 : vector<1x16xf32> to vector<16xf32>
        %swap3A_346 = vector.shape_cast %add3A_341 : vector<16xf32> to vector<1x16xf32>
        tpu.vector_store %arg6[%swap3A_342, %swap3A_343], %swap3A_346 {strides = array<i32>} : memref<128x128xf32, #tpu.memory_space<vmem>>, vector<1x16xf32>,
        %get3A_347 = arith.index_cast %add3A_296 : i32 to index
        %get3A_348 = arith.constant 80 : index
        %get3A_349 = tpu.vector_load %arg4[%get3A_347, %get3A_348] {strides = array<i32>} : memref<128x128xf32, #tpu.memory_space<vmem>>, vector<1x16xf32>,
        %get3A_350 = vector.shape_cast %get3A_349 : vector<1x16xf32> to vector<16xf32>
        %add3A_351 = arith.addf %add3A_267, %get3A_350 : vector<16xf32>
        %swap3A_352 = arith.index_cast %add3A_296 : i32 to index
        %swap3A_353 = arith.constant 80 : index
        %swap3A_354 = tpu.vector_load %arg6[%swap3A_352, %swap3A_353] {strides = array<i32>} : memref<128x128xf32, #tpu.memory_space<vmem>>, vector<1x16xf32>,
        %swap3A_355 = vector.shape_cast %swap3A_354 : vector<1x16xf32> to vector<16xf32>
        %swap3A_356 = vector.shape_cast %add3A_351 : vector<16xf32> to vector<1x16xf32>
        tpu.vector_store %arg6[%swap3A_352, %swap3A_353], %swap3A_356 {strides = array<i32>} : memref<128x128xf32, #tpu.memory_space<vmem>>, vector<1x16xf32>,
        %get3A_357 = arith.index_cast %add3A_296 : i32 to index
        %get3A_358 = arith.constant 96 : index
        %get3A_359 = tpu.vector_load %arg4[%get3A_357, %get3A_358] {strides = array<i32>} : memref<128x128xf32, #tpu.memory_space<vmem>>, vector<1x16xf32>,
        %get3A_360 = vector.shape_cast %get3A_359 : vector<1x16xf32> to vector<16xf32>
        %add3A_361 = arith.addf %add3A_277, %get3A_360 : vector<16xf32>
        %swap3A_362 = arith.index_cast %add3A_296 : i32 to index
        %swap3A_363 = arith.constant 96 : index
        %swap3A_364 = tpu.vector_load %arg6[%swap3A_362, %swap3A_363] {strides = array<i32>} : memref<128x128xf32, #tpu.memory_space<vmem>>, vector<1x16xf32>,
        %swap3A_365 = vector.shape_cast %swap3A_364 : vector<1x16xf32> to vector<16xf32>
        %swap3A_366 = vector.shape_cast %add3A_361 : vector<16xf32> to vector<1x16xf32>
        tpu.vector_store %arg6[%swap3A_362, %swap3A_363], %swap3A_366 {strides = array<i32>} : memref<128x128xf32, #tpu.memory_space<vmem>>, vector<1x16xf32>,
        %get3A_367 = arith.index_cast %add3A_296 : i32 to index
        %get3A_368 = arith.constant 112 : index
        %get3A_369 = tpu.vector_load %arg4[%get3A_367, %get3A_368] {strides = array<i32>} : memref<128x128xf32, #tpu.memory_space<vmem>>, vector<1x16xf32>,
        %get3A_370 = vector.shape_cast %get3A_369 : vector<1x16xf32> to vector<16xf32>
        %add3A_371 = arith.addf %add3A_287, %get3A_370 : vector<16xf32>
        %swap3A_372 = arith.index_cast %add3A_296 : i32 to index
        %swap3A_373 = arith.constant 112 : index
        %swap3A_374 = tpu.vector_load %arg6[%swap3A_372, %swap3A_373] {strides = array<i32>} : memref<128x128xf32, #tpu.memory_space<vmem>>, vector<1x16xf32>,
        %swap3A_375 = vector.shape_cast %swap3A_374 : vector<1x16xf32> to vector<16xf32>
        %swap3A_376 = vector.shape_cast %add3A_371 : vector<16xf32> to vector<1x16xf32>
        tpu.vector_store %arg6[%swap3A_372, %swap3A_373], %swap3A_376 {strides = array<i32>} : memref<128x128xf32, #tpu.memory_space<vmem>>, vector<1x16xf32>,
        %mul3A_377 = arith.constant 4 : i32
        %mul3A_378 = arith.muli %scan3A_202, %mul3A_377 : i32
        %add3A_379 = arith.constant 2 : i32
        %add3A_380 = arith.addi %mul3A_378, %add3A_379 : i32
        %get3A_381 = arith.index_cast %add3A_380 : i32 to index
        %get3A_382 = arith.constant 0 : index
        %get3A_383 = tpu.vector_load %arg4[%get3A_381, %get3A_382] {strides = array<i32>} : memref<128x128xf32, #tpu.memory_space<vmem>>, vector<1x16xf32>,
        %get3A_384 = vector.shape_cast %get3A_383 : vector<1x16xf32> to vector<16xf32>
        %add3A_385 = arith.addf %add3A_301, %get3A_384 : vector<16xf32>
        %swap3A_386 = arith.index_cast %add3A_380 : i32 to index
        %swap3A_387 = arith.constant 0 : index
        %swap3A_388 = tpu.vector_load %arg6[%swap3A_386, %swap3A_387] {strides = array<i32>} : memref<128x128xf32, #tpu.memory_space<vmem>>, vector<1x16xf32>,
        %swap3A_389 = vector.shape_cast %swap3A_388 : vector<1x16xf32> to vector<16xf32>
        %swap3A_390 = vector.shape_cast %add3A_385 : vector<16xf32> to vector<1x16xf32>
        tpu.vector_store %arg6[%swap3A_386, %swap3A_387], %swap3A_390 {strides = array<i32>} : memref<128x128xf32, #tpu.memory_space<vmem>>, vector<1x16xf32>,
        %get3A_391 = arith.index_cast %add3A_380 : i32 to index
        %get3A_392 = arith.constant 16 : index
        %get3A_393 = tpu.vector_load %arg4[%get3A_391, %get3A_392] {strides = array<i32>} : memref<128x128xf32, #tpu.memory_space<vmem>>, vector<1x16xf32>,
        %get3A_394 = vector.shape_cast %get3A_393 : vector<1x16xf32> to vector<16xf32>
        %add3A_395 = arith.addf %add3A_311, %get3A_394 : vector<16xf32>
        %swap3A_396 = arith.index_cast %add3A_380 : i32 to index
        %swap3A_397 = arith.constant 16 : index
        %swap3A_398 = tpu.vector_load %arg6[%swap3A_396, %swap3A_397] {strides = array<i32>} : memref<128x128xf32, #tpu.memory_space<vmem>>, vector<1x16xf32>,
        %swap3A_399 = vector.shape_cast %swap3A_398 : vector<1x16xf32> to vector<16xf32>
        %swap3A_400 = vector.shape_cast %add3A_395 : vector<16xf32> to vector<1x16xf32>
        tpu.vector_store %arg6[%swap3A_396, %swap3A_397], %swap3A_400 {strides = array<i32>} : memref<128x128xf32, #tpu.memory_space<vmem>>, vector<1x16xf32>,
        %get3A_401 = arith.index_cast %add3A_380 : i32 to index
        %get3A_402 = arith.constant 32 : index
        %get3A_403 = tpu.vector_load %arg4[%get3A_401, %get3A_402] {strides = array<i32>} : memref<128x128xf32, #tpu.memory_space<vmem>>, vector<1x16xf32>,
        %get3A_404 = vector.shape_cast %get3A_403 : vector<1x16xf32> to vector<16xf32>
        %add3A_405 = arith.addf %add3A_321, %get3A_404 : vector<16xf32>
        %swap3A_406 = arith.index_cast %add3A_380 : i32 to index
        %swap3A_407 = arith.constant 32 : index
        %swap3A_408 = tpu.vector_load %arg6[%swap3A_406, %swap3A_407] {strides = array<i32>} : memref<128x128xf32, #tpu.memory_space<vmem>>, vector<1x16xf32>,
        %swap3A_409 = vector.shape_cast %swap3A_408 : vector<1x16xf32> to vector<16xf32>
        %swap3A_410 = vector.shape_cast %add3A_405 : vector<16xf32> to vector<1x16xf32>
        tpu.vector_store %arg6[%swap3A_406, %swap3A_407], %swap3A_410 {strides = array<i32>} : memref<128x128xf32, #tpu.memory_space<vmem>>, vector<1x16xf32>,
        %get3A_411 = arith.index_cast %add3A_380 : i32 to index
        %get3A_412 = arith.constant 48 : index
        %get3A_413 = tpu.vector_load %arg4[%get3A_411, %get3A_412] {strides = array<i32>} : memref<128x128xf32, #tpu.memory_space<vmem>>, vector<1x16xf32>,
        %get3A_414 = vector.shape_cast %get3A_413 : vector<1x16xf32> to vector<16xf32>
        %add3A_415 = arith.addf %add3A_331, %get3A_414 : vector<16xf32>
        %swap3A_416 = arith.index_cast %add3A_380 : i32 to index
        %swap3A_417 = arith.constant 48 : index
        %swap3A_418 = tpu.vector_load %arg6[%swap3A_416, %swap3A_417] {strides = array<i32>} : memref<128x128xf32, #tpu.memory_space<vmem>>, vector<1x16xf32>,
        %swap3A_419 = vector.shape_cast %swap3A_418 : vector<1x16xf32> to vector<16xf32>
        %swap3A_420 = vector.shape_cast %add3A_415 : vector<16xf32> to vector<1x16xf32>
        tpu.vector_store %arg6[%swap3A_416, %swap3A_417], %swap3A_420 {strides = array<i32>} : memref<128x128xf32, #tpu.memory_space<vmem>>, vector<1x16xf32>,
        %get3A_421 = arith.index_cast %add3A_380 : i32 to index
        %get3A_422 = arith.constant 64 : index
        %get3A_423 = tpu.vector_load %arg4[%get3A_421, %get3A_422] {strides = array<i32>} : memref<128x128xf32, #tpu.memory_space<vmem>>, vector<1x16xf32>,
        %get3A_424 = vector.shape_cast %get3A_423 : vector<1x16xf32> to vector<16xf32>
        %add3A_425 = arith.addf %add3A_341, %get3A_424 : vector<16xf32>
        %swap3A_426 = arith.index_cast %add3A_380 : i32 to index
        %swap3A_427 = arith.constant 64 : index
        %swap3A_428 = tpu.vector_load %arg6[%swap3A_426, %swap3A_427] {strides = array<i32>} : memref<128x128xf32, #tpu.memory_space<vmem>>, vector<1x16xf32>,
        %swap3A_429 = vector.shape_cast %swap3A_428 : vector<1x16xf32> to vector<16xf32>
        %swap3A_430 = vector.shape_cast %add3A_425 : vector<16xf32> to vector<1x16xf32>
        tpu.vector_store %arg6[%swap3A_426, %swap3A_427], %swap3A_430 {strides = array<i32>} : memref<128x128xf32, #tpu.memory_space<vmem>>, vector<1x16xf32>,
        %get3A_431 = arith.index_cast %add3A_380 : i32 to index
        %get3A_432 = arith.constant 80 : index
        %get3A_433 = tpu.vector_load %arg4[%get3A_431, %get3A_432] {strides = array<i32>} : memref<128x128xf32, #tpu.memory_space<vmem>>, vector<1x16xf32>,
        %get3A_434 = vector.shape_cast %get3A_433 : vector<1x16xf32> to vector<16xf32>
        %add3A_435 = arith.addf %add3A_351, %get3A_434 : vector<16xf32>
        %swap3A_436 = arith.index_cast %add3A_380 : i32 to index
        %swap3A_437 = arith.constant 80 : index
        %swap3A_438 = tpu.vector_load %arg6[%swap3A_436, %swap3A_437] {strides = array<i32>} : memref<128x128xf32, #tpu.memory_space<vmem>>, vector<1x16xf32>,
        %swap3A_439 = vector.shape_cast %swap3A_438 : vector<1x16xf32> to vector<16xf32>
        %swap3A_440 = vector.shape_cast %add3A_435 : vector<16xf32> to vector<1x16xf32>
        tpu.vector_store %arg6[%swap3A_436, %swap3A_437], %swap3A_440 {strides = array<i32>} : memref<128x128xf32, #tpu.memory_space<vmem>>, vector<1x16xf32>,
        %get3A_441 = arith.index_cast %add3A_380 : i32 to index
        %get3A_442 = arith.constant 96 : index
        %get3A_443 = tpu.vector_load %arg4[%get3A_441, %get3A_442] {strides = array<i32>} : memref<128x128xf32, #tpu.memory_space<vmem>>, vector<1x16xf32>,
        %get3A_444 = vector.shape_cast %get3A_443 : vector<1x16xf32> to vector<16xf32>
        %add3A_445 = arith.addf %add3A_361, %get3A_444 : vector<16xf32>
        %swap3A_446 = arith.index_cast %add3A_380 : i32 to index
        %swap3A_447 = arith.constant 96 : index
        %swap3A_448 = tpu.vector_load %arg6[%swap3A_446, %swap3A_447] {strides = array<i32>} : memref<128x128xf32, #tpu.memory_space<vmem>>, vector<1x16xf32>,
        %swap3A_449 = vector.shape_cast %swap3A_448 : vector<1x16xf32> to vector<16xf32>
        %swap3A_450 = vector.shape_cast %add3A_445 : vector<16xf32> to vector<1x16xf32>
        tpu.vector_store %arg6[%swap3A_446, %swap3A_447], %swap3A_450 {strides = array<i32>} : memref<128x128xf32, #tpu.memory_space<vmem>>, vector<1x16xf32>,
        %get3A_451 = arith.index_cast %add3A_380 : i32 to index
        %get3A_452 = arith.constant 112 : index
        %get3A_453 = tpu.vector_load %arg4[%get3A_451, %get3A_452] {strides = array<i32>} : memref<128x128xf32, #tpu.memory_space<vmem>>, vector<1x16xf32>,
        %get3A_454 = vector.shape_cast %get3A_453 : vector<1x16xf32> to vector<16xf32>
        %add3A_455 = arith.addf %add3A_371, %get3A_454 : vector<16xf32>
        %swap3A_456 = arith.index_cast %add3A_380 : i32 to index
        %swap3A_457 = arith.constant 112 : index
        %swap3A_458 = tpu.vector_load %arg6[%swap3A_456, %swap3A_457] {strides = array<i32>} : memref<128x128xf32, #tpu.memory_space<vmem>>, vector<1x16xf32>,
        %swap3A_459 = vector.shape_cast %swap3A_458 : vector<1x16xf32> to vector<16xf32>
        %swap3A_460 = vector.shape_cast %add3A_455 : vector<16xf32> to vector<1x16xf32>
        tpu.vector_store %arg6[%swap3A_456, %swap3A_457], %swap3A_460 {strides = array<i32>} : memref<128x128xf32, #tpu.memory_space<vmem>>, vector<1x16xf32>,
        %mul3A_461 = arith.constant 4 : i32
        %mul3A_462 = arith.muli %scan3A_202, %mul3A_461 : i32
        %add3A_463 = arith.constant 3 : i32
        %add3A_464 = arith.addi %mul3A_462, %add3A_463 : i32
        %get3A_465 = arith.index_cast %add3A_464 : i32 to index
        %get3A_466 = arith.constant 0 : index
        %get3A_467 = tpu.vector_load %arg4[%get3A_465, %get3A_466] {strides = array<i32>} : memref<128x128xf32, #tpu.memory_space<vmem>>, vector<1x16xf32>,
        %get3A_468 = vector.shape_cast %get3A_467 : vector<1x16xf32> to vector<16xf32>
        %add3A_469 = arith.addf %add3A_385, %get3A_468 : vector<16xf32>
        %swap3A_470 = arith.index_cast %add3A_464 : i32 to index
        %swap3A_471 = arith.constant 0 : index
        %swap3A_472 = tpu.vector_load %arg6[%swap3A_470, %swap3A_471] {strides = array<i32>} : memref<128x128xf32, #tpu.memory_space<vmem>>, vector<1x16xf32>,
        %swap3A_473 = vector.shape_cast %swap3A_472 : vector<1x16xf32> to vector<16xf32>
        %swap3A_474 = vector.shape_cast %add3A_469 : vector<16xf32> to vector<1x16xf32>
        tpu.vector_store %arg6[%swap3A_470, %swap3A_471], %swap3A_474 {strides = array<i32>} : memref<128x128xf32, #tpu.memory_space<vmem>>, vector<1x16xf32>,
        %get3A_475 = arith.index_cast %add3A_464 : i32 to index
        %get3A_476 = arith.constant 16 : index
        %get3A_477 = tpu.vector_load %arg4[%get3A_475, %get3A_476] {strides = array<i32>} : memref<128x128xf32, #tpu.memory_space<vmem>>, vector<1x16xf32>,
        %get3A_478 = vector.shape_cast %get3A_477 : vector<1x16xf32> to vector<16xf32>
        %add3A_479 = arith.addf %add3A_395, %get3A_478 : vector<16xf32>
        %swap3A_480 = arith.index_cast %add3A_464 : i32 to index
        %swap3A_481 = arith.constant 16 : index
        %swap3A_482 = tpu.vector_load %arg6[%swap3A_480, %swap3A_481] {strides = array<i32>} : memref<128x128xf32, #tpu.memory_space<vmem>>, vector<1x16xf32>,
        %swap3A_483 = vector.shape_cast %swap3A_482 : vector<1x16xf32> to vector<16xf32>
        %swap3A_484 = vector.shape_cast %add3A_479 : vector<16xf32> to vector<1x16xf32>
        tpu.vector_store %arg6[%swap3A_480, %swap3A_481], %swap3A_484 {strides = array<i32>} : memref<128x128xf32, #tpu.memory_space<vmem>>, vector<1x16xf32>,
        %get3A_485 = arith.index_cast %add3A_464 : i32 to index
        %get3A_486 = arith.constant 32 : index
        %get3A_487 = tpu.vector_load %arg4[%get3A_485, %get3A_486] {strides = array<i32>} : memref<128x128xf32, #tpu.memory_space<vmem>>, vector<1x16xf32>,
        %get3A_488 = vector.shape_cast %get3A_487 : vector<1x16xf32> to vector<16xf32>
        %add3A_489 = arith.addf %add3A_405, %get3A_488 : vector<16xf32>
        %swap3A_490 = arith.index_cast %add3A_464 : i32 to index
        %swap3A_491 = arith.constant 32 : index
        %swap3A_492 = tpu.vector_load %arg6[%swap3A_490, %swap3A_491] {strides = array<i32>} : memref<128x128xf32, #tpu.memory_space<vmem>>, vector<1x16xf32>,
        %swap3A_493 = vector.shape_cast %swap3A_492 : vector<1x16xf32> to vector<16xf32>
        %swap3A_494 = vector.shape_cast %add3A_489 : vector<16xf32> to vector<1x16xf32>
        tpu.vector_store %arg6[%swap3A_490, %swap3A_491], %swap3A_494 {strides = array<i32>} : memref<128x128xf32, #tpu.memory_space<vmem>>, vector<1x16xf32>,
        %get3A_495 = arith.index_cast %add3A_464 : i32 to index
        %get3A_496 = arith.constant 48 : index
        %get3A_497 = tpu.vector_load %arg4[%get3A_495, %get3A_496] {strides = array<i32>} : memref<128x128xf32, #tpu.memory_space<vmem>>, vector<1x16xf32>,
        %get3A_498 = vector.shape_cast %get3A_497 : vector<1x16xf32> to vector<16xf32>
        %add3A_499 = arith.addf %add3A_415, %get3A_498 : vector<16xf32>
        %swap3A_500 = arith.index_cast %add3A_464 : i32 to index
        %swap3A_501 = arith.constant 48 : index
        %swap3A_502 = tpu.vector_load %arg6[%swap3A_500, %swap3A_501] {strides = array<i32>} : memref<128x128xf32, #tpu.memory_space<vmem>>, vector<1x16xf32>,
        %swap3A_503 = vector.shape_cast %swap3A_502 : vector<1x16xf32> to vector<16xf32>
        %swap3A_504 = vector.shape_cast %add3A_499 : vector<16xf32> to vector<1x16xf32>
        tpu.vector_store %arg6[%swap3A_500, %swap3A_501], %swap3A_504 {strides = array<i32>} : memref<128x128xf32, #tpu.memory_space<vmem>>, vector<1x16xf32>,
        %get3A_505 = arith.index_cast %add3A_464 : i32 to index
        %get3A_506 = arith.constant 64 : index
        %get3A_507 = tpu.vector_load %arg4[%get3A_505, %get3A_506] {strides = array<i32>} : memref<128x128xf32, #tpu.memory_space<vmem>>, vector<1x16xf32>,
        %get3A_508 = vector.shape_cast %get3A_507 : vector<1x16xf32> to vector<16xf32>
        %add3A_509 = arith.addf %add3A_425, %get3A_508 : vector<16xf32>
        %swap3A_510 = arith.index_cast %add3A_464 : i32 to index
        %swap3A_511 = arith.constant 64 : index
        %swap3A_512 = tpu.vector_load %arg6[%swap3A_510, %swap3A_511] {strides = array<i32>} : memref<128x128xf32, #tpu.memory_space<vmem>>, vector<1x16xf32>,
        %swap3A_513 = vector.shape_cast %swap3A_512 : vector<1x16xf32> to vector<16xf32>
        %swap3A_514 = vector.shape_cast %add3A_509 : vector<16xf32> to vector<1x16xf32>
        tpu.vector_store %arg6[%swap3A_510, %swap3A_511], %swap3A_514 {strides = array<i32>} : memref<128x128xf32, #tpu.memory_space<vmem>>, vector<1x16xf32>,
        %get3A_515 = arith.index_cast %add3A_464 : i32 to index
        %get3A_516 = arith.constant 80 : index
        %get3A_517 = tpu.vector_load %arg4[%get3A_515, %get3A_516] {strides = array<i32>} : memref<128x128xf32, #tpu.memory_space<vmem>>, vector<1x16xf32>,
        %get3A_518 = vector.shape_cast %get3A_517 : vector<1x16xf32> to vector<16xf32>
        %add3A_519 = arith.addf %add3A_435, %get3A_518 : vector<16xf32>
        %swap3A_520 = arith.index_cast %add3A_464 : i32 to index
        %swap3A_521 = arith.constant 80 : index
        %swap3A_522 = tpu.vector_load %arg6[%swap3A_520, %swap3A_521] {strides = array<i32>} : memref<128x128xf32, #tpu.memory_space<vmem>>, vector<1x16xf32>,
        %swap3A_523 = vector.shape_cast %swap3A_522 : vector<1x16xf32> to vector<16xf32>
        %swap3A_524 = vector.shape_cast %add3A_519 : vector<16xf32> to vector<1x16xf32>
        tpu.vector_store %arg6[%swap3A_520, %swap3A_521], %swap3A_524 {strides = array<i32>} : memref<128x128xf32, #tpu.memory_space<vmem>>, vector<1x16xf32>,
        %get3A_525 = arith.index_cast %add3A_464 : i32 to index
        %get3A_526 = arith.constant 96 : index
        %get3A_527 = tpu.vector_load %arg4[%get3A_525, %get3A_526] {strides = array<i32>} : memref<128x128xf32, #tpu.memory_space<vmem>>, vector<1x16xf32>,
        %get3A_528 = vector.shape_cast %get3A_527 : vector<1x16xf32> to vector<16xf32>
        %add3A_529 = arith.addf %add3A_445, %get3A_528 : vector<16xf32>
        %swap3A_530 = arith.index_cast %add3A_464 : i32 to index
        %swap3A_531 = arith.constant 96 : index
        %swap3A_532 = tpu.vector_load %arg6[%swap3A_530, %swap3A_531] {strides = array<i32>} : memref<128x128xf32, #tpu.memory_space<vmem>>, vector<1x16xf32>,
        %swap3A_533 = vector.shape_cast %swap3A_532 : vector<1x16xf32> to vector<16xf32>
        %swap3A_534 = vector.shape_cast %add3A_529 : vector<16xf32> to vector<1x16xf32>
        tpu.vector_store %arg6[%swap3A_530, %swap3A_531], %swap3A_534 {strides = array<i32>} : memref<128x128xf32, #tpu.memory_space<vmem>>, vector<1x16xf32>,
        %get3A_535 = arith.index_cast %add3A_464 : i32 to index
        %get3A_536 = arith.constant 112 : index
        %get3A_537 = tpu.vector_load %arg4[%get3A_535, %get3A_536] {strides = array<i32>} : memref<128x128xf32, #tpu.memory_space<vmem>>, vector<1x16xf32>,
        %get3A_538 = vector.shape_cast %get3A_537 : vector<1x16xf32> to vector<16xf32>
        %add3A_539 = arith.addf %add3A_455, %get3A_538 : vector<16xf32>
        %swap3A_540 = arith.index_cast %add3A_464 : i32 to index
        %swap3A_541 = arith.constant 112 : index
        %swap3A_542 = tpu.vector_load %arg6[%swap3A_540, %swap3A_541] {strides = array<i32>} : memref<128x128xf32, #tpu.memory_space<vmem>>, vector<1x16xf32>,
        %swap3A_543 = vector.shape_cast %swap3A_542 : vector<1x16xf32> to vector<16xf32>
        %swap3A_544 = vector.shape_cast %add3A_539 : vector<16xf32> to vector<1x16xf32>
        tpu.vector_store %arg6[%swap3A_540, %swap3A_541], %swap3A_544 {strides = array<i32>} : memref<128x128xf32, #tpu.memory_space<vmem>>, vector<1x16xf32>,
        scf.yield %add3A_469, %add3A_479, %add3A_489, %add3A_499, %add3A_509, %add3A_519, %add3A_529, %add3A_539 : vector<16xf32>, vector<16xf32>, vector<16xf32>, vector<16xf32>, vector<16xf32>, vector<16xf32>, vector<16xf32>, vector<16xf32>
      }
      %scan3A_159 = arith.constant 32 : i32
      %mul3A_160 = arith.constant 128 : i32
      %mul3A_161 = arith.muli %mul3A_137, %mul3A_160 : i32
      %dma_start3A_162 = tpu.memref_slice %arg3[%add3A_80, %mul3A_161, %mul3A_11] : memref<4x8192x2048xf32, #tpu.memory_space<hbm>> -> memref<1x128x128xf32, #tpu.memory_space<hbm>>
      %dma_start3A_163 = tpu.memref_squeeze %dma_start3A_162 : memref<1x128x128xf32, #tpu.memory_space<hbm>> -> memref<128x128xf32, #tpu.memory_space<hbm>>
      %dma_start3A_164 = tpu.memref_slice %arg3[%add3A_80, %mul3A_161, %mul3A_11] : memref<4x8192x2048xf32, #tpu.memory_space<hbm>> -> memref<1x128x128xf32, #tpu.memory_space<hbm>>
      %dma_start3A_165 = tpu.memref_squeeze %dma_start3A_164 : memref<1x128x128xf32, #tpu.memory_space<hbm>> -> memref<128x128xf32, #tpu.memory_space<hbm>>
      tpu.enqueue_dma source(%arg6 : memref<128x128xf32, #tpu.memory_space<vmem>>) target(%dma_start3A_165 : memref<128x128xf32, #tpu.memory_space<hbm>>) target_semaphore(%arg10 : memref<!tpu.dma_semaphore, #tpu.memory_space<semaphore_mem>>)
      %add3A_166 = arith.constant 2 : i32
      %add3A_167 = arith.addi %mul3A_137, %add3A_166 : i32
      %min3A = arith.constant 63 : i32
      %min3A_168 = arith.minsi %add3A_167, %min3A : i32
      %mul3A_169 = arith.constant 128 : i32
      %mul3A_170 = arith.muli %min3A_168, %mul3A_169 : i32
      %dma_start3A_171 = tpu.memref_slice %arg2[%add3A_80, %mul3A_170, %mul3A_11] : memref<4x8192x2048xf32, #tpu.memory_space<hbm>> -> memref<1x128x128xf32, #tpu.memory_space<hbm>>
      %dma_start3A_172 = tpu.memref_squeeze %dma_start3A_171 : memref<1x128x128xf32, #tpu.memory_space<hbm>> -> memref<128x128xf32, #tpu.memory_space<hbm>>
      %dma_start3A_173 = tpu.memref_slice %arg2[%add3A_80, %mul3A_170, %mul3A_11] : memref<4x8192x2048xf32, #tpu.memory_space<hbm>> -> memref<1x128x128xf32, #tpu.memory_space<hbm>>
      %dma_start3A_174 = tpu.memref_squeeze %dma_start3A_173 : memref<1x128x128xf32, #tpu.memory_space<hbm>> -> memref<128x128xf32, #tpu.memory_space<hbm>>
      tpu.enqueue_dma source(%dma_start3A_174 : memref<128x128xf32, #tpu.memory_space<hbm>>) target(%arg4 : memref<128x128xf32, #tpu.memory_space<vmem>>) target_semaphore(%arg8 : memref<!tpu.dma_semaphore, #tpu.memory_space<semaphore_mem>>)
      %add3A_175 = arith.constant 1 : i32
      %add3A_176 = arith.addi %mul3A_137, %add3A_175 : i32
      %mul3A_177 = arith.constant 128 : i32
      %mul3A_178 = arith.muli %add3A_176, %mul3A_177 : i32
      %dma_wait3A_179 = tpu.memref_slice %arg2[%add3A_80, %mul3A_178, %mul3A_11] : memref<4x8192x2048xf32, #tpu.memory_space<hbm>> -> memref<1x128x128xf32, #tpu.memory_space<hbm>>
      %dma_wait3A_180 = tpu.memref_squeeze %dma_wait3A_179 : memref<1x128x128xf32, #tpu.memory_space<hbm>> -> memref<128x128xf32, #tpu.memory_space<hbm>>
      %dma_wait3A_181 = tpu.memref_slice %arg2[%add3A_80, %mul3A_178, %mul3A_11] : memref<4x8192x2048xf32, #tpu.memory_space<hbm>> -> memref<1x128x128xf32, #tpu.memory_space<hbm>>
      %dma_wait3A_182 = tpu.memref_squeeze %dma_wait3A_181 : memref<1x128x128xf32, #tpu.memory_space<hbm>> -> memref<128x128xf32, #tpu.memory_space<hbm>>
      tpu.wait_dma2 semaphore(%arg9 : memref<!tpu.dma_semaphore, #tpu.memory_space<semaphore_mem>>) src(%dma_wait3A_182 : memref<128x128xf32, #tpu.memory_space<hbm>>) dst(%arg5 : memref<128x128xf32, #tpu.memory_space<vmem>>)
      %gt3A_183 = arith.constant 0 : i32
      %gt3A_184 = arith.cmpi sgt, %scan3A_127, %gt3A_183 : i32
      %convert_element_type3A_185 = arith.extui %gt3A_184 : i1 to i32
      %cond3A_186 = arith.constant 0 : i32
      %cond3A_187 = arith.cmpi ne, %convert_element_type3A_185, %cond3A_186 : i32
      scf.if %cond3A_187 {
        %add3A_202 = arith.constant 1 : i32
        %add3A_203 = arith.addi %mul3A_137, %add3A_202 : i32
        %mul3A_204 = arith.constant 128 : i32
        %mul3A_205 = arith.muli %add3A_203, %mul3A_204 : i32
        %dma_wait3A_206 = tpu.memref_slice %arg3[%add3A_80, %mul3A_205, %mul3A_11] : memref<4x8192x2048xf32, #tpu.memory_space<hbm>> -> memref<1x128x128xf32, #tpu.memory_space<hbm>>
        %dma_wait3A_207 = tpu.memref_squeeze %dma_wait3A_206 : memref<1x128x128xf32, #tpu.memory_space<hbm>> -> memref<128x128xf32, #tpu.memory_space<hbm>>
        %dma_wait3A_208 = tpu.memref_slice %arg3[%add3A_80, %mul3A_205, %mul3A_11] : memref<4x8192x2048xf32, #tpu.memory_space<hbm>> -> memref<1x128x128xf32, #tpu.memory_space<hbm>>
        %dma_wait3A_209 = tpu.memref_squeeze %dma_wait3A_208 : memref<1x128x128xf32, #tpu.memory_space<hbm>> -> memref<128x128xf32, #tpu.memory_space<hbm>>
        tpu.wait_dma2 semaphore(%arg11 : memref<!tpu.dma_semaphore, #tpu.memory_space<semaphore_mem>>) src(%arg7 : memref<128x128xf32, #tpu.memory_space<vmem>>) dst(%dma_wait3A_209 : memref<128x128xf32, #tpu.memory_space<hbm>>)
      } else {
      }
      %scan3A_188 = arith.constant 0 : i32
      %scan3A_189 = arith.constant 32 : i32
      %scan3A_190 = arith.addi %scan3A_188, %scan3A_189 : i32
      %scan3A_191 = arith.constant 1 : i32
      %scan3A_192:8 = scf.for %scan3A_202 = %scan3A_188 to %scan3A_190 step %scan3A_191 iter_args(%scan3A_203 = %scan3A_158#0, %scan3A_204 = %scan3A_158#1, %scan3A_205 = %scan3A_158#2, %scan3A_206 = %scan3A_158#3, %scan3A_207 = %scan3A_158#4, %scan3A_208 = %scan3A_158#5, %scan3A_209 = %scan3A_158#6, %scan3A_210 = %scan3A_158#7) -> (vector<16xf32>, vector<16xf32>, vector<16xf32>, vector<16xf32>, vector<16xf32>, vector<16xf32>, vector<16xf32>, vector<16xf32>)  : i32 {
        %mul3A_211 = arith.constant 4 : i32
        %mul3A_212 = arith.muli %scan3A_202, %mul3A_211 : i32
        %add3A_213 = arith.constant 0 : i32
        %add3A_214 = arith.addi %mul3A_212, %add3A_213 : i32
        %get3A = arith.index_cast %add3A_214 : i32 to index
        %get3A_215 = arith.constant 0 : index
        %get3A_216 = tpu.vector_load %arg5[%get3A, %get3A_215] {strides = array<i32>} : memref<128x128xf32, #tpu.memory_space<vmem>>, vector<1x16xf32>,
        %get3A_217 = vector.shape_cast %get3A_216 : vector<1x16xf32> to vector<16xf32>
        %add3A_218 = arith.addf %scan3A_203, %get3A_217 : vector<16xf32>
        %swap3A = arith.index_cast %add3A_214 : i32 to index
        %swap3A_219 = arith.constant 0 : index
        %swap3A_220 = tpu.vector_load %arg7[%swap3A, %swap3A_219] {strides = array<i32>} : memref<128x128xf32, #tpu.memory_space<vmem>>, vector<1x16xf32>,
        %swap3A_221 = vector.shape_cast %swap3A_220 : vector<1x16xf32> to vector<16xf32>
        %swap3A_222 = vector.shape_cast %add3A_218 : vector<16xf32> to vector<1x16xf32>
        tpu.vector_store %arg7[%swap3A, %swap3A_219], %swap3A_222 {strides = array<i32>} : memref<128x128xf32, #tpu.memory_space<vmem>>, vector<1x16xf32>,
        %get3A_223 = arith.index_cast %add3A_214 : i32 to index
        %get3A_224 = arith.constant 16 : index
        %get3A_225 = tpu.vector_load %arg5[%get3A_223, %get3A_224] {strides = array<i32>} : memref<128x128xf32, #tpu.memory_space<vmem>>, vector<1x16xf32>,
        %get3A_226 = vector.shape_cast %get3A_225 : vector<1x16xf32> to vector<16xf32>
        %add3A_227 = arith.addf %scan3A_204, %get3A_226 : vector<16xf32>
        %swap3A_228 = arith.index_cast %add3A_214 : i32 to index
        %swap3A_229 = arith.constant 16 : index
        %swap3A_230 = tpu.vector_load %arg7[%swap3A_228, %swap3A_229] {strides = array<i32>} : memref<128x128xf32, #tpu.memory_space<vmem>>, vector<1x16xf32>,
        %swap3A_231 = vector.shape_cast %swap3A_230 : vector<1x16xf32> to vector<16xf32>
        %swap3A_232 = vector.shape_cast %add3A_227 : vector<16xf32> to vector<1x16xf32>
        tpu.vector_store %arg7[%swap3A_228, %swap3A_229], %swap3A_232 {strides = array<i32>} : memref<128x128xf32, #tpu.memory_space<vmem>>, vector<1x16xf32>,
        %get3A_233 = arith.index_cast %add3A_214 : i32 to index
        %get3A_234 = arith.constant 32 : index
        %get3A_235 = tpu.vector_load %arg5[%get3A_233, %get3A_234] {strides = array<i32>} : memref<128x128xf32, #tpu.memory_space<vmem>>, vector<1x16xf32>,
        %get3A_236 = vector.shape_cast %get3A_235 : vector<1x16xf32> to vector<16xf32>
        %add3A_237 = arith.addf %scan3A_205, %get3A_236 : vector<16xf32>
        %swap3A_238 = arith.index_cast %add3A_214 : i32 to index
        %swap3A_239 = arith.constant 32 : index
        %swap3A_240 = tpu.vector_load %arg7[%swap3A_238, %swap3A_239] {strides = array<i32>} : memref<128x128xf32, #tpu.memory_space<vmem>>, vector<1x16xf32>,
        %swap3A_241 = vector.shape_cast %swap3A_240 : vector<1x16xf32> to vector<16xf32>
        %swap3A_242 = vector.shape_cast %add3A_237 : vector<16xf32> to vector<1x16xf32>
        tpu.vector_store %arg7[%swap3A_238, %swap3A_239], %swap3A_242 {strides = array<i32>} : memref<128x128xf32, #tpu.memory_space<vmem>>, vector<1x16xf32>,
        %get3A_243 = arith.index_cast %add3A_214 : i32 to index
        %get3A_244 = arith.constant 48 : index
        %get3A_245 = tpu.vector_load %arg5[%get3A_243, %get3A_244] {strides = array<i32>} : memref<128x128xf32, #tpu.memory_space<vmem>>, vector<1x16xf32>,
        %get3A_246 = vector.shape_cast %get3A_245 : vector<1x16xf32> to vector<16xf32>
        %add3A_247 = arith.addf %scan3A_206, %get3A_246 : vector<16xf32>
        %swap3A_248 = arith.index_cast %add3A_214 : i32 to index
        %swap3A_249 = arith.constant 48 : index
        %swap3A_250 = tpu.vector_load %arg7[%swap3A_248, %swap3A_249] {strides = array<i32>} : memref<128x128xf32, #tpu.memory_space<vmem>>, vector<1x16xf32>,
        %swap3A_251 = vector.shape_cast %swap3A_250 : vector<1x16xf32> to vector<16xf32>
        %swap3A_252 = vector.shape_cast %add3A_247 : vector<16xf32> to vector<1x16xf32>
        tpu.vector_store %arg7[%swap3A_248, %swap3A_249], %swap3A_252 {strides = array<i32>} : memref<128x128xf32, #tpu.memory_space<vmem>>, vector<1x16xf32>,
        %get3A_253 = arith.index_cast %add3A_214 : i32 to index
        %get3A_254 = arith.constant 64 : index
        %get3A_255 = tpu.vector_load %arg5[%get3A_253, %get3A_254] {strides = array<i32>} : memref<128x128xf32, #tpu.memory_space<vmem>>, vector<1x16xf32>,
        %get3A_256 = vector.shape_cast %get3A_255 : vector<1x16xf32> to vector<16xf32>
        %add3A_257 = arith.addf %scan3A_207, %get3A_256 : vector<16xf32>
        %swap3A_258 = arith.index_cast %add3A_214 : i32 to index
        %swap3A_259 = arith.constant 64 : index
        %swap3A_260 = tpu.vector_load %arg7[%swap3A_258, %swap3A_259] {strides = array<i32>} : memref<128x128xf32, #tpu.memory_space<vmem>>, vector<1x16xf32>,
        %swap3A_261 = vector.shape_cast %swap3A_260 : vector<1x16xf32> to vector<16xf32>
        %swap3A_262 = vector.shape_cast %add3A_257 : vector<16xf32> to vector<1x16xf32>
        tpu.vector_store %arg7[%swap3A_258, %swap3A_259], %swap3A_262 {strides = array<i32>} : memref<128x128xf32, #tpu.memory_space<vmem>>, vector<1x16xf32>,
        %get3A_263 = arith.index_cast %add3A_214 : i32 to index
        %get3A_264 = arith.constant 80 : index
        %get3A_265 = tpu.vector_load %arg5[%get3A_263, %get3A_264] {strides = array<i32>} : memref<128x128xf32, #tpu.memory_space<vmem>>, vector<1x16xf32>,
        %get3A_266 = vector.shape_cast %get3A_265 : vector<1x16xf32> to vector<16xf32>
        %add3A_267 = arith.addf %scan3A_208, %get3A_266 : vector<16xf32>
        %swap3A_268 = arith.index_cast %add3A_214 : i32 to index
        %swap3A_269 = arith.constant 80 : index
        %swap3A_270 = tpu.vector_load %arg7[%swap3A_268, %swap3A_269] {strides = array<i32>} : memref<128x128xf32, #tpu.memory_space<vmem>>, vector<1x16xf32>,
        %swap3A_271 = vector.shape_cast %swap3A_270 : vector<1x16xf32> to vector<16xf32>
        %swap3A_272 = vector.shape_cast %add3A_267 : vector<16xf32> to vector<1x16xf32>
        tpu.vector_store %arg7[%swap3A_268, %swap3A_269], %swap3A_272 {strides = array<i32>} : memref<128x128xf32, #tpu.memory_space<vmem>>, vector<1x16xf32>,
        %get3A_273 = arith.index_cast %add3A_214 : i32 to index
        %get3A_274 = arith.constant 96 : index
        %get3A_275 = tpu.vector_load %arg5[%get3A_273, %get3A_274] {strides = array<i32>} : memref<128x128xf32, #tpu.memory_space<vmem>>, vector<1x16xf32>,
        %get3A_276 = vector.shape_cast %get3A_275 : vector<1x16xf32> to vector<16xf32>
        %add3A_277 = arith.addf %scan3A_209, %get3A_276 : vector<16xf32>
        %swap3A_278 = arith.index_cast %add3A_214 : i32 to index
        %swap3A_279 = arith.constant 96 : index
        %swap3A_280 = tpu.vector_load %arg7[%swap3A_278, %swap3A_279] {strides = array<i32>} : memref<128x128xf32, #tpu.memory_space<vmem>>, vector<1x16xf32>,
        %swap3A_281 = vector.shape_cast %swap3A_280 : vector<1x16xf32> to vector<16xf32>
        %swap3A_282 = vector.shape_cast %add3A_277 : vector<16xf32> to vector<1x16xf32>
        tpu.vector_store %arg7[%swap3A_278, %swap3A_279], %swap3A_282 {strides = array<i32>} : memref<128x128xf32, #tpu.memory_space<vmem>>, vector<1x16xf32>,
        %get3A_283 = arith.index_cast %add3A_214 : i32 to index
        %get3A_284 = arith.constant 112 : index
        %get3A_285 = tpu.vector_load %arg5[%get3A_283, %get3A_284] {strides = array<i32>} : memref<128x128xf32, #tpu.memory_space<vmem>>, vector<1x16xf32>,
        %get3A_286 = vector.shape_cast %get3A_285 : vector<1x16xf32> to vector<16xf32>
        %add3A_287 = arith.addf %scan3A_210, %get3A_286 : vector<16xf32>
        %swap3A_288 = arith.index_cast %add3A_214 : i32 to index
        %swap3A_289 = arith.constant 112 : index
        %swap3A_290 = tpu.vector_load %arg7[%swap3A_288, %swap3A_289] {strides = array<i32>} : memref<128x128xf32, #tpu.memory_space<vmem>>, vector<1x16xf32>,
        %swap3A_291 = vector.shape_cast %swap3A_290 : vector<1x16xf32> to vector<16xf32>
        %swap3A_292 = vector.shape_cast %add3A_287 : vector<16xf32> to vector<1x16xf32>
        tpu.vector_store %arg7[%swap3A_288, %swap3A_289], %swap3A_292 {strides = array<i32>} : memref<128x128xf32, #tpu.memory_space<vmem>>, vector<1x16xf32>,
        %mul3A_293 = arith.constant 4 : i32
        %mul3A_294 = arith.muli %scan3A_202, %mul3A_293 : i32
        %add3A_295 = arith.constant 1 : i32
        %add3A_296 = arith.addi %mul3A_294, %add3A_295 : i32
        %get3A_297 = arith.index_cast %add3A_296 : i32 to index
        %get3A_298 = arith.constant 0 : index
        %get3A_299 = tpu.vector_load %arg5[%get3A_297, %get3A_298] {strides = array<i32>} : memref<128x128xf32, #tpu.memory_space<vmem>>, vector<1x16xf32>,
        %get3A_300 = vector.shape_cast %get3A_299 : vector<1x16xf32> to vector<16xf32>
        %add3A_301 = arith.addf %add3A_218, %get3A_300 : vector<16xf32>
        %swap3A_302 = arith.index_cast %add3A_296 : i32 to index
        %swap3A_303 = arith.constant 0 : index
        %swap3A_304 = tpu.vector_load %arg7[%swap3A_302, %swap3A_303] {strides = array<i32>} : memref<128x128xf32, #tpu.memory_space<vmem>>, vector<1x16xf32>,
        %swap3A_305 = vector.shape_cast %swap3A_304 : vector<1x16xf32> to vector<16xf32>
        %swap3A_306 = vector.shape_cast %add3A_301 : vector<16xf32> to vector<1x16xf32>
        tpu.vector_store %arg7[%swap3A_302, %swap3A_303], %swap3A_306 {strides = array<i32>} : memref<128x128xf32, #tpu.memory_space<vmem>>, vector<1x16xf32>,
        %get3A_307 = arith.index_cast %add3A_296 : i32 to index
        %get3A_308 = arith.constant 16 : index
        %get3A_309 = tpu.vector_load %arg5[%get3A_307, %get3A_308] {strides = array<i32>} : memref<128x128xf32, #tpu.memory_space<vmem>>, vector<1x16xf32>,
        %get3A_310 = vector.shape_cast %get3A_309 : vector<1x16xf32> to vector<16xf32>
        %add3A_311 = arith.addf %add3A_227, %get3A_310 : vector<16xf32>
        %swap3A_312 = arith.index_cast %add3A_296 : i32 to index
        %swap3A_313 = arith.constant 16 : index
        %swap3A_314 = tpu.vector_load %arg7[%swap3A_312, %swap3A_313] {strides = array<i32>} : memref<128x128xf32, #tpu.memory_space<vmem>>, vector<1x16xf32>,
        %swap3A_315 = vector.shape_cast %swap3A_314 : vector<1x16xf32> to vector<16xf32>
        %swap3A_316 = vector.shape_cast %add3A_311 : vector<16xf32> to vector<1x16xf32>
        tpu.vector_store %arg7[%swap3A_312, %swap3A_313], %swap3A_316 {strides = array<i32>} : memref<128x128xf32, #tpu.memory_space<vmem>>, vector<1x16xf32>,
        %get3A_317 = arith.index_cast %add3A_296 : i32 to index
        %get3A_318 = arith.constant 32 : index
        %get3A_319 = tpu.vector_load %arg5[%get3A_317, %get3A_318] {strides = array<i32>} : memref<128x128xf32, #tpu.memory_space<vmem>>, vector<1x16xf32>,
        %get3A_320 = vector.shape_cast %get3A_319 : vector<1x16xf32> to vector<16xf32>
        %add3A_321 = arith.addf %add3A_237, %get3A_320 : vector<16xf32>
        %swap3A_322 = arith.index_cast %add3A_296 : i32 to index
        %swap3A_323 = arith.constant 32 : index
        %swap3A_324 = tpu.vector_load %arg7[%swap3A_322, %swap3A_323] {strides = array<i32>} : memref<128x128xf32, #tpu.memory_space<vmem>>, vector<1x16xf32>,
        %swap3A_325 = vector.shape_cast %swap3A_324 : vector<1x16xf32> to vector<16xf32>
        %swap3A_326 = vector.shape_cast %add3A_321 : vector<16xf32> to vector<1x16xf32>
        tpu.vector_store %arg7[%swap3A_322, %swap3A_323], %swap3A_326 {strides = array<i32>} : memref<128x128xf32, #tpu.memory_space<vmem>>, vector<1x16xf32>,
        %get3A_327 = arith.index_cast %add3A_296 : i32 to index
        %get3A_328 = arith.constant 48 : index
        %get3A_329 = tpu.vector_load %arg5[%get3A_327, %get3A_328] {strides = array<i32>} : memref<128x128xf32, #tpu.memory_space<vmem>>, vector<1x16xf32>,
        %get3A_330 = vector.shape_cast %get3A_329 : vector<1x16xf32> to vector<16xf32>
        %add3A_331 = arith.addf %add3A_247, %get3A_330 : vector<16xf32>
        %swap3A_332 = arith.index_cast %add3A_296 : i32 to index
        %swap3A_333 = arith.constant 48 : index
        %swap3A_334 = tpu.vector_load %arg7[%swap3A_332, %swap3A_333] {strides = array<i32>} : memref<128x128xf32, #tpu.memory_space<vmem>>, vector<1x16xf32>,
        %swap3A_335 = vector.shape_cast %swap3A_334 : vector<1x16xf32> to vector<16xf32>
        %swap3A_336 = vector.shape_cast %add3A_331 : vector<16xf32> to vector<1x16xf32>
        tpu.vector_store %arg7[%swap3A_332, %swap3A_333], %swap3A_336 {strides = array<i32>} : memref<128x128xf32, #tpu.memory_space<vmem>>, vector<1x16xf32>,
        %get3A_337 = arith.index_cast %add3A_296 : i32 to index
        %get3A_338 = arith.constant 64 : index
        %get3A_339 = tpu.vector_load %arg5[%get3A_337, %get3A_338] {strides = array<i32>} : memref<128x128xf32, #tpu.memory_space<vmem>>, vector<1x16xf32>,
        %get3A_340 = vector.shape_cast %get3A_339 : vector<1x16xf32> to vector<16xf32>
        %add3A_341 = arith.addf %add3A_257, %get3A_340 : vector<16xf32>
        %swap3A_342 = arith.index_cast %add3A_296 : i32 to index
        %swap3A_343 = arith.constant 64 : index
        %swap3A_344 = tpu.vector_load %arg7[%swap3A_342, %swap3A_343] {strides = array<i32>} : memref<128x128xf32, #tpu.memory_space<vmem>>, vector<1x16xf32>,
        %swap3A_345 = vector.shape_cast %swap3A_344 : vector<1x16xf32> to vector<16xf32>
        %swap3A_346 = vector.shape_cast %add3A_341 : vector<16xf32> to vector<1x16xf32>
        tpu.vector_store %arg7[%swap3A_342, %swap3A_343], %swap3A_346 {strides = array<i32>} : memref<128x128xf32, #tpu.memory_space<vmem>>, vector<1x16xf32>,
        %get3A_347 = arith.index_cast %add3A_296 : i32 to index
        %get3A_348 = arith.constant 80 : index
        %get3A_349 = tpu.vector_load %arg5[%get3A_347, %get3A_348] {strides = array<i32>} : memref<128x128xf32, #tpu.memory_space<vmem>>, vector<1x16xf32>,
        %get3A_350 = vector.shape_cast %get3A_349 : vector<1x16xf32> to vector<16xf32>
        %add3A_351 = arith.addf %add3A_267, %get3A_350 : vector<16xf32>
        %swap3A_352 = arith.index_cast %add3A_296 : i32 to index
        %swap3A_353 = arith.constant 80 : index
        %swap3A_354 = tpu.vector_load %arg7[%swap3A_352, %swap3A_353] {strides = array<i32>} : memref<128x128xf32, #tpu.memory_space<vmem>>, vector<1x16xf32>,
        %swap3A_355 = vector.shape_cast %swap3A_354 : vector<1x16xf32> to vector<16xf32>
        %swap3A_356 = vector.shape_cast %add3A_351 : vector<16xf32> to vector<1x16xf32>
        tpu.vector_store %arg7[%swap3A_352, %swap3A_353], %swap3A_356 {strides = array<i32>} : memref<128x128xf32, #tpu.memory_space<vmem>>, vector<1x16xf32>,
        %get3A_357 = arith.index_cast %add3A_296 : i32 to index
        %get3A_358 = arith.constant 96 : index
        %get3A_359 = tpu.vector_load %arg5[%get3A_357, %get3A_358] {strides = array<i32>} : memref<128x128xf32, #tpu.memory_space<vmem>>, vector<1x16xf32>,
        %get3A_360 = vector.shape_cast %get3A_359 : vector<1x16xf32> to vector<16xf32>
        %add3A_361 = arith.addf %add3A_277, %get3A_360 : vector<16xf32>
        %swap3A_362 = arith.index_cast %add3A_296 : i32 to index
        %swap3A_363 = arith.constant 96 : index
        %swap3A_364 = tpu.vector_load %arg7[%swap3A_362, %swap3A_363] {strides = array<i32>} : memref<128x128xf32, #tpu.memory_space<vmem>>, vector<1x16xf32>,
        %swap3A_365 = vector.shape_cast %swap3A_364 : vector<1x16xf32> to vector<16xf32>
        %swap3A_366 = vector.shape_cast %add3A_361 : vector<16xf32> to vector<1x16xf32>
        tpu.vector_store %arg7[%swap3A_362, %swap3A_363], %swap3A_366 {strides = array<i32>} : memref<128x128xf32, #tpu.memory_space<vmem>>, vector<1x16xf32>,
        %get3A_367 = arith.index_cast %add3A_296 : i32 to index
        %get3A_368 = arith.constant 112 : index
        %get3A_369 = tpu.vector_load %arg5[%get3A_367, %get3A_368] {strides = array<i32>} : memref<128x128xf32, #tpu.memory_space<vmem>>, vector<1x16xf32>,
        %get3A_370 = vector.shape_cast %get3A_369 : vector<1x16xf32> to vector<16xf32>
        %add3A_371 = arith.addf %add3A_287, %get3A_370 : vector<16xf32>
        %swap3A_372 = arith.index_cast %add3A_296 : i32 to index
        %swap3A_373 = arith.constant 112 : index
        %swap3A_374 = tpu.vector_load %arg7[%swap3A_372, %swap3A_373] {strides = array<i32>} : memref<128x128xf32, #tpu.memory_space<vmem>>, vector<1x16xf32>,
        %swap3A_375 = vector.shape_cast %swap3A_374 : vector<1x16xf32> to vector<16xf32>
        %swap3A_376 = vector.shape_cast %add3A_371 : vector<16xf32> to vector<1x16xf32>
        tpu.vector_store %arg7[%swap3A_372, %swap3A_373], %swap3A_376 {strides = array<i32>} : memref<128x128xf32, #tpu.memory_space<vmem>>, vector<1x16xf32>,
        %mul3A_377 = arith.constant 4 : i32
        %mul3A_378 = arith.muli %scan3A_202, %mul3A_377 : i32
        %add3A_379 = arith.constant 2 : i32
        %add3A_380 = arith.addi %mul3A_378, %add3A_379 : i32
        %get3A_381 = arith.index_cast %add3A_380 : i32 to index
        %get3A_382 = arith.constant 0 : index
        %get3A_383 = tpu.vector_load %arg5[%get3A_381, %get3A_382] {strides = array<i32>} : memref<128x128xf32, #tpu.memory_space<vmem>>, vector<1x16xf32>,
        %get3A_384 = vector.shape_cast %get3A_383 : vector<1x16xf32> to vector<16xf32>
        %add3A_385 = arith.addf %add3A_301, %get3A_384 : vector<16xf32>
        %swap3A_386 = arith.index_cast %add3A_380 : i32 to index
        %swap3A_387 = arith.constant 0 : index
        %swap3A_388 = tpu.vector_load %arg7[%swap3A_386, %swap3A_387] {strides = array<i32>} : memref<128x128xf32, #tpu.memory_space<vmem>>, vector<1x16xf32>,
        %swap3A_389 = vector.shape_cast %swap3A_388 : vector<1x16xf32> to vector<16xf32>
        %swap3A_390 = vector.shape_cast %add3A_385 : vector<16xf32> to vector<1x16xf32>
        tpu.vector_store %arg7[%swap3A_386, %swap3A_387], %swap3A_390 {strides = array<i32>} : memref<128x128xf32, #tpu.memory_space<vmem>>, vector<1x16xf32>,
        %get3A_391 = arith.index_cast %add3A_380 : i32 to index
        %get3A_392 = arith.constant 16 : index
        %get3A_393 = tpu.vector_load %arg5[%get3A_391, %get3A_392] {strides = array<i32>} : memref<128x128xf32, #tpu.memory_space<vmem>>, vector<1x16xf32>,
        %get3A_394 = vector.shape_cast %get3A_393 : vector<1x16xf32> to vector<16xf32>
        %add3A_395 = arith.addf %add3A_311, %get3A_394 : vector<16xf32>
        %swap3A_396 = arith.index_cast %add3A_380 : i32 to index
        %swap3A_397 = arith.constant 16 : index
        %swap3A_398 = tpu.vector_load %arg7[%swap3A_396, %swap3A_397] {strides = array<i32>} : memref<128x128xf32, #tpu.memory_space<vmem>>, vector<1x16xf32>,
        %swap3A_399 = vector.shape_cast %swap3A_398 : vector<1x16xf32> to vector<16xf32>
        %swap3A_400 = vector.shape_cast %add3A_395 : vector<16xf32> to vector<1x16xf32>
        tpu.vector_store %arg7[%swap3A_396, %swap3A_397], %swap3A_400 {strides = array<i32>} : memref<128x128xf32, #tpu.memory_space<vmem>>, vector<1x16xf32>,
        %get3A_401 = arith.index_cast %add3A_380 : i32 to index
        %get3A_402 = arith.constant 32 : index
        %get3A_403 = tpu.vector_load %arg5[%get3A_401, %get3A_402] {strides = array<i32>} : memref<128x128xf32, #tpu.memory_space<vmem>>, vector<1x16xf32>,
        %get3A_404 = vector.shape_cast %get3A_403 : vector<1x16xf32> to vector<16xf32>
        %add3A_405 = arith.addf %add3A_321, %get3A_404 : vector<16xf32>
        %swap3A_406 = arith.index_cast %add3A_380 : i32 to index
        %swap3A_407 = arith.constant 32 : index
        %swap3A_408 = tpu.vector_load %arg7[%swap3A_406, %swap3A_407] {strides = array<i32>} : memref<128x128xf32, #tpu.memory_space<vmem>>, vector<1x16xf32>,
        %swap3A_409 = vector.shape_cast %swap3A_408 : vector<1x16xf32> to vector<16xf32>
        %swap3A_410 = vector.shape_cast %add3A_405 : vector<16xf32> to vector<1x16xf32>
        tpu.vector_store %arg7[%swap3A_406, %swap3A_407], %swap3A_410 {strides = array<i32>} : memref<128x128xf32, #tpu.memory_space<vmem>>, vector<1x16xf32>,
        %get3A_411 = arith.index_cast %add3A_380 : i32 to index
        %get3A_412 = arith.constant 48 : index
        %get3A_413 = tpu.vector_load %arg5[%get3A_411, %get3A_412] {strides = array<i32>} : memref<128x128xf32, #tpu.memory_space<vmem>>, vector<1x16xf32>,
        %get3A_414 = vector.shape_cast %get3A_413 : vector<1x16xf32> to vector<16xf32>
        %add3A_415 = arith.addf %add3A_331, %get3A_414 : vector<16xf32>
        %swap3A_416 = arith.index_cast %add3A_380 : i32 to index
        %swap3A_417 = arith.constant 48 : index
        %swap3A_418 = tpu.vector_load %arg7[%swap3A_416, %swap3A_417] {strides = array<i32>} : memref<128x128xf32, #tpu.memory_space<vmem>>, vector<1x16xf32>,
        %swap3A_419 = vector.shape_cast %swap3A_418 : vector<1x16xf32> to vector<16xf32>
        %swap3A_420 = vector.shape_cast %add3A_415 : vector<16xf32> to vector<1x16xf32>
        tpu.vector_store %arg7[%swap3A_416, %swap3A_417], %swap3A_420 {strides = array<i32>} : memref<128x128xf32, #tpu.memory_space<vmem>>, vector<1x16xf32>,
        %get3A_421 = arith.index_cast %add3A_380 : i32 to index
        %get3A_422 = arith.constant 64 : index
        %get3A_423 = tpu.vector_load %arg5[%get3A_421, %get3A_422] {strides = array<i32>} : memref<128x128xf32, #tpu.memory_space<vmem>>, vector<1x16xf32>,
        %get3A_424 = vector.shape_cast %get3A_423 : vector<1x16xf32> to vector<16xf32>
        %add3A_425 = arith.addf %add3A_341, %get3A_424 : vector<16xf32>
        %swap3A_426 = arith.index_cast %add3A_380 : i32 to index
        %swap3A_427 = arith.constant 64 : index
        %swap3A_428 = tpu.vector_load %arg7[%swap3A_426, %swap3A_427] {strides = array<i32>} : memref<128x128xf32, #tpu.memory_space<vmem>>, vector<1x16xf32>,
        %swap3A_429 = vector.shape_cast %swap3A_428 : vector<1x16xf32> to vector<16xf32>
        %swap3A_430 = vector.shape_cast %add3A_425 : vector<16xf32> to vector<1x16xf32>
        tpu.vector_store %arg7[%swap3A_426, %swap3A_427], %swap3A_430 {strides = array<i32>} : memref<128x128xf32, #tpu.memory_space<vmem>>, vector<1x16xf32>,
        %get3A_431 = arith.index_cast %add3A_380 : i32 to index
        %get3A_432 = arith.constant 80 : index
        %get3A_433 = tpu.vector_load %arg5[%get3A_431, %get3A_432] {strides = array<i32>} : memref<128x128xf32, #tpu.memory_space<vmem>>, vector<1x16xf32>,
        %get3A_434 = vector.shape_cast %get3A_433 : vector<1x16xf32> to vector<16xf32>
        %add3A_435 = arith.addf %add3A_351, %get3A_434 : vector<16xf32>
        %swap3A_436 = arith.index_cast %add3A_380 : i32 to index
        %swap3A_437 = arith.constant 80 : index
        %swap3A_438 = tpu.vector_load %arg7[%swap3A_436, %swap3A_437] {strides = array<i32>} : memref<128x128xf32, #tpu.memory_space<vmem>>, vector<1x16xf32>,
        %swap3A_439 = vector.shape_cast %swap3A_438 : vector<1x16xf32> to vector<16xf32>
        %swap3A_440 = vector.shape_cast %add3A_435 : vector<16xf32> to vector<1x16xf32>
        tpu.vector_store %arg7[%swap3A_436, %swap3A_437], %swap3A_440 {strides = array<i32>} : memref<128x128xf32, #tpu.memory_space<vmem>>, vector<1x16xf32>,
        %get3A_441 = arith.index_cast %add3A_380 : i32 to index
        %get3A_442 = arith.constant 96 : index
        %get3A_443 = tpu.vector_load %arg5[%get3A_441, %get3A_442] {strides = array<i32>} : memref<128x128xf32, #tpu.memory_space<vmem>>, vector<1x16xf32>,
        %get3A_444 = vector.shape_cast %get3A_443 : vector<1x16xf32> to vector<16xf32>
        %add3A_445 = arith.addf %add3A_361, %get3A_444 : vector<16xf32>
        %swap3A_446 = arith.index_cast %add3A_380 : i32 to index
        %swap3A_447 = arith.constant 96 : index
        %swap3A_448 = tpu.vector_load %arg7[%swap3A_446, %swap3A_447] {strides = array<i32>} : memref<128x128xf32, #tpu.memory_space<vmem>>, vector<1x16xf32>,
        %swap3A_449 = vector.shape_cast %swap3A_448 : vector<1x16xf32> to vector<16xf32>
        %swap3A_450 = vector.shape_cast %add3A_445 : vector<16xf32> to vector<1x16xf32>
        tpu.vector_store %arg7[%swap3A_446, %swap3A_447], %swap3A_450 {strides = array<i32>} : memref<128x128xf32, #tpu.memory_space<vmem>>, vector<1x16xf32>,
        %get3A_451 = arith.index_cast %add3A_380 : i32 to index
        %get3A_452 = arith.constant 112 : index
        %get3A_453 = tpu.vector_load %arg5[%get3A_451, %get3A_452] {strides = array<i32>} : memref<128x128xf32, #tpu.memory_space<vmem>>, vector<1x16xf32>,
        %get3A_454 = vector.shape_cast %get3A_453 : vector<1x16xf32> to vector<16xf32>
        %add3A_455 = arith.addf %add3A_371, %get3A_454 : vector<16xf32>
        %swap3A_456 = arith.index_cast %add3A_380 : i32 to index
        %swap3A_457 = arith.constant 112 : index
        %swap3A_458 = tpu.vector_load %arg7[%swap3A_456, %swap3A_457] {strides = array<i32>} : memref<128x128xf32, #tpu.memory_space<vmem>>, vector<1x16xf32>,
        %swap3A_459 = vector.shape_cast %swap3A_458 : vector<1x16xf32> to vector<16xf32>
        %swap3A_460 = vector.shape_cast %add3A_455 : vector<16xf32> to vector<1x16xf32>
        tpu.vector_store %arg7[%swap3A_456, %swap3A_457], %swap3A_460 {strides = array<i32>} : memref<128x128xf32, #tpu.memory_space<vmem>>, vector<1x16xf32>,
        %mul3A_461 = arith.constant 4 : i32
        %mul3A_462 = arith.muli %scan3A_202, %mul3A_461 : i32
        %add3A_463 = arith.constant 3 : i32
        %add3A_464 = arith.addi %mul3A_462, %add3A_463 : i32
        %get3A_465 = arith.index_cast %add3A_464 : i32 to index
        %get3A_466 = arith.constant 0 : index
        %get3A_467 = tpu.vector_load %arg5[%get3A_465, %get3A_466] {strides = array<i32>} : memref<128x128xf32, #tpu.memory_space<vmem>>, vector<1x16xf32>,
        %get3A_468 = vector.shape_cast %get3A_467 : vector<1x16xf32> to vector<16xf32>
        %add3A_469 = arith.addf %add3A_385, %get3A_468 : vector<16xf32>
        %swap3A_470 = arith.index_cast %add3A_464 : i32 to index
        %swap3A_471 = arith.constant 0 : index
        %swap3A_472 = tpu.vector_load %arg7[%swap3A_470, %swap3A_471] {strides = array<i32>} : memref<128x128xf32, #tpu.memory_space<vmem>>, vector<1x16xf32>,
        %swap3A_473 = vector.shape_cast %swap3A_472 : vector<1x16xf32> to vector<16xf32>
        %swap3A_474 = vector.shape_cast %add3A_469 : vector<16xf32> to vector<1x16xf32>
        tpu.vector_store %arg7[%swap3A_470, %swap3A_471], %swap3A_474 {strides = array<i32>} : memref<128x128xf32, #tpu.memory_space<vmem>>, vector<1x16xf32>,
        %get3A_475 = arith.index_cast %add3A_464 : i32 to index
        %get3A_476 = arith.constant 16 : index
        %get3A_477 = tpu.vector_load %arg5[%get3A_475, %get3A_476] {strides = array<i32>} : memref<128x128xf32, #tpu.memory_space<vmem>>, vector<1x16xf32>,
        %get3A_478 = vector.shape_cast %get3A_477 : vector<1x16xf32> to vector<16xf32>
        %add3A_479 = arith.addf %add3A_395, %get3A_478 : vector<16xf32>
        %swap3A_480 = arith.index_cast %add3A_464 : i32 to index
        %swap3A_481 = arith.constant 16 : index
        %swap3A_482 = tpu.vector_load %arg7[%swap3A_480, %swap3A_481] {strides = array<i32>} : memref<128x128xf32, #tpu.memory_space<vmem>>, vector<1x16xf32>,
        %swap3A_483 = vector.shape_cast %swap3A_482 : vector<1x16xf32> to vector<16xf32>
        %swap3A_484 = vector.shape_cast %add3A_479 : vector<16xf32> to vector<1x16xf32>
        tpu.vector_store %arg7[%swap3A_480, %swap3A_481], %swap3A_484 {strides = array<i32>} : memref<128x128xf32, #tpu.memory_space<vmem>>, vector<1x16xf32>,
        %get3A_485 = arith.index_cast %add3A_464 : i32 to index
        %get3A_486 = arith.constant 32 : index
        %get3A_487 = tpu.vector_load %arg5[%get3A_485, %get3A_486] {strides = array<i32>} : memref<128x128xf32, #tpu.memory_space<vmem>>, vector<1x16xf32>,
        %get3A_488 = vector.shape_cast %get3A_487 : vector<1x16xf32> to vector<16xf32>
        %add3A_489 = arith.addf %add3A_405, %get3A_488 : vector<16xf32>
        %swap3A_490 = arith.index_cast %add3A_464 : i32 to index
        %swap3A_491 = arith.constant 32 : index
        %swap3A_492 = tpu.vector_load %arg7[%swap3A_490, %swap3A_491] {strides = array<i32>} : memref<128x128xf32, #tpu.memory_space<vmem>>, vector<1x16xf32>,
        %swap3A_493 = vector.shape_cast %swap3A_492 : vector<1x16xf32> to vector<16xf32>
        %swap3A_494 = vector.shape_cast %add3A_489 : vector<16xf32> to vector<1x16xf32>
        tpu.vector_store %arg7[%swap3A_490, %swap3A_491], %swap3A_494 {strides = array<i32>} : memref<128x128xf32, #tpu.memory_space<vmem>>, vector<1x16xf32>,
        %get3A_495 = arith.index_cast %add3A_464 : i32 to index
        %get3A_496 = arith.constant 48 : index
        %get3A_497 = tpu.vector_load %arg5[%get3A_495, %get3A_496] {strides = array<i32>} : memref<128x128xf32, #tpu.memory_space<vmem>>, vector<1x16xf32>,
        %get3A_498 = vector.shape_cast %get3A_497 : vector<1x16xf32> to vector<16xf32>
        %add3A_499 = arith.addf %add3A_415, %get3A_498 : vector<16xf32>
        %swap3A_500 = arith.index_cast %add3A_464 : i32 to index
        %swap3A_501 = arith.constant 48 : index
        %swap3A_502 = tpu.vector_load %arg7[%swap3A_500, %swap3A_501] {strides = array<i32>} : memref<128x128xf32, #tpu.memory_space<vmem>>, vector<1x16xf32>,
        %swap3A_503 = vector.shape_cast %swap3A_502 : vector<1x16xf32> to vector<16xf32>
        %swap3A_504 = vector.shape_cast %add3A_499 : vector<16xf32> to vector<1x16xf32>
        tpu.vector_store %arg7[%swap3A_500, %swap3A_501], %swap3A_504 {strides = array<i32>} : memref<128x128xf32, #tpu.memory_space<vmem>>, vector<1x16xf32>,
        %get3A_505 = arith.index_cast %add3A_464 : i32 to index
        %get3A_506 = arith.constant 64 : index
        %get3A_507 = tpu.vector_load %arg5[%get3A_505, %get3A_506] {strides = array<i32>} : memref<128x128xf32, #tpu.memory_space<vmem>>, vector<1x16xf32>,
        %get3A_508 = vector.shape_cast %get3A_507 : vector<1x16xf32> to vector<16xf32>
        %add3A_509 = arith.addf %add3A_425, %get3A_508 : vector<16xf32>
        %swap3A_510 = arith.index_cast %add3A_464 : i32 to index
        %swap3A_511 = arith.constant 64 : index
        %swap3A_512 = tpu.vector_load %arg7[%swap3A_510, %swap3A_511] {strides = array<i32>} : memref<128x128xf32, #tpu.memory_space<vmem>>, vector<1x16xf32>,
        %swap3A_513 = vector.shape_cast %swap3A_512 : vector<1x16xf32> to vector<16xf32>
        %swap3A_514 = vector.shape_cast %add3A_509 : vector<16xf32> to vector<1x16xf32>
        tpu.vector_store %arg7[%swap3A_510, %swap3A_511], %swap3A_514 {strides = array<i32>} : memref<128x128xf32, #tpu.memory_space<vmem>>, vector<1x16xf32>,
        %get3A_515 = arith.index_cast %add3A_464 : i32 to index
        %get3A_516 = arith.constant 80 : index
        %get3A_517 = tpu.vector_load %arg5[%get3A_515, %get3A_516] {strides = array<i32>} : memref<128x128xf32, #tpu.memory_space<vmem>>, vector<1x16xf32>,
        %get3A_518 = vector.shape_cast %get3A_517 : vector<1x16xf32> to vector<16xf32>
        %add3A_519 = arith.addf %add3A_435, %get3A_518 : vector<16xf32>
        %swap3A_520 = arith.index_cast %add3A_464 : i32 to index
        %swap3A_521 = arith.constant 80 : index
        %swap3A_522 = tpu.vector_load %arg7[%swap3A_520, %swap3A_521] {strides = array<i32>} : memref<128x128xf32, #tpu.memory_space<vmem>>, vector<1x16xf32>,
        %swap3A_523 = vector.shape_cast %swap3A_522 : vector<1x16xf32> to vector<16xf32>
        %swap3A_524 = vector.shape_cast %add3A_519 : vector<16xf32> to vector<1x16xf32>
        tpu.vector_store %arg7[%swap3A_520, %swap3A_521], %swap3A_524 {strides = array<i32>} : memref<128x128xf32, #tpu.memory_space<vmem>>, vector<1x16xf32>,
        %get3A_525 = arith.index_cast %add3A_464 : i32 to index
        %get3A_526 = arith.constant 96 : index
        %get3A_527 = tpu.vector_load %arg5[%get3A_525, %get3A_526] {strides = array<i32>} : memref<128x128xf32, #tpu.memory_space<vmem>>, vector<1x16xf32>,
        %get3A_528 = vector.shape_cast %get3A_527 : vector<1x16xf32> to vector<16xf32>
        %add3A_529 = arith.addf %add3A_445, %get3A_528 : vector<16xf32>
        %swap3A_530 = arith.index_cast %add3A_464 : i32 to index
        %swap3A_531 = arith.constant 96 : index
        %swap3A_532 = tpu.vector_load %arg7[%swap3A_530, %swap3A_531] {strides = array<i32>} : memref<128x128xf32, #tpu.memory_space<vmem>>, vector<1x16xf32>,
        %swap3A_533 = vector.shape_cast %swap3A_532 : vector<1x16xf32> to vector<16xf32>
        %swap3A_534 = vector.shape_cast %add3A_529 : vector<16xf32> to vector<1x16xf32>
        tpu.vector_store %arg7[%swap3A_530, %swap3A_531], %swap3A_534 {strides = array<i32>} : memref<128x128xf32, #tpu.memory_space<vmem>>, vector<1x16xf32>,
        %get3A_535 = arith.index_cast %add3A_464 : i32 to index
        %get3A_536 = arith.constant 112 : index
        %get3A_537 = tpu.vector_load %arg5[%get3A_535, %get3A_536] {strides = array<i32>} : memref<128x128xf32, #tpu.memory_space<vmem>>, vector<1x16xf32>,
        %get3A_538 = vector.shape_cast %get3A_537 : vector<1x16xf32> to vector<16xf32>
        %add3A_539 = arith.addf %add3A_455, %get3A_538 : vector<16xf32>
        %swap3A_540 = arith.index_cast %add3A_464 : i32 to index
        %swap3A_541 = arith.constant 112 : index
        %swap3A_542 = tpu.vector_load %arg7[%swap3A_540, %swap3A_541] {strides = array<i32>} : memref<128x128xf32, #tpu.memory_space<vmem>>, vector<1x16xf32>,
        %swap3A_543 = vector.shape_cast %swap3A_542 : vector<1x16xf32> to vector<16xf32>
        %swap3A_544 = vector.shape_cast %add3A_539 : vector<16xf32> to vector<1x16xf32>
        tpu.vector_store %arg7[%swap3A_540, %swap3A_541], %swap3A_544 {strides = array<i32>} : memref<128x128xf32, #tpu.memory_space<vmem>>, vector<1x16xf32>,
        scf.yield %add3A_469, %add3A_479, %add3A_489, %add3A_499, %add3A_509, %add3A_519, %add3A_529, %add3A_539 : vector<16xf32>, vector<16xf32>, vector<16xf32>, vector<16xf32>, vector<16xf32>, vector<16xf32>, vector<16xf32>, vector<16xf32>
      }
      %scan3A_193 = arith.constant 32 : i32
      %add3A_194 = arith.constant 1 : i32
      %add3A_195 = arith.addi %mul3A_137, %add3A_194 : i32
      %mul3A_196 = arith.constant 128 : i32
      %mul3A_197 = arith.muli %add3A_195, %mul3A_196 : i32
      %dma_start3A_198 = tpu.memref_slice %arg3[%add3A_80, %mul3A_197, %mul3A_11] : memref<4x8192x2048xf32, #tpu.memory_space<hbm>> -> memref<1x128x128xf32, #tpu.memory_space<hbm>>
      %dma_start3A_199 = tpu.memref_squeeze %dma_start3A_198 : memref<1x128x128xf32, #tpu.memory_space<hbm>> -> memref<128x128xf32, #tpu.memory_space<hbm>>
      %dma_start3A_200 = tpu.memref_slice %arg3[%add3A_80, %mul3A_197, %mul3A_11] : memref<4x8192x2048xf32, #tpu.memory_space<hbm>> -> memref<1x128x128xf32, #tpu.memory_space<hbm>>
      %dma_start3A_201 = tpu.memref_squeeze %dma_start3A_200 : memref<1x128x128xf32, #tpu.memory_space<hbm>> -> memref<128x128xf32, #tpu.memory_space<hbm>>
      tpu.enqueue_dma source(%arg7 : memref<128x128xf32, #tpu.memory_space<vmem>>) target(%dma_start3A_201 : memref<128x128xf32, #tpu.memory_space<hbm>>) target_semaphore(%arg11 : memref<!tpu.dma_semaphore, #tpu.memory_space<semaphore_mem>>)
      scf.yield %scan3A_192#0, %scan3A_192#1, %scan3A_192#2, %scan3A_192#3, %scan3A_192#4, %scan3A_192#5, %scan3A_192#6, %scan3A_192#7 : vector<16xf32>, vector<16xf32>, vector<16xf32>, vector<16xf32>, vector<16xf32>, vector<16xf32>, vector<16xf32>, vector<16xf32>
    }
    %scan3A_108 = arith.constant 32 : i32
    %dma_wait3A_109 = arith.constant 8064 : i32
    %dma_wait3A_110 = tpu.memref_slice %arg2[%add3A_80, %dma_wait3A_109, %mul3A_11] : memref<4x8192x2048xf32, #tpu.memory_space<hbm>> -> memref<1x128x128xf32, #tpu.memory_space<hbm>>
    %dma_wait3A_111 = tpu.memref_squeeze %dma_wait3A_110 : memref<1x128x128xf32, #tpu.memory_space<hbm>> -> memref<128x128xf32, #tpu.memory_space<hbm>>
    %dma_wait3A_112 = arith.constant 8064 : i32
    %dma_wait3A_113 = tpu.memref_slice %arg2[%add3A_80, %dma_wait3A_112, %mul3A_11] : memref<4x8192x2048xf32, #tpu.memory_space<hbm>> -> memref<1x128x128xf32, #tpu.memory_space<hbm>>
    %dma_wait3A_114 = tpu.memref_squeeze %dma_wait3A_113 : memref<1x128x128xf32, #tpu.memory_space<hbm>> -> memref<128x128xf32, #tpu.memory_space<hbm>>
    tpu.wait_dma2 semaphore(%arg8 : memref<!tpu.dma_semaphore, #tpu.memory_space<semaphore_mem>>) src(%dma_wait3A_114 : memref<128x128xf32, #tpu.memory_space<hbm>>) dst(%arg4 : memref<128x128xf32, #tpu.memory_space<vmem>>)
    %dma_wait3A_115 = arith.constant 7936 : i32
    %dma_wait3A_116 = tpu.memref_slice %arg3[%add3A_80, %dma_wait3A_115, %mul3A_11] : memref<4x8192x2048xf32, #tpu.memory_space<hbm>> -> memref<1x128x128xf32, #tpu.memory_space<hbm>>
    %dma_wait3A_117 = tpu.memref_squeeze %dma_wait3A_116 : memref<1x128x128xf32, #tpu.memory_space<hbm>> -> memref<128x128xf32, #tpu.memory_space<hbm>>
    %dma_wait3A_118 = arith.constant 7936 : i32
    %dma_wait3A_119 = tpu.memref_slice %arg3[%add3A_80, %dma_wait3A_118, %mul3A_11] : memref<4x8192x2048xf32, #tpu.memory_space<hbm>> -> memref<1x128x128xf32, #tpu.memory_space<hbm>>
    %dma_wait3A_120 = tpu.memref_squeeze %dma_wait3A_119 : memref<1x128x128xf32, #tpu.memory_space<hbm>> -> memref<128x128xf32, #tpu.memory_space<hbm>>
    tpu.wait_dma2 semaphore(%arg10 : memref<!tpu.dma_semaphore, #tpu.memory_space<semaphore_mem>>) src(%arg6 : memref<128x128xf32, #tpu.memory_space<vmem>>) dst(%dma_wait3A_120 : memref<128x128xf32, #tpu.memory_space<hbm>>)
    %dma_wait3A_121 = arith.constant 8064 : i32
    %dma_wait3A_122 = tpu.memref_slice %arg3[%add3A_80, %dma_wait3A_121, %mul3A_11] : memref<4x8192x2048xf32, #tpu.memory_space<hbm>> -> memref<1x128x128xf32, #tpu.memory_space<hbm>>
    %dma_wait3A_123 = tpu.memref_squeeze %dma_wait3A_122 : memref<1x128x128xf32, #tpu.memory_space<hbm>> -> memref<128x128xf32, #tpu.memory_space<hbm>>
    %dma_wait3A_124 = arith.constant 8064 : i32
    %dma_wait3A_125 = tpu.memref_slice %arg3[%add3A_80, %dma_wait3A_124, %mul3A_11] : memref<4x8192x2048xf32, #tpu.memory_space<hbm>> -> memref<1x128x128xf32, #tpu.memory_space<hbm>>
    %dma_wait3A_126 = tpu.memref_squeeze %dma_wait3A_125 : memref<1x128x128xf32, #tpu.memory_space<hbm>> -> memref<128x128xf32, #tpu.memory_space<hbm>>
    tpu.wait_dma2 semaphore(%arg11 : memref<!tpu.dma_semaphore, #tpu.memory_space<semaphore_mem>>) src(%arg7 : memref<128x128xf32, #tpu.memory_space<vmem>>) dst(%dma_wait3A_126 : memref<128x128xf32, #tpu.memory_space<hbm>>)
    return
  }
}

</mosaic_0001>

<sc_bundles>
// kernel: kernel.3.cloned.1.call-start
scs
__scs_entry_jumppad:
0x0: {  	(pc) =	sbr.rel $0x88, $3  }
0x1: {  	(tag) =	ssettag $0x0;
	lr =	simm.s32 $0x1  }
0x2: {  	[smem:$0x3FA0] =	sst lr;
	_ =	strace $0xD0000000  }
0x3: {  	_ = 	snop  }
0x4: {  	_ = 	snop  }
0x5: {  	_ = 	snop  }
0x6: {  	_ = 	snop  }
0x7: {  	_ = 	snop  }
__scs_overlays_trampoline_lowered:
0x8: {  	[smem:$0x3FAF] =	sst s0  }
0x9: {  	[smem:$0x3FB0] =	sst s1  }
0xa: {  	[smem:$0x3FB1] =	sst s2  }
0xb: {  	[smem:$0x3FB2] =	sst s3  }
0xc: {  	[smem:$0x3FB3] =	sst s4  }
0xd: {  	[smem:$0x3FB4] =	sst s5  }
0xe: {  	[smem:$0x3FB5] =	sst s6  }
0xf: {  	[smem:$0x3FB6] =	sst s7  }
0x10: {  	[smem:$0x3FB7] =	sst s8  }
0x11: {  	[smem:$0x3FB8] =	sst s9;
	s0 =	simm.s32 @!p0 $0x0  }
0x12: {  	s1 =	sld [smem:$0x3F9E];
	s0 =	simm.s32 @p0 $0x1  }
0x13: {  	[smem:$0x3FB9] =	sst s0;
	s0 =	simm.s32 @!p1 $0x0  }
0x14: {  	s2 =	sld [smem:$0x3F9D];
	s0 =	simm.s32 @p1 $0x1  }
0x15: {  	[smem:$0x3FBA] =	sst s0;
	s0 =	simm.s32 @!p2 $0x0  }
0x16: {  	s3 =	sld [smem:$0x3FDB];
	s0 =	simm.s32 @p2 $0x1  }
0x17: {  	s4 =	simm.s32 $0x1BF5;
	[smem:$0x3FBC] =	sst s0  }
0x18: {  	s0 =	sld [smem:$0x3F9F];
	_ =	swait.ge [sflag:s4], $0x0  }
0x19: {  	s7 =	sld [smem:$0x3FA0]  }
0x1a: {  	s8 =	sadd.s32 $0xFFFFE003, lr  }
0x1b: {  	s9 =	sadd.s32 $0xFFFFFEF7, lr;
	s5 =	simm.s32 $0xFFFFFFFF;
	p2 =	slt.u32 s8, $0xFFFFF086  }
0x1c: {  	p1 =	slt.u32 s9, $0xF7A;
	s5 =	simm.s32 @!p2 $0x0  }
0x1d: {  	s5 =	simm.s32 @p1 $0x1;
	p0 =	seq.s32 s7, s2  }
0x1e: {  	s7 =	smul.u32 @!p0 $0xF7A, s2;
	p2 =	seq.s32 @!p0 s5, $0x0  }
0x1f: {  	s9 =	smul.u32 $0xF7A, s1;
	s8 =	simm.s32 @!p0 $0x1BF5;
	p2 =	por !p2, p0  }
0x20: {  	[sflag:s8] =	ssyncset.s32 @!p0 $0xFFFFF086;
	s6 =	sadd.s32 @!p0 s3, s7;
	s7 =	simm.s32 @!p0 $0x108  }
0x21: {  	s3 =	sadd.s32 s3, s9;
	s6 =	sadd.s32 @!p0 $0x88, s6;
	s7 =	simm.s32 @p2 $0x1082  }
0x22: {  	[simem:s7], [sflag:s8] =	dma.local @!p0 [hbm:s6], $0xF7A  }
0x23: {  	s9 =	sor.u32 $0xD0000000, s2;
	s6 =	simm.s32 $0x108;
	_ =	swait.ge @!p0 [sflag:s8], $0x0  }
0x24: {  	s3 =	sadd.s32 $0x88, s3;
	s6 =	simm.s32 @!p1 $0x1082;
	[sflag:s4] =	ssyncset.s32 $0xFFFFF086  }
0x25: {  	[simem:s6], [sflag:s4] =	dma.local [hbm:s3], $0xF7A  }
0x26: {  	[smem:$0x3FA0] =	sst s1;
	(tag) =	ssettag s2;
	_ =	strace s9  }
0x27: {  	s1 =	sld [smem:$0x3FB0]  }
0x28: {  	s2 =	sld [smem:$0x3FB1]  }
0x29: {  	s4 =	sld [smem:$0x3FB3]  }
0x2a: {  	p0 =	seq.s32 s5, $0x0;
	s5 =	sld [smem:$0x3FB4]  }
0x2b: {  	s6 =	sld [smem:$0x3FB5]  }
0x2c: {  	s7 =	sld [smem:$0x3FB6]  }
0x2d: {  	s3 =	simm.s32 $0x108;
	s8 =	sld [smem:$0x3FB7]  }
0x2e: {  	s3 =	simm.s32 @!p0 $0x1082;
	s9 =	sld [smem:$0x3FB8]  }
0x2f: {  	lr =	sadd.s32 s0, s3;
	s0 =	sld [smem:$0x3FAF]  }
0x30: {  	s3 =	sld [smem:$0x3FB2]  }
0x31: {  	[smem:$0x3FBB] =	sst s10  }
0x32: {  	s10 =	sld [smem:$0x3FB9];
	_ =	sdelay $0x3  }
0x33: {  	p0 =	seq.s32 s10, $0x1;
	s10 =	sld [smem:$0x3FBB];
	_ =	sdelay $0x3  }
0x34: {  	[smem:$0x3FBB] =	sst s10  }
0x35: {  	s10 =	sld [smem:$0x3FBA];
	_ =	sdelay $0x3  }
0x36: {  	p1 =	seq.s32 s10, $0x1;
	s10 =	sld [smem:$0x3FBB];
	_ =	sdelay $0x3  }
0x37: {  	[smem:$0x3FBB] =	sst s10  }
0x38: {  	s10 =	sld [smem:$0x3FBC]  }
0x39: {  	_ = 	snop;
	(pc) =	sbr.ind lr, $3  }
0x3a: {  	_ = 	snop  }
0x3b: {  	_ = 	snop  }
0x3c: {  	p2 =	seq.s32 s10, $0x1;
	s10 =	sld [smem:$0x3FBB]  }
0x3d: {  	_ =	shalt  }
0x3e: {  	_ =	shalt  }
0x3f: {  	_ =	shalt  }
0x40: {  	_ =	shalt  }
0x41: {  	_ =	shalt  }
0x42: {  	_ =	shalt  }
0x43: {  	_ =	shalt  }
0x44: {  	_ =	shalt  }
0x45: {  	_ =	shalt  }
0x46: {  	_ =	shalt  }
0x47: {  	_ =	shalt  }
0x48: {  	_ =	shalt  }
0x49: {  	_ =	shalt  }
0x4a: {  	_ =	shalt  }
0x4b: {  	_ =	shalt  }
0x4c: {  	_ =	shalt  }
0x4d: {  	_ =	shalt  }
0x4e: {  	_ =	shalt  }
0x4f: {  	_ =	shalt  }
0x50: {  	_ =	shalt  }
0x51: {  	_ =	shalt  }
0x52: {  	_ =	shalt  }
0x53: {  	_ =	shalt  }
0x54: {  	_ =	shalt  }
0x55: {  	_ =	shalt  }
0x56: {  	_ =	shalt  }
0x57: {  	_ =	shalt  }
0x58: {  	_ =	shalt  }
0x59: {  	_ =	shalt  }
0x5a: {  	_ =	shalt  }
0x5b: {  	_ =	shalt  }
0x5c: {  	_ =	shalt  }
0x5d: {  	_ =	shalt  }
0x5e: {  	_ =	shalt  }
0x5f: {  	_ =	shalt  }
0x60: {  	_ =	shalt  }
0x61: {  	_ =	shalt  }
0x62: {  	_ =	shalt  }
0x63: {  	_ =	shalt  }
0x64: {  	_ =	shalt  }
0x65: {  	_ =	shalt  }
0x66: {  	_ =	shalt  }
0x67: {  	_ =	shalt  }
0x68: {  	_ =	shalt  }
0x69: {  	_ =	shalt  }
0x6a: {  	_ =	shalt  }
0x6b: {  	_ =	shalt  }
0x6c: {  	_ =	shalt  }
0x6d: {  	_ =	shalt  }
0x6e: {  	_ =	shalt  }
0x6f: {  	_ =	shalt  }
0x70: {  	_ =	shalt  }
0x71: {  	_ =	shalt  }
0x72: {  	_ =	shalt  }
0x73: {  	_ =	shalt  }
0x74: {  	_ =	shalt  }
0x75: {  	_ =	shalt  }
0x76: {  	_ =	shalt  }
0x77: {  	_ =	shalt  }
0x78: {  	_ =	shalt  }
0x79: {  	_ =	shalt  }
0x7a: {  	_ =	shalt  }
0x7b: {  	_ =	shalt  }
0x7c: {  	_ =	shalt  }
0x7d: {  	_ =	shalt  }
0x7e: {  	_ =	shalt  }
0x7f: {  	_ =	shalt  }
0x80: {  	_ =	shalt  }
0x81: {  	_ =	shalt  }
0x82: {  	_ =	shalt  }
0x83: {  	_ =	shalt  }
0x84: {  	_ =	shalt  }
0x85: {  	_ =	shalt  }
0x86: {  	_ =	shalt  }
0x87: {  	_ =	shalt  }
.Lfunc_end0:
.L_simem_size_0:
called_computation_lowered:
.L_overlay_start_0:
0x88: {  	s2 =	sld [smem:$0x3FD9]  }
0x89: {  	s3 =	sld [smem:$0x3FFE];
	_ =	sdelay $0x1  }
0x8a: {  	s1 =	srdreg.scid  }
0x8b: {  	s0 =	sand.u32 $0x1, s1  }
0x8c: {  	s18 =	sshll.u32 s0, $0xA;
	s2 =	sadd.s32 s3, s2  }
0x8d: {  	s2 =	sadd.s32 s2, s18  }
0x8e: {  	[smem:$0x3FC7] =	sst s2  }
0x8f: {  	_ = 	snop  }
0x90: {  	s2 =	sld [smem:$0x3FC9]  }
0x91: {  	s19 =	sld [smem:$0x3FD0];
	(tm) =	ssettm $0x1  }
0x92: {  	s4 =	sld [smem:$0x3FFB];
	_ =	sdelay $0x3  }
0x93: {  	_ =	strace s4  }
0x94: {  	s4 =	sld [smem:$0x3FFC];
	_ =	sdelay $0x3  }
0x95: {  	_ =	strace s4  }
0x96: {  	s4 =	sld [smem:$0x3FFD];
	_ =	sdelay $0x3  }
0x97: {  	_ =	strace s4  }
0x98: {  	_ =	strace $0x8FFFFFFF  }
0x99: {  	s20 =	sld [smem:$0x3FDB];
	_ =	sdelay $0x1  }
0x9a: {  	s5 =	simm.s32 $_scs_section_size  }
0x9b: {  	s6 =	simm.s32 $_size__tile_overlayer_lowered;
	s7 =	simm.s32 $_tile_overlayer_lowered  }
0x9c: {  	s23 =	simm.s32 $0x1BFF;
	s22 =	sshll.u32 s7, $0x1;
	s4 =	sadd.s32 s5, s20  }
0x9d: {  	s8 =	simm.s32 $0x0;
	s21 =	sshll.u32 s6, $0x1;
	s6 =	sadd.s32 s22, s4  }
0x9e: {  	[timem:s8], [sflag:s23] =	dma.local [hbm:s6], s21  }
0x9f: {  	_ =	swait.ge [sflag:s23], s21  }
0xa0: {  	s5 =	ssub.s32 $0x0, s21;
	[sflag:s23] =	ssyncset.done $0x0  }
0xa1: {  	[sflag:s23] =	ssyncadd.s32 s5;
	_ =	sdelay $0x1  }
0xa2: {  	s24 =	simm.s32 $0x1B8B  }
0xa3: {  	_ =	swait.ge [sflag:s24], $0x1  }
0xa4: {  	[sflag:s24] =	ssyncset.done $0x0  }
0xa5: {  	s25 =	simm.s32 $0x1B8E;
	[sflag:s24] =	ssyncadd.s32 $0xFFFFFFFF  }
0xa6: {  	s26 =	simm.s32 $execute0_lowered;
	[smem:$0x3FD2] =	sst s25  }
0xa7: {  	s5 =	sshll.u32 s26, $0x1;
	_ =	strace $0x80000046;
	[dreg:$0x1] =	wrdreg $0xFFFFFFFF  }
0xa8: {  	s28 =	simm.s32 $_size_execute0_lowered;
	s4 =	sadd.s32 s4, s5;
	[dreg:$0x0] =	wrdreg $0x0  }
0xa9: {  	s5 =	sshll.u32 s28, $0x1;
	[dreg:$0x2] =	wrdreg s4  }
0xaa: {  	[dreg:$0x3] =	wrdreg s5  }
0xab: {  	[dreg:$0x4] =	wrdreg $0xC0  }
0xac: {  	_ =	task [dreg:s8], $0x5FFFF  }
0xad: {  	[dreg:$0x1] =	wrdreg $0xFFFFFFFF  }
0xae: {  	[dreg:$0x0] =	wrdreg $0x60  }
0xaf: {  	[dreg:$0x2] =	wrdreg s2  }
0xb0: {  	[dreg:$0x3] =	wrdreg s19  }
0xb1: {  	[dreg:$0x4] =	wrdreg $0x9  }
0xb2: {  	_ =	task.clear_ibuf [dreg:s8], $0x5FFFF;
	_ =	strace $0x90000046  }
0xb3: {  	s29 =	simm.s32 $0x9;
	_ =	strace $0x80000048  }
0xb4: {  	_ =	swait.ge [sflag:s29], $0x1  }
0xb5: {  	[sflag:s29] =	ssyncadd.s32 $0xFFFFFFFF  }
0xb6: {  	_ =	strace $0x90000048  }
0xb7: {  	_ =	sfence  }
0xb8: {  	s30 =	sld [smem:$0x0];
	_ =	sdelay $0x2  }
0xb9: {  	s31 =	sshll.u32 s1, $0xD;
	s1 =	sshrl.u32 s1, $0x2  }
0xba: {  	s3 =	sand.u32 $0x4000, s31;
	s1 =	sadd.s32 s1, s30  }
0xbb: {  	s0 =	sor.u32 s3, s0;
	s1 =	sshll.u32 s1, $0x11  }
0xbc: {  	s0 =	sor.u32 s1, s0  }
0xbd: {  	s0 =	sadd.s32 $0x8F2B, s0  }
0xbe: {  	[sflag:s0] =	ssyncadd.remote.s32 $0x1  }
0xbf: {  	_ =	sfence.sel $0xFFFF  }
0xc0: {  	[dreg:$0x0] =	wrdreg $0xFFFFFFFF;
	(pc) =	sbr.abs _section_cstart, $3  }
0xc1: {  	[dreg:$0x1] =	wrdreg $0xFFFFFFFF  }
0xc2: {  	_ =	task.clear_ibuf [dreg:s8], $0x2FFFF;
	_ =	strace $0x9FFFFFFF  }
0xc3: {  	(tm) =	ssettm $0x7FFFFFFF  }
tec
execute0_lowered:
.L_overlay_start_1:
0x0: {  	(tag) =	ssettag $0x1  }
0x1: {  	s2 =	rddreg [dreg:$0x0]  }
0x2: {  	s3 =	rddreg [dreg:$0x1];
	s1 =	stileid.u32  }
0x3: {  	s0 =	rddreg [dreg:$0x2];
	s5 =	srdreg.scid;
	s4 =	simm.s32 $0x0  }
0x4: {  	s12 =	simm.s32 $0x400;
	s13 =	simm.s32 $0x4000;
	s14 =	simm.s32 $0x1  }
0x5: {  	s15 =	simm.s32 $0x8000;
	s16 =	simm.s32 $0x2;
	s17 =	simm.s32 $0xC000  }
0x6: {  	s18 =	simm.s32 $0x3;
	s19 =	simm.s32 $0x4;
	s6 =	sshll.u32 s1, $0x1  }
0x7: {  	s20 =	simm.s32 $0x0;
	s5 =	sand.u32 $0x1, s5;
	s6 =	sand.u32 $0xE, s6  }
0x8: {  	s7 =	sshll.u32 s1, $0x16;
	s8 =	ssub.s32 $0x2, s5;
	s6 =	sor.u32 s5, s6  }
0x9: {  	s29 =	sand.u32 $0x2000000, s7;
	s30 =	sshrl.u32 s8, $0x1;
	s6 =	sshll.u32 s6, $0xA  }
0xa: {  	[smem:$0x7FF] =	sst s4;
	s11 =	ssub.s32 s8, s30;
	s5 =	sor.u32 s29, s6  }
0xb: {  	_ =	strace $0x80000047;
	s11 =	smax.u32 s11, $0x1;
	s6 =	sor.u32 $0x1000000, s5  }
0xc: {  	s31 =	sshrl.u32 s5, $0x3;
	s8 =	sor.u32 $0x80000, s5;
	s9 =	sshrl.u32 s6, $0x3  }
0xd: {  	s10 =	sor.u32 $0x1080000, s5;
	s7 =	sadd.s32 s2, s31;
	s9 =	sadd.s32 s2, s9  }
.LBB2_1:
0xe: {  	v0 =	vimm.f32 $0.0e+00;
	v13 =	vimm.f32 $0.0e+00  }
0xf: {  	[tilespmem:s4], [sflag:$0x1] =	stream.strided.gather [hbm4b:s7+s12], $0x4000, s13, s12, $0x38;
	v12 =	vimm.f32 $0.0e+00;
	v5 =	vimm.f32 $0.0e+00;
	v11 =	vimm.f32 $0.0e+00;
	[tilespmem:$0x10000] =	vst v63  }
0x10: {  	v14 =	vimm.f32 $0.0e+00;
	v3 =	vimm.f32 $0.0e+00;
	v1 =	vimm.f32 $0.0e+00;
	s21 =	simm.s32 $0x0  }
.LBB2_2:
0x11: {  	s22 =	sshll.u32 s21, $0x13  }
0x12: {  	s22 =	sor.u32 s22, s5  }
0x13: {  	s23 =	sshrl.u32 s22, $0x3  }
0x14: {  	s22 =	sor.u32 $0x8000, s23  }
0x15: {  	s24 =	sadd.s32 s2, s22  }
0x16: {  	[tilespmem:s13], [sflag:$0x2] =	stream.strided.gather [hbm4b:s24+s12], $0x4000, s13, s12, $0x38;
	[tilespmem:$0x10000] =	vst v63  }
0x17: {  	_ =	swait.ge [sflag:s14], $0x4000  }
0x18: {  	p0 =	seq.s32 s21, $0x0;
	[sflag:s14] =	ssyncset.done $0x0  }
0x19: {  	s24 =	simm.s32 @!p0 $0x3;
	[sflag:s14] =	ssyncadd.s32 $0xFFFFC000  }
0x1a: {  	_ =	swait.ge @!p0 [sflag:s24], $0x4000  }
0x1b: {  	[sflag:s24] =	ssyncset.done @!p0 $0x0  }
0x1c: {  	[sflag:s24] =	ssyncadd.s32 @!p0 $0xFFFFC000;
	s24 =	simm.s32 $0x0  }
0x1d: {  	v15 =	vld [tilespmem:s24+$0x40]  }
0x1e: {  	v2 =	vld [tilespmem:s24+$0x1E0]  }
0x1f: {  	v6 =	vld [tilespmem:s24+$0x90]  }
0x20: {  	v9 =	vld [tilespmem:s24+$0x80]  }
0x21: {  	v19 =	vld [tilespmem:s24+$0x190]  }
0x22: {  	v16 =	vld [tilespmem:s24+$0x30]  }
0x23: {  	v20 =	vld [tilespmem:s24+$0xB0]  }
0x24: {  	v4 =	vld [tilespmem:s24+$0xF0]  }
0x25: {  	v10 =	vld [tilespmem:s24+$0x10]  }
0x26: {  	v17 =	vld [tilespmem:s24+$0x0]  }
0x27: {  	v18 =	vld [tilespmem:s24+$0x180]  }
0x28: {  	v21 =	vld [tilespmem:s24+$0x110]  }
0x29: {  	v22 =	vld [tilespmem:s24+$0x100]  }
0x2a: {  	v23 =	vld [tilespmem:s24+$0xE0]  }
0x2b: {  	v8 =	vld [tilespmem:s24+$0x1D0]  }
0x2c: {  	v7 =	vld [tilespmem:s24+$0x120]  }
0x2d: {  	v24 =	vld [tilespmem:s24+$0x20]  }
0x2e: {  	v25 =	vld [tilespmem:s24+$0x60]  }
0x2f: {  	v26 =	vld [tilespmem:s24+$0x150]  }
0x30: {  	v27 =	vld [tilespmem:s24+$0xD0];
	v1 =	vadd.f32 v17, v1;
	v3 =	vadd.f32 v10, v3  }
0x31: {  	v17 =	vld [tilespmem:s24+$0x50]  }
0x32: {  	v28 =	vld [tilespmem:s24+$0xA0];
	v14 =	vadd.f32 v24, v14;
	[tilespmem:s24+$0x8000] =	vst v1;
	v6 =	vadd.f32 v6, v3  }
0x33: {  	v63 =	vld [tilespmem:s24+$0xC0];
	v25 =	vadd.f32 v25, v13;
	[tilespmem:s24+$0x8010] =	vst v3;
	v1 =	vadd.f32 v9, v1  }
0x34: {  	v29 =	vld [tilespmem:s24+$0x160];
	[tilespmem:s24+$0x8020] =	vst v14;
	v3 =	vadd.f32 v21, v6  }
0x35: {  	v10 =	vld [tilespmem:s24+$0x130];
	[tilespmem:s24+$0x8060] =	vst v25;
	v21 =	vadd.f32 v15, v5;
	v5 =	vadd.f32 v22, v1  }
0x36: {  	v9 =	vld [tilespmem:s24+$0x1C0];
	[tilespmem:s24+$0x8080] =	vst v1;
	v13 =	vadd.f32 v17, v12  }
0x37: {  	v15 =	vld [tilespmem:s24+$0x140];
	[tilespmem:s24+$0x8110] =	vst v3;
	v1 =	vadd.f32 v18, v5;
	v18 =	vadd.f32 v23, v25  }
0x38: {  	v17 =	vld [tilespmem:s24+$0x70];
	[tilespmem:s24+$0x8040] =	vst v21;
	v23 =	vadd.f32 v16, v11;
	v22 =	vadd.f32 v27, v13  }
0x39: {  	v12 =	vld [tilespmem:s24+$0x1A0];
	v16 =	vadd.f32 v28, v14;
	v3 =	vadd.f32 v19, v3;
	[tilespmem:s24+$0x8050] =	vst v13  }
0x3a: {  	v11 =	vadd.f32 v63, v21;
	v19 =	vld [tilespmem:s24+$0x170];
	[tilespmem:s24+$0x8030] =	vst v23;
	v21 =	vadd.f32 v26, v22  }
0x3b: {  	s25 =	sshll.u32 s21, $0x1;
	s26 =	simm.s32 $0x800;
	v13 =	vld [tilespmem:s24+$0x1B0];
	v14 =	vadd.f32 v20, v23;
	v20 =	vadd.f32 v29, v18;
	[tilespmem:s24+$0x80D0] =	vst v22  }
.LBB2_3:
0x3c: {  	s28 =	sshra.s32 s26, $0x2;
	p1 =	sne.s32 s26, $0xF800;
	s26 =	sadd.s32 $0x800, s26;
	v7 =	vadd.f32 v7, v16;
	[tilespmem:s24+$0x8150] =	vst v21;
	v21 =	vadd.f32 v8, v21;
	v8 =	vld [tilespmem:s24+$0x1F0]  }
0x3d: {  	v22 =	vld [tilespmem:s28+$0x40];
	v0 =	vadd.f32 v17, v0;
	[tilespmem:s24+$0x80E0] =	vst v18;
	v10 =	vadd.f32 v10, v14  }
0x3e: {  	v17 =	vadd.f32 v2, v20;
	[tilespmem:s24+$0x8160] =	vst v20;
	v12 =	vadd.f32 v12, v7;
	v2 =	vld [tilespmem:s28+$0x1E0]  }
0x3f: {  	v18 =	vld [tilespmem:s28+$0x90];
	[tilespmem:s24+$0x80A0] =	vst v16;
	v4 =	vadd.f32 v4, v0;
	v15 =	vadd.f32 v15, v11  }
0x40: {  	v13 =	vadd.f32 v13, v10;
	v16 =	vld [tilespmem:s28+$0x80];
	[tilespmem:s24+$0x81D0] =	vst v21  }
0x41: {  	v20 =	vld [tilespmem:s28+$0x190];
	v19 =	vadd.f32 v19, v4;
	v9 =	vadd.f32 v9, v15;
	[tilespmem:s24+$0x81E0] =	vst v17  }
0x42: {  	v23 =	vld [tilespmem:s28+$0x30];
	[tilespmem:s24+$0x8070] =	vst v0  }
0x43: {  	v24 =	vld [tilespmem:s28+$0xB0];
	[tilespmem:s24+$0x80F0] =	vst v4;
	v0 =	vadd.f32 v8, v19  }
0x44: {  	v4 =	vld [tilespmem:s28+$0xF0];
	[tilespmem:s24+$0x80B0] =	vst v14  }
0x45: {  	v14 =	vld [tilespmem:s28+$0x10];
	[tilespmem:s24+$0x8120] =	vst v7  }
0x46: {  	v25 =	vld [tilespmem:s28+$0x0];
	[tilespmem:s24+$0x81A0] =	vst v12  }
0x47: {  	v26 =	vld [tilespmem:s28+$0x180];
	[tilespmem:s24+$0x8090] =	vst v6  }
0x48: {  	v27 =	vld [tilespmem:s28+$0x110];
	[tilespmem:s24+$0x80C0] =	vst v11  }
0x49: {  	v11 =	vld [tilespmem:s28+$0x100];
	[tilespmem:s24+$0x8170] =	vst v19  }
0x4a: {  	v19 =	vld [tilespmem:s28+$0xE0];
	[tilespmem:s24+$0x81F0] =	vst v0  }
0x4b: {  	v8 =	vld [tilespmem:s28+$0x1D0];
	[tilespmem:s24+$0x8100] =	vst v5  }
0x4c: {  	v7 =	vld [tilespmem:s28+$0x120];
	[tilespmem:s24+$0x8130] =	vst v10  }
0x4d: {  	v5 =	vld [tilespmem:s28+$0x20];
	[tilespmem:s24+$0x81B0] =	vst v13  }
0x4e: {  	v6 =	vld [tilespmem:s28+$0x60];
	[tilespmem:s24+$0x8140] =	vst v15  }
0x4f: {  	v28 =	vld [tilespmem:s28+$0x150];
	[tilespmem:s24+$0x81C0] =	vst v9  }
0x50: {  	v10 =	vadd.f32 v25, v1;
	v15 =	vld [tilespmem:s28+$0x50];
	[tilespmem:s24+$0x8190] =	vst v3  }
0x51: {  	v3 =	vadd.f32 v14, v3;
	v14 =	vld [tilespmem:s28+$0xD0];
	[tilespmem:s24+$0x8180] =	vst v1;
	s24 =	smov.u32 s28  }
0x52: {  	v1 =	vadd.f32 v16, v10;
	[tilespmem:s24+$0x8000] =	vst v10;
	v25 =	vadd.f32 v5, v12;
	v16 =	vld [tilespmem:s24+$0xA0]  }
0x53: {  	[tilespmem:s24+$0x8010] =	vst v3;
	v17 =	vadd.f32 v6, v17;
	v6 =	vadd.f32 v18, v3;
	v29 =	vld [tilespmem:s24+$0xC0]  }
0x54: {  	v5 =	vadd.f32 v11, v1;
	[tilespmem:s24+$0x8020] =	vst v25;
	v10 =	vld [tilespmem:s24+$0x130]  }
0x55: {  	v3 =	vadd.f32 v15, v21;
	[tilespmem:s24+$0x8060] =	vst v17;
	v11 =	vadd.f32 v27, v6;
	v27 =	vld [tilespmem:s24+$0x160]  }
0x56: {  	[tilespmem:s24+$0x8080] =	vst v1;
	v1 =	vadd.f32 v26, v5;
	v12 =	vld [tilespmem:s24+$0x1A0]  }
.Ltmp0:
0x57: {  	v15 =	vadd.f32 v22, v9;
	v18 =	vadd.f32 v19, v17;
	[tilespmem:s24+$0x8050] =	vst v3;
	v9 =	vld [tilespmem:s24+$0x1C0];
	(pc) =	sbr.rel @p1 .LBB2_3-.Ltmp0, $4  }
0x58: {  	v19 =	vadd.f32 v23, v13;
	v14 =	vadd.f32 v14, v3;
	v17 =	vld [tilespmem:s24+$0x70];
	[tilespmem:s24+$0x8110] =	vst v11  }
0x59: {  	v16 =	vadd.f32 v16, v25;
	v3 =	vadd.f32 v20, v11;
	[tilespmem:s24+$0x8040] =	vst v15;
	v13 =	vld [tilespmem:s24+$0x1B0]  }
0x5a: {  	v11 =	vadd.f32 v29, v15;
	v21 =	vadd.f32 v28, v14;
	[tilespmem:s24+$0x80D0] =	vst v14;
	v15 =	vld [tilespmem:s24+$0x140]  }
0x5b: {  	v14 =	vadd.f32 v24, v19;
	v20 =	vadd.f32 v27, v18;
	[tilespmem:s24+$0x8030] =	vst v19;
	v19 =	vld [tilespmem:s24+$0x170]  }
0x5c: {  	[tilespmem:s24+$0x8150] =	vst v21  }
0x5d: {  	[tilespmem:s24+$0x80E0] =	vst v18  }
0x5e: {  	[tilespmem:s24+$0x80A0] =	vst v16  }
0x5f: {  	[tilespmem:s24+$0x8090] =	vst v6  }
0x60: {  	[tilespmem:s24+$0x80C0] =	vst v11  }
0x61: {  	[tilespmem:s24+$0x8100] =	vst v5  }
0x62: {  	[tilespmem:s24+$0x8190] =	vst v3  }
0x63: {  	[tilespmem:s24+$0x8180] =	vst v1  }
0x64: {  	v18 =	vadd.f32 v8, v21;
	[tilespmem:s24+$0x8160] =	vst v20  }
0x65: {  	v0 =	vadd.f32 v17, v0;
	v17 =	vadd.f32 v2, v20;
	[tilespmem:s24+$0x80B0] =	vst v14  }
0x66: {  	[tilespmem:s24+$0x81D0] =	vst v18  }
0x67: {  	v22 =	vld [tilespmem:s24+$0x1F0];
	v2 =	vadd.f32 v4, v0;
	[tilespmem:s24+$0x81E0] =	vst v17;
	v4 =	vadd.f32 v7, v16  }
0x68: {  	[tilespmem:s24+$0x8070] =	vst v0  }
0x69: {  	[tilespmem:s24+$0x80F0] =	vst v2;
	v12 =	vadd.f32 v12, v4  }
0x6a: {  	[tilespmem:s24+$0x8120] =	vst v4;
	v2 =	vadd.f32 v19, v2  }
0x6b: {  	v4 =	vadd.f32 v10, v14;
	[tilespmem:s24+$0x81A0] =	vst v12  }
0x6c: {  	v0 =	vadd.f32 v22, v2;
	[tilespmem:s24+$0x8170] =	vst v2  }
0x6d: {  	v2 =	vadd.f32 v15, v11;
	v11 =	vadd.f32 v13, v4;
	[tilespmem:s24+$0x8130] =	vst v4  }
0x6e: {  	[tilespmem:s24+$0x81F0] =	vst v0  }
0x6f: {  	v5 =	vadd.f32 v9, v2;
	[tilespmem:s24+$0x81B0] =	vst v11  }
0x70: {  	[tilespmem:s24+$0x8140] =	vst v2  }
0x71: {  	s23 =	sadd.s32 s3, s23;
	s31 =	smin.u32 s25, $0x3D;
	[tilespmem:s24+$0x81C0] =	vst v5  }
0x72: {  	[hbm4b:s23+s12] =	stream.strided.scatter [tilespmem:s15], [sflag:$0x3], $0x4000, s13, s12, $0x38;
	[tilespmem:$0x10000] =	vst v63  }
0x73: {  	s23 =	sshll.u32 s31, $0x12  }
0x74: {  	s23 =	sadd.s32 s8, s23  }
0x75: {  	s23 =	sshrl.u32 s23, $0x3  }
0x76: {  	s23 =	sadd.s32 s2, s23  }
0x77: {  	[tilespmem:s4], [sflag:$0x1] =	stream.strided.gather [hbm4b:s23+s12], $0x4000, s13, s12, $0x38;
	[tilespmem:$0x10000] =	vst v63  }
0x78: {  	_ =	swait.ge [sflag:s16], $0x4000  }
0x79: {  	[sflag:s16] =	ssyncset.done $0x0  }
0x7a: {  	s23 =	simm.s32 @!p0 $0x4;
	[sflag:s16] =	ssyncadd.s32 $0xFFFFC000  }
0x7b: {  	_ =	swait.ge @!p0 [sflag:s23], $0x4000  }
0x7c: {  	[sflag:s23] =	ssyncset.done @!p0 $0x0  }
0x7d: {  	[sflag:s23] =	ssyncadd.s32 @!p0 $0xFFFFC000;
	s23 =	simm.s32 $0x0  }
0x7e: {  	v13 =	vld [tilespmem:s23+$0x4040]  }
0x7f: {  	v2 =	vld [tilespmem:s23+$0x41E0]  }
0x80: {  	v6 =	vld [tilespmem:s23+$0x4090]  }
0x81: {  	v9 =	vld [tilespmem:s23+$0x4080]  }
0x82: {  	v16 =	vld [tilespmem:s23+$0x4190]  }
0x83: {  	v19 =	vld [tilespmem:s23+$0x4030]  }
0x84: {  	v20 =	vld [tilespmem:s23+$0x40B0]  }
0x85: {  	v4 =	vld [tilespmem:s23+$0x40F0]  }
0x86: {  	v10 =	vld [tilespmem:s23+$0x4010]  }
0x87: {  	v14 =	vld [tilespmem:s23+$0x4000]  }
0x88: {  	v15 =	vld [tilespmem:s23+$0x4180]  }
0x89: {  	v21 =	vld [tilespmem:s23+$0x4110]  }
0x8a: {  	v22 =	vld [tilespmem:s23+$0x4100]  }
0x8b: {  	v23 =	vld [tilespmem:s23+$0x40E0]  }
0x8c: {  	v8 =	vld [tilespmem:s23+$0x41D0]  }
0x8d: {  	v7 =	vld [tilespmem:s23+$0x4120]  }
0x8e: {  	v24 =	vld [tilespmem:s23+$0x4020]  }
0x8f: {  	v25 =	vld [tilespmem:s23+$0x4060]  }
0x90: {  	v26 =	vld [tilespmem:s23+$0x4150]  }
0x91: {  	v27 =	vld [tilespmem:s23+$0x40D0];
	v1 =	vadd.f32 v14, v1  }
0x92: {  	v14 =	vld [tilespmem:s23+$0x4050];
	v3 =	vadd.f32 v10, v3  }
0x93: {  	v28 =	vld [tilespmem:s23+$0x40A0];
	v24 =	vadd.f32 v24, v12;
	[tilespmem:s23+$0xC000] =	vst v1  }
0x94: {  	v29 =	vld [tilespmem:s23+$0x40C0];
	v12 =	vadd.f32 v25, v17;
	[tilespmem:s23+$0xC010] =	vst v3  }
0x95: {  	v63 =	vld [tilespmem:s23+$0x4160];
	v19 =	vadd.f32 v19, v11;
	[tilespmem:s23+$0xC020] =	vst v24;
	v6 =	vadd.f32 v6, v3  }
0x96: {  	v10 =	vld [tilespmem:s23+$0x4130];
	v1 =	vadd.f32 v9, v1;
	[tilespmem:s23+$0xC060] =	vst v12;
	v12 =	vadd.f32 v23, v12  }
0x97: {  	v9 =	vld [tilespmem:s23+$0x41C0];
	[tilespmem:s23+$0xC030] =	vst v19;
	v3 =	vadd.f32 v21, v6;
	v17 =	vadd.f32 v14, v18  }
0x98: {  	[tilespmem:s23+$0xC080] =	vst v1;
	v21 =	vadd.f32 v13, v5;
	v13 =	vld [tilespmem:s23+$0x4070];
	v5 =	vadd.f32 v22, v1  }
0x99: {  	v14 =	vld [tilespmem:s23+$0x41A0];
	v18 =	vadd.f32 v28, v24;
	[tilespmem:s23+$0xC110] =	vst v3;
	v22 =	vadd.f32 v27, v17  }
0x9a: {  	[tilespmem:s23+$0xC040] =	vst v21;
	v1 =	vadd.f32 v15, v5;
	v15 =	vld [tilespmem:s23+$0x41B0];
	v3 =	vadd.f32 v16, v3  }
0x9b: {  	v11 =	vadd.f32 v29, v21;
	[tilespmem:s23+$0xC050] =	vst v17;
	v17 =	vld [tilespmem:s23+$0x4140];
	v21 =	vadd.f32 v26, v22  }
0x9c: {  	s24 =	simm.s32 $0x800;
	v16 =	vadd.f32 v20, v19;
	v20 =	vadd.f32 v63, v12;
	v19 =	vld [tilespmem:s23+$0x4170];
	[tilespmem:s23+$0xC0D0] =	vst v22  }
.LBB2_5:
0x9d: {  	s25 =	sshra.s32 s24, $0x2;
	p0 =	sne.s32 s24, $0xF800;
	s24 =	sadd.s32 $0x800, s24;
	v7 =	vadd.f32 v7, v18;
	[tilespmem:s23+$0xC150] =	vst v21;
	v21 =	vadd.f32 v8, v21;
	v8 =	vld [tilespmem:s23+$0x41F0]  }
0x9e: {  	v22 =	vld [tilespmem:s25+$0x4040];
	v0 =	vadd.f32 v13, v0;
	[tilespmem:s23+$0xC0E0] =	vst v12;
	v10 =	vadd.f32 v10, v16  }
0x9f: {  	v13 =	vadd.f32 v2, v20;
	[tilespmem:s23+$0xC160] =	vst v20;
	v12 =	vadd.f32 v14, v7;
	v2 =	vld [tilespmem:s25+$0x41E0]  }
0xa0: {  	v14 =	vld [tilespmem:s25+$0x4090];
	[tilespmem:s23+$0xC0A0] =	vst v18;
	v4 =	vadd.f32 v4, v0;
	v17 =	vadd.f32 v17, v11  }
0xa1: {  	v15 =	vadd.f32 v15, v10;
	v18 =	vld [tilespmem:s25+$0x4080];
	[tilespmem:s23+$0xC1D0] =	vst v21  }
0xa2: {  	v20 =	vld [tilespmem:s25+$0x4190];
	v19 =	vadd.f32 v19, v4;
	v9 =	vadd.f32 v9, v17;
	[tilespmem:s23+$0xC1E0] =	vst v13  }
0xa3: {  	v23 =	vld [tilespmem:s25+$0x4030];
	[tilespmem:s23+$0xC070] =	vst v0  }
0xa4: {  	v24 =	vld [tilespmem:s25+$0x40B0];
	[tilespmem:s23+$0xC0F0] =	vst v4;
	v0 =	vadd.f32 v8, v19  }
0xa5: {  	v4 =	vld [tilespmem:s25+$0x40F0];
	[tilespmem:s23+$0xC0B0] =	vst v16  }
0xa6: {  	v16 =	vld [tilespmem:s25+$0x4010];
	[tilespmem:s23+$0xC120] =	vst v7  }
0xa7: {  	v25 =	vld [tilespmem:s25+$0x4000];
	[tilespmem:s23+$0xC1A0] =	vst v12  }
0xa8: {  	v26 =	vld [tilespmem:s25+$0x4180];
	[tilespmem:s23+$0xC090] =	vst v6  }
0xa9: {  	v27 =	vld [tilespmem:s25+$0x4110];
	[tilespmem:s23+$0xC0C0] =	vst v11  }
0xaa: {  	v11 =	vld [tilespmem:s25+$0x4100];
	[tilespmem:s23+$0xC170] =	vst v19  }
0xab: {  	v19 =	vld [tilespmem:s25+$0x40E0];
	[tilespmem:s23+$0xC1F0] =	vst v0  }
0xac: {  	v8 =	vld [tilespmem:s25+$0x41D0];
	[tilespmem:s23+$0xC100] =	vst v5  }
0xad: {  	v7 =	vld [tilespmem:s25+$0x4120];
	[tilespmem:s23+$0xC130] =	vst v10  }
0xae: {  	v5 =	vld [tilespmem:s25+$0x4020];
	[tilespmem:s23+$0xC1B0] =	vst v15  }
0xaf: {  	v6 =	vld [tilespmem:s25+$0x4060];
	[tilespmem:s23+$0xC140] =	vst v17  }
0xb0: {  	v28 =	vld [tilespmem:s25+$0x4150];
	[tilespmem:s23+$0xC1C0] =	vst v9  }
0xb1: {  	v10 =	vadd.f32 v25, v1;
	v17 =	vld [tilespmem:s25+$0x4050];
	[tilespmem:s23+$0xC190] =	vst v3  }
0xb2: {  	v3 =	vadd.f32 v16, v3;
	v16 =	vld [tilespmem:s25+$0x40D0];
	[tilespmem:s23+$0xC180] =	vst v1;
	s23 =	smov.u32 s25  }
0xb3: {  	v1 =	vadd.f32 v18, v10;
	[tilespmem:s23+$0xC000] =	vst v10;
	v25 =	vadd.f32 v5, v12;
	v18 =	vld [tilespmem:s23+$0x40A0]  }
0xb4: {  	[tilespmem:s23+$0xC010] =	vst v3;
	v12 =	vadd.f32 v6, v13;
	v6 =	vadd.f32 v14, v3;
	v29 =	vld [tilespmem:s23+$0x40C0]  }
0xb5: {  	v5 =	vadd.f32 v11, v1;
	[tilespmem:s23+$0xC020] =	vst v25;
	v10 =	vld [tilespmem:s23+$0x4130]  }
0xb6: {  	v3 =	vadd.f32 v17, v21;
	[tilespmem:s23+$0xC060] =	vst v12;
	v11 =	vadd.f32 v27, v6;
	v27 =	vld [tilespmem:s23+$0x4160]  }
0xb7: {  	[tilespmem:s23+$0xC080] =	vst v1;
	v1 =	vadd.f32 v26, v5;
	v14 =	vld [tilespmem:s23+$0x41A0]  }
.Ltmp1:
0xb8: {  	v17 =	vadd.f32 v22, v9;
	v12 =	vadd.f32 v19, v12;
	[tilespmem:s23+$0xC050] =	vst v3;
	v9 =	vld [tilespmem:s23+$0x41C0];
	(pc) =	sbr.rel @p0 .LBB2_5-.Ltmp1, $4  }
0xb9: {  	v19 =	vadd.f32 v23, v15;
	v16 =	vadd.f32 v16, v3;
	v13 =	vld [tilespmem:s23+$0x4070];
	[tilespmem:s23+$0xC110] =	vst v11  }
0xba: {  	v18 =	vadd.f32 v18, v25;
	v3 =	vadd.f32 v20, v11;
	[tilespmem:s23+$0xC040] =	vst v17;
	v15 =	vld [tilespmem:s23+$0x41B0]  }
0xbb: {  	v11 =	vadd.f32 v29, v17;
	v21 =	vadd.f32 v28, v16;
	[tilespmem:s23+$0xC0D0] =	vst v16;
	v17 =	vld [tilespmem:s23+$0x4140]  }
0xbc: {  	v16 =	vadd.f32 v24, v19;
	v20 =	vadd.f32 v27, v12;
	[tilespmem:s23+$0xC030] =	vst v19;
	v19 =	vld [tilespmem:s23+$0x4170]  }
0xbd: {  	[tilespmem:s23+$0xC150] =	vst v21  }
0xbe: {  	[tilespmem:s23+$0xC0E0] =	vst v12  }
0xbf: {  	[tilespmem:s23+$0xC0A0] =	vst v18  }
0xc0: {  	[tilespmem:s23+$0xC090] =	vst v6  }
0xc1: {  	[tilespmem:s23+$0xC0C0] =	vst v11  }
0xc2: {  	[tilespmem:s23+$0xC100] =	vst v5  }
0xc3: {  	[tilespmem:s23+$0xC190] =	vst v3  }
0xc4: {  	[tilespmem:s23+$0xC180] =	vst v1  }
0xc5: {  	v12 =	vadd.f32 v8, v21;
	[tilespmem:s23+$0xC160] =	vst v20  }
0xc6: {  	v0 =	vadd.f32 v13, v0;
	v13 =	vadd.f32 v2, v20;
	[tilespmem:s23+$0xC0B0] =	vst v16  }
0xc7: {  	[tilespmem:s23+$0xC1D0] =	vst v12  }
0xc8: {  	v22 =	vld [tilespmem:s23+$0x41F0];
	v2 =	vadd.f32 v4, v0;
	[tilespmem:s23+$0xC1E0] =	vst v13;
	v4 =	vadd.f32 v7, v18  }
0xc9: {  	[tilespmem:s23+$0xC070] =	vst v0  }
0xca: {  	[tilespmem:s23+$0xC0F0] =	vst v2;
	v14 =	vadd.f32 v14, v4  }
0xcb: {  	[tilespmem:s23+$0xC120] =	vst v4;
	v2 =	vadd.f32 v19, v2  }
0xcc: {  	v4 =	vadd.f32 v10, v16;
	[tilespmem:s23+$0xC1A0] =	vst v14  }
0xcd: {  	s21 =	sadd.s32 $0x1, s21;
	v0 =	vadd.f32 v22, v2;
	[tilespmem:s23+$0xC170] =	vst v2  }
0xce: {  	p0 =	sne.s32 s21, $0x20;
	v2 =	vadd.f32 v17, v11;
	v11 =	vadd.f32 v15, v4;
	[tilespmem:s23+$0xC130] =	vst v4  }
.Ltmp2:
0xcf: {  	[tilespmem:s23+$0xC1F0] =	vst v0;
	(pc) =	sbr.rel @p0 .LBB2_2-.Ltmp2, $4  }
0xd0: {  	v5 =	vadd.f32 v9, v2;
	[tilespmem:s23+$0xC1B0] =	vst v11  }
0xd1: {  	[tilespmem:s23+$0xC140] =	vst v2  }
0xd2: {  	s22 =	sadd.s32 s3, s22;
	[tilespmem:s23+$0xC1C0] =	vst v5  }
0xd3: {  	[hbm4b:s22+s12] =	stream.strided.scatter [tilespmem:s17], [sflag:$0x4], $0x4000, s13, s12, $0x38;
	[tilespmem:$0x10000] =	vst v63  }
0xd4: {  	_ =	swait.ge [sflag:s14], $0x4000  }
0xd5: {  	[sflag:s14] =	ssyncset.done $0x0  }
0xd6: {  	[sflag:s14] =	ssyncadd.s32 $0xFFFFC000  }
0xd7: {  	_ =	swait.ge [sflag:s18], $0x4000  }
0xd8: {  	[sflag:s18] =	ssyncset.done $0x0  }
0xd9: {  	[sflag:s18] =	ssyncadd.s32 $0xFFFFC000  }
0xda: {  	_ =	swait.ge [sflag:s19], $0x4000  }
0xdb: {  	v0 =	vimm.f32 $0.0e+00;
	v13 =	vimm.f32 $0.0e+00;
	[sflag:s19] =	ssyncset.done $0x0  }
0xdc: {  	s21 =	simm.s32 $0x0;
	v12 =	vimm.f32 $0.0e+00;
	v5 =	vimm.f32 $0.0e+00;
	v11 =	vimm.f32 $0.0e+00;
	[sflag:s19] =	ssyncadd.s32 $0xFFFFC000  }
0xdd: {  	v14 =	vimm.f32 $0.0e+00;
	v3 =	vimm.f32 $0.0e+00;
	v1 =	vimm.f32 $0.0e+00;
	[tilespmem:s21], [sflag:$0x1] =	stream.strided.gather [hbm4b:s9+s12], $0x4000, s13, s12, $0x38;
	[tilespmem:$0x10000] =	vst v63  }
.LBB2_8:
0xde: {  	s23 =	sshll.u32 s21, $0x13  }
0xdf: {  	s22 =	sor.u32 s23, s5  }
0xe0: {  	s22 =	sshrl.u32 s22, $0x3  }
0xe1: {  	s22 =	sor.u32 $0x208000, s22  }
0xe2: {  	s24 =	sadd.s32 s2, s22  }
0xe3: {  	[tilespmem:s13], [sflag:$0x2] =	stream.strided.gather [hbm4b:s24+s12], $0x4000, s13, s12, $0x38;
	[tilespmem:$0x10000] =	vst v63  }
0xe4: {  	_ =	swait.ge [sflag:s14], $0x4000  }
0xe5: {  	p0 =	seq.s32 s21, $0x0;
	[sflag:s14] =	ssyncset.done $0x0  }
0xe6: {  	s24 =	simm.s32 @!p0 $0x3;
	[sflag:s14] =	ssyncadd.s32 $0xFFFFC000  }
0xe7: {  	_ =	swait.ge @!p0 [sflag:s24], $0x4000  }
0xe8: {  	[sflag:s24] =	ssyncset.done @!p0 $0x0  }
0xe9: {  	[sflag:s24] =	ssyncadd.s32 @!p0 $0xFFFFC000;
	s24 =	simm.s32 $0x0  }
0xea: {  	v15 =	vld [tilespmem:s24+$0x40]  }
0xeb: {  	v2 =	vld [tilespmem:s24+$0x1E0]  }
0xec: {  	v6 =	vld [tilespmem:s24+$0x90]  }
0xed: {  	v9 =	vld [tilespmem:s24+$0x80]  }
0xee: {  	v19 =	vld [tilespmem:s24+$0x190]  }
0xef: {  	v16 =	vld [tilespmem:s24+$0x30]  }
0xf0: {  	v20 =	vld [tilespmem:s24+$0xB0]  }
0xf1: {  	v4 =	vld [tilespmem:s24+$0xF0]  }
0xf2: {  	v10 =	vld [tilespmem:s24+$0x10]  }
0xf3: {  	v17 =	vld [tilespmem:s24+$0x0]  }
0xf4: {  	v18 =	vld [tilespmem:s24+$0x180]  }
0xf5: {  	v21 =	vld [tilespmem:s24+$0x110]  }
0xf6: {  	v22 =	vld [tilespmem:s24+$0x100]  }
0xf7: {  	v23 =	vld [tilespmem:s24+$0xE0]  }
0xf8: {  	v8 =	vld [tilespmem:s24+$0x1D0]  }
0xf9: {  	v7 =	vld [tilespmem:s24+$0x120]  }
0xfa: {  	v24 =	vld [tilespmem:s24+$0x20]  }
0xfb: {  	v25 =	vld [tilespmem:s24+$0x60]  }
0xfc: {  	v26 =	vld [tilespmem:s24+$0x150]  }
0xfd: {  	v27 =	vld [tilespmem:s24+$0xD0];
	v1 =	vadd.f32 v17, v1;
	v3 =	vadd.f32 v10, v3  }
0xfe: {  	v17 =	vld [tilespmem:s24+$0x50]  }
0xff: {  	v28 =	vld [tilespmem:s24+$0xA0];
	v14 =	vadd.f32 v24, v14;
	[tilespmem:s24+$0x8000] =	vst v1;
	v6 =	vadd.f32 v6, v3  }
0x100: {  	v63 =	vld [tilespmem:s24+$0xC0];
	v25 =	vadd.f32 v25, v13;
	[tilespmem:s24+$0x8010] =	vst v3;
	v1 =	vadd.f32 v9, v1  }
0x101: {  	v29 =	vld [tilespmem:s24+$0x160];
	[tilespmem:s24+$0x8020] =	vst v14;
	v3 =	vadd.f32 v21, v6  }
0x102: {  	v10 =	vld [tilespmem:s24+$0x130];
	[tilespmem:s24+$0x8060] =	vst v25;
	v21 =	vadd.f32 v15, v5;
	v5 =	vadd.f32 v22, v1  }
0x103: {  	v9 =	vld [tilespmem:s24+$0x1C0];
	[tilespmem:s24+$0x8080] =	vst v1;
	v13 =	vadd.f32 v17, v12  }
0x104: {  	v15 =	vld [tilespmem:s24+$0x140];
	[tilespmem:s24+$0x8110] =	vst v3;
	v1 =	vadd.f32 v18, v5;
	v18 =	vadd.f32 v23, v25  }
0x105: {  	v17 =	vld [tilespmem:s24+$0x70];
	[tilespmem:s24+$0x8040] =	vst v21;
	v23 =	vadd.f32 v16, v11;
	v22 =	vadd.f32 v27, v13  }
0x106: {  	v12 =	vld [tilespmem:s24+$0x1A0];
	v16 =	vadd.f32 v28, v14;
	v3 =	vadd.f32 v19, v3;
	[tilespmem:s24+$0x8050] =	vst v13  }
0x107: {  	v11 =	vadd.f32 v63, v21;
	v19 =	vld [tilespmem:s24+$0x170];
	[tilespmem:s24+$0x8030] =	vst v23;
	v21 =	vadd.f32 v26, v22  }
0x108: {  	s25 =	sshll.u32 s21, $0x1;
	s26 =	simm.s32 $0x800;
	v13 =	vld [tilespmem:s24+$0x1B0];
	v14 =	vadd.f32 v20, v23;
	v20 =	vadd.f32 v29, v18;
	[tilespmem:s24+$0x80D0] =	vst v22  }
.LBB2_9:
0x109: {  	s28 =	sshra.s32 s26, $0x2;
	p1 =	sne.s32 s26, $0xF800;
	s26 =	sadd.s32 $0x800, s26;
	v7 =	vadd.f32 v7, v16;
	[tilespmem:s24+$0x8150] =	vst v21;
	v21 =	vadd.f32 v8, v21;
	v8 =	vld [tilespmem:s24+$0x1F0]  }
0x10a: {  	v22 =	vld [tilespmem:s28+$0x40];
	v0 =	vadd.f32 v17, v0;
	[tilespmem:s24+$0x80E0] =	vst v18;
	v10 =	vadd.f32 v10, v14  }
0x10b: {  	v17 =	vadd.f32 v2, v20;
	[tilespmem:s24+$0x8160] =	vst v20;
	v12 =	vadd.f32 v12, v7;
	v2 =	vld [tilespmem:s28+$0x1E0]  }
0x10c: {  	v18 =	vld [tilespmem:s28+$0x90];
	[tilespmem:s24+$0x80A0] =	vst v16;
	v4 =	vadd.f32 v4, v0;
	v15 =	vadd.f32 v15, v11  }
0x10d: {  	v13 =	vadd.f32 v13, v10;
	v16 =	vld [tilespmem:s28+$0x80];
	[tilespmem:s24+$0x81D0] =	vst v21  }
0x10e: {  	v20 =	vld [tilespmem:s28+$0x190];
	v19 =	vadd.f32 v19, v4;
	v9 =	vadd.f32 v9, v15;
	[tilespmem:s24+$0x81E0] =	vst v17  }
0x10f: {  	v23 =	vld [tilespmem:s28+$0x30];
	[tilespmem:s24+$0x8070] =	vst v0  }
0x110: {  	v24 =	vld [tilespmem:s28+$0xB0];
	[tilespmem:s24+$0x80F0] =	vst v4;
	v0 =	vadd.f32 v8, v19  }
0x111: {  	v4 =	vld [tilespmem:s28+$0xF0];
	[tilespmem:s24+$0x80B0] =	vst v14  }
0x112: {  	v14 =	vld [tilespmem:s28+$0x10];
	[tilespmem:s24+$0x8120] =	vst v7  }
0x113: {  	v25 =	vld [tilespmem:s28+$0x0];
	[tilespmem:s24+$0x81A0] =	vst v12  }
0x114: {  	v26 =	vld [tilespmem:s28+$0x180];
	[tilespmem:s24+$0x8090] =	vst v6  }
0x115: {  	v27 =	vld [tilespmem:s28+$0x110];
	[tilespmem:s24+$0x80C0] =	vst v11  }
0x116: {  	v11 =	vld [tilespmem:s28+$0x100];
	[tilespmem:s24+$0x8170] =	vst v19  }
0x117: {  	v19 =	vld [tilespmem:s28+$0xE0];
	[tilespmem:s24+$0x81F0] =	vst v0  }
0x118: {  	v8 =	vld [tilespmem:s28+$0x1D0];
	[tilespmem:s24+$0x8100] =	vst v5  }
0x119: {  	v7 =	vld [tilespmem:s28+$0x120];
	[tilespmem:s24+$0x8130] =	vst v10  }
0x11a: {  	v5 =	vld [tilespmem:s28+$0x20];
	[tilespmem:s24+$0x81B0] =	vst v13  }
0x11b: {  	v6 =	vld [tilespmem:s28+$0x60];
	[tilespmem:s24+$0x8140] =	vst v15  }
0x11c: {  	v28 =	vld [tilespmem:s28+$0x150];
	[tilespmem:s24+$0x81C0] =	vst v9  }
0x11d: {  	v10 =	vadd.f32 v25, v1;
	v15 =	vld [tilespmem:s28+$0x50];
	[tilespmem:s24+$0x8190] =	vst v3  }
0x11e: {  	v3 =	vadd.f32 v14, v3;
	v14 =	vld [tilespmem:s28+$0xD0];
	[tilespmem:s24+$0x8180] =	vst v1;
	s24 =	smov.u32 s28  }
0x11f: {  	v1 =	vadd.f32 v16, v10;
	[tilespmem:s24+$0x8000] =	vst v10;
	v25 =	vadd.f32 v5, v12;
	v16 =	vld [tilespmem:s24+$0xA0]  }
0x120: {  	[tilespmem:s24+$0x8010] =	vst v3;
	v17 =	vadd.f32 v6, v17;
	v6 =	vadd.f32 v18, v3;
	v29 =	vld [tilespmem:s24+$0xC0]  }
0x121: {  	v5 =	vadd.f32 v11, v1;
	[tilespmem:s24+$0x8020] =	vst v25;
	v10 =	vld [tilespmem:s24+$0x130]  }
0x122: {  	v3 =	vadd.f32 v15, v21;
	[tilespmem:s24+$0x8060] =	vst v17;
	v11 =	vadd.f32 v27, v6;
	v27 =	vld [tilespmem:s24+$0x160]  }
0x123: {  	[tilespmem:s24+$0x8080] =	vst v1;
	v1 =	vadd.f32 v26, v5;
	v12 =	vld [tilespmem:s24+$0x1A0]  }
.Ltmp3:
0x124: {  	v15 =	vadd.f32 v22, v9;
	v18 =	vadd.f32 v19, v17;
	[tilespmem:s24+$0x8050] =	vst v3;
	v9 =	vld [tilespmem:s24+$0x1C0];
	(pc) =	sbr.rel @p1 .LBB2_9-.Ltmp3, $4  }
0x125: {  	v19 =	vadd.f32 v23, v13;
	v14 =	vadd.f32 v14, v3;
	v17 =	vld [tilespmem:s24+$0x70];
	[tilespmem:s24+$0x8110] =	vst v11  }
0x126: {  	v16 =	vadd.f32 v16, v25;
	v3 =	vadd.f32 v20, v11;
	[tilespmem:s24+$0x8040] =	vst v15;
	v13 =	vld [tilespmem:s24+$0x1B0]  }
0x127: {  	v11 =	vadd.f32 v29, v15;
	v21 =	vadd.f32 v28, v14;
	[tilespmem:s24+$0x80D0] =	vst v14;
	v15 =	vld [tilespmem:s24+$0x140]  }
0x128: {  	v14 =	vadd.f32 v24, v19;
	v20 =	vadd.f32 v27, v18;
	[tilespmem:s24+$0x8030] =	vst v19;
	v19 =	vld [tilespmem:s24+$0x170]  }
0x129: {  	[tilespmem:s24+$0x8150] =	vst v21  }
0x12a: {  	[tilespmem:s24+$0x80E0] =	vst v18  }
0x12b: {  	[tilespmem:s24+$0x80A0] =	vst v16  }
0x12c: {  	[tilespmem:s24+$0x8090] =	vst v6  }
0x12d: {  	[tilespmem:s24+$0x80C0] =	vst v11  }
0x12e: {  	[tilespmem:s24+$0x8100] =	vst v5  }
0x12f: {  	[tilespmem:s24+$0x8190] =	vst v3  }
0x130: {  	[tilespmem:s24+$0x8180] =	vst v1  }
0x131: {  	v18 =	vadd.f32 v8, v21;
	[tilespmem:s24+$0x8160] =	vst v20  }
0x132: {  	v0 =	vadd.f32 v17, v0;
	v17 =	vadd.f32 v2, v20;
	[tilespmem:s24+$0x80B0] =	vst v14  }
0x133: {  	[tilespmem:s24+$0x81D0] =	vst v18  }
0x134: {  	v22 =	vld [tilespmem:s24+$0x1F0];
	v2 =	vadd.f32 v4, v0;
	[tilespmem:s24+$0x81E0] =	vst v17;
	v4 =	vadd.f32 v7, v16  }
0x135: {  	[tilespmem:s24+$0x8070] =	vst v0  }
0x136: {  	[tilespmem:s24+$0x80F0] =	vst v2;
	v12 =	vadd.f32 v12, v4  }
0x137: {  	[tilespmem:s24+$0x8120] =	vst v4;
	v2 =	vadd.f32 v19, v2  }
0x138: {  	v4 =	vadd.f32 v10, v14;
	[tilespmem:s24+$0x81A0] =	vst v12  }
0x139: {  	v0 =	vadd.f32 v22, v2;
	[tilespmem:s24+$0x8170] =	vst v2  }
0x13a: {  	v2 =	vadd.f32 v15, v11;
	v11 =	vadd.f32 v13, v4;
	[tilespmem:s24+$0x8130] =	vst v4  }
0x13b: {  	[tilespmem:s24+$0x81F0] =	vst v0  }
0x13c: {  	s23 =	sor.u32 s23, s6;
	v5 =	vadd.f32 v9, v2;
	[tilespmem:s24+$0x81B0] =	vst v11  }
0x13d: {  	s23 =	sshrl.u32 s23, $0x3;
	[tilespmem:s24+$0x8140] =	vst v2  }
0x13e: {  	s31 =	smin.u32 s25, $0x3D;
	s23 =	sadd.s32 s3, s23;
	[tilespmem:s24+$0x81C0] =	vst v5  }
0x13f: {  	[hbm4b:s23+s12] =	stream.strided.scatter [tilespmem:s15], [sflag:$0x3], $0x4000, s13, s12, $0x38;
	[tilespmem:$0x10000] =	vst v63  }
0x140: {  	s23 =	sshll.u32 s31, $0x12  }
0x141: {  	s23 =	sadd.s32 s23, s10  }
0x142: {  	s23 =	sshrl.u32 s23, $0x3  }
0x143: {  	s23 =	sadd.s32 s2, s23  }
0x144: {  	[tilespmem:s4], [sflag:$0x1] =	stream.strided.gather [hbm4b:s23+s12], $0x4000, s13, s12, $0x38;
	[tilespmem:$0x10000] =	vst v63  }
0x145: {  	_ =	swait.ge [sflag:s16], $0x4000  }
0x146: {  	[sflag:s16] =	ssyncset.done $0x0  }
0x147: {  	s23 =	simm.s32 @!p0 $0x4;
	[sflag:s16] =	ssyncadd.s32 $0xFFFFC000  }
0x148: {  	_ =	swait.ge @!p0 [sflag:s23], $0x4000  }
0x149: {  	[sflag:s23] =	ssyncset.done @!p0 $0x0  }
0x14a: {  	[sflag:s23] =	ssyncadd.s32 @!p0 $0xFFFFC000;
	s23 =	simm.s32 $0x0  }
0x14b: {  	v13 =	vld [tilespmem:s23+$0x4040]  }
0x14c: {  	v2 =	vld [tilespmem:s23+$0x41E0]  }
0x14d: {  	v6 =	vld [tilespmem:s23+$0x4090]  }
0x14e: {  	v9 =	vld [tilespmem:s23+$0x4080]  }
0x14f: {  	v16 =	vld [tilespmem:s23+$0x4190]  }
0x150: {  	v19 =	vld [tilespmem:s23+$0x4030]  }
0x151: {  	v20 =	vld [tilespmem:s23+$0x40B0]  }
0x152: {  	v4 =	vld [tilespmem:s23+$0x40F0]  }
0x153: {  	v10 =	vld [tilespmem:s23+$0x4010]  }
0x154: {  	v14 =	vld [tilespmem:s23+$0x4000]  }
0x155: {  	v15 =	vld [tilespmem:s23+$0x4180]  }
0x156: {  	v21 =	vld [tilespmem:s23+$0x4110]  }
0x157: {  	v22 =	vld [tilespmem:s23+$0x4100]  }
0x158: {  	v23 =	vld [tilespmem:s23+$0x40E0]  }
0x159: {  	v8 =	vld [tilespmem:s23+$0x41D0]  }
0x15a: {  	v7 =	vld [tilespmem:s23+$0x4120]  }
0x15b: {  	v24 =	vld [tilespmem:s23+$0x4020]  }
0x15c: {  	v25 =	vld [tilespmem:s23+$0x4060]  }
0x15d: {  	v26 =	vld [tilespmem:s23+$0x4150]  }
0x15e: {  	v27 =	vld [tilespmem:s23+$0x40D0];
	v1 =	vadd.f32 v14, v1  }
0x15f: {  	v14 =	vld [tilespmem:s23+$0x4050];
	v3 =	vadd.f32 v10, v3  }
0x160: {  	v28 =	vld [tilespmem:s23+$0x40A0];
	v24 =	vadd.f32 v24, v12;
	[tilespmem:s23+$0xC000] =	vst v1  }
0x161: {  	v29 =	vld [tilespmem:s23+$0x40C0];
	v12 =	vadd.f32 v25, v17;
	[tilespmem:s23+$0xC010] =	vst v3  }
0x162: {  	v63 =	vld [tilespmem:s23+$0x4160];
	v19 =	vadd.f32 v19, v11;
	[tilespmem:s23+$0xC020] =	vst v24;
	v6 =	vadd.f32 v6, v3  }
0x163: {  	v10 =	vld [tilespmem:s23+$0x4130];
	v1 =	vadd.f32 v9, v1;
	[tilespmem:s23+$0xC060] =	vst v12;
	v12 =	vadd.f32 v23, v12  }
0x164: {  	v9 =	vld [tilespmem:s23+$0x41C0];
	[tilespmem:s23+$0xC030] =	vst v19;
	v3 =	vadd.f32 v21, v6;
	v17 =	vadd.f32 v14, v18  }
0x165: {  	[tilespmem:s23+$0xC080] =	vst v1;
	v21 =	vadd.f32 v13, v5;
	v13 =	vld [tilespmem:s23+$0x4070];
	v5 =	vadd.f32 v22, v1  }
0x166: {  	v14 =	vld [tilespmem:s23+$0x41A0];
	v18 =	vadd.f32 v28, v24;
	[tilespmem:s23+$0xC110] =	vst v3;
	v22 =	vadd.f32 v27, v17  }
0x167: {  	[tilespmem:s23+$0xC040] =	vst v21;
	v1 =	vadd.f32 v15, v5;
	v15 =	vld [tilespmem:s23+$0x41B0];
	v3 =	vadd.f32 v16, v3  }
0x168: {  	v11 =	vadd.f32 v29, v21;
	[tilespmem:s23+$0xC050] =	vst v17;
	v17 =	vld [tilespmem:s23+$0x4140];
	v21 =	vadd.f32 v26, v22  }
0x169: {  	s24 =	simm.s32 $0x800;
	v16 =	vadd.f32 v20, v19;
	v20 =	vadd.f32 v63, v12;
	v19 =	vld [tilespmem:s23+$0x4170];
	[tilespmem:s23+$0xC0D0] =	vst v22  }
.LBB2_11:
0x16a: {  	s25 =	sshra.s32 s24, $0x2;
	p0 =	sne.s32 s24, $0xF800;
	s24 =	sadd.s32 $0x800, s24;
	v7 =	vadd.f32 v7, v18;
	[tilespmem:s23+$0xC150] =	vst v21;
	v21 =	vadd.f32 v8, v21;
	v8 =	vld [tilespmem:s23+$0x41F0]  }
0x16b: {  	v22 =	vld [tilespmem:s25+$0x4040];
	v0 =	vadd.f32 v13, v0;
	[tilespmem:s23+$0xC0E0] =	vst v12;
	v10 =	vadd.f32 v10, v16  }
0x16c: {  	v13 =	vadd.f32 v2, v20;
	[tilespmem:s23+$0xC160] =	vst v20;
	v12 =	vadd.f32 v14, v7;
	v2 =	vld [tilespmem:s25+$0x41E0]  }
0x16d: {  	v14 =	vld [tilespmem:s25+$0x4090];
	[tilespmem:s23+$0xC0A0] =	vst v18;
	v4 =	vadd.f32 v4, v0;
	v17 =	vadd.f32 v17, v11  }
0x16e: {  	v15 =	vadd.f32 v15, v10;
	v18 =	vld [tilespmem:s25+$0x4080];
	[tilespmem:s23+$0xC1D0] =	vst v21  }
0x16f: {  	v20 =	vld [tilespmem:s25+$0x4190];
	v19 =	vadd.f32 v19, v4;
	v9 =	vadd.f32 v9, v17;
	[tilespmem:s23+$0xC1E0] =	vst v13  }
0x170: {  	v23 =	vld [tilespmem:s25+$0x4030];
	[tilespmem:s23+$0xC070] =	vst v0  }
0x171: {  	v24 =	vld [tilespmem:s25+$0x40B0];
	[tilespmem:s23+$0xC0F0] =	vst v4;
	v0 =	vadd.f32 v8, v19  }
0x172: {  	v4 =	vld [tilespmem:s25+$0x40F0];
	[tilespmem:s23+$0xC0B0] =	vst v16  }
0x173: {  	v16 =	vld [tilespmem:s25+$0x4010];
	[tilespmem:s23+$0xC120] =	vst v7  }
0x174: {  	v25 =	vld [tilespmem:s25+$0x4000];
	[tilespmem:s23+$0xC1A0] =	vst v12  }
0x175: {  	v26 =	vld [tilespmem:s25+$0x4180];
	[tilespmem:s23+$0xC090] =	vst v6  }
0x176: {  	v27 =	vld [tilespmem:s25+$0x4110];
	[tilespmem:s23+$0xC0C0] =	vst v11  }
0x177: {  	v11 =	vld [tilespmem:s25+$0x4100];
	[tilespmem:s23+$0xC170] =	vst v19  }
0x178: {  	v19 =	vld [tilespmem:s25+$0x40E0];
	[tilespmem:s23+$0xC1F0] =	vst v0  }
0x179: {  	v8 =	vld [tilespmem:s25+$0x41D0];
	[tilespmem:s23+$0xC100] =	vst v5  }
0x17a: {  	v7 =	vld [tilespmem:s25+$0x4120];
	[tilespmem:s23+$0xC130] =	vst v10  }
0x17b: {  	v5 =	vld [tilespmem:s25+$0x4020];
	[tilespmem:s23+$0xC1B0] =	vst v15  }
0x17c: {  	v6 =	vld [tilespmem:s25+$0x4060];
	[tilespmem:s23+$0xC140] =	vst v17  }
0x17d: {  	v28 =	vld [tilespmem:s25+$0x4150];
	[tilespmem:s23+$0xC1C0] =	vst v9  }
0x17e: {  	v10 =	vadd.f32 v25, v1;
	v17 =	vld [tilespmem:s25+$0x4050];
	[tilespmem:s23+$0xC190] =	vst v3  }
0x17f: {  	v3 =	vadd.f32 v16, v3;
	v16 =	vld [tilespmem:s25+$0x40D0];
	[tilespmem:s23+$0xC180] =	vst v1;
	s23 =	smov.u32 s25  }
0x180: {  	v1 =	vadd.f32 v18, v10;
	[tilespmem:s23+$0xC000] =	vst v10;
	v25 =	vadd.f32 v5, v12;
	v18 =	vld [tilespmem:s23+$0x40A0]  }
0x181: {  	[tilespmem:s23+$0xC010] =	vst v3;
	v12 =	vadd.f32 v6, v13;
	v6 =	vadd.f32 v14, v3;
	v29 =	vld [tilespmem:s23+$0x40C0]  }
0x182: {  	v5 =	vadd.f32 v11, v1;
	[tilespmem:s23+$0xC020] =	vst v25;
	v10 =	vld [tilespmem:s23+$0x4130]  }
0x183: {  	v3 =	vadd.f32 v17, v21;
	[tilespmem:s23+$0xC060] =	vst v12;
	v11 =	vadd.f32 v27, v6;
	v27 =	vld [tilespmem:s23+$0x4160]  }
0x184: {  	[tilespmem:s23+$0xC080] =	vst v1;
	v1 =	vadd.f32 v26, v5;
	v14 =	vld [tilespmem:s23+$0x41A0]  }
.Ltmp4:
0x185: {  	v17 =	vadd.f32 v22, v9;
	v12 =	vadd.f32 v19, v12;
	[tilespmem:s23+$0xC050] =	vst v3;
	v9 =	vld [tilespmem:s23+$0x41C0];
	(pc) =	sbr.rel @p0 .LBB2_11-.Ltmp4, $4  }
0x186: {  	v19 =	vadd.f32 v23, v15;
	v16 =	vadd.f32 v16, v3;
	v13 =	vld [tilespmem:s23+$0x4070];
	[tilespmem:s23+$0xC110] =	vst v11  }
0x187: {  	v18 =	vadd.f32 v18, v25;
	v3 =	vadd.f32 v20, v11;
	[tilespmem:s23+$0xC040] =	vst v17;
	v15 =	vld [tilespmem:s23+$0x41B0]  }
0x188: {  	v11 =	vadd.f32 v29, v17;
	v21 =	vadd.f32 v28, v16;
	[tilespmem:s23+$0xC0D0] =	vst v16;
	v17 =	vld [tilespmem:s23+$0x4140]  }
0x189: {  	v16 =	vadd.f32 v24, v19;
	v20 =	vadd.f32 v27, v12;
	[tilespmem:s23+$0xC030] =	vst v19;
	v19 =	vld [tilespmem:s23+$0x4170]  }
0x18a: {  	[tilespmem:s23+$0xC150] =	vst v21  }
0x18b: {  	[tilespmem:s23+$0xC0E0] =	vst v12  }
0x18c: {  	[tilespmem:s23+$0xC0A0] =	vst v18  }
0x18d: {  	[tilespmem:s23+$0xC090] =	vst v6  }
0x18e: {  	[tilespmem:s23+$0xC0C0] =	vst v11  }
0x18f: {  	[tilespmem:s23+$0xC100] =	vst v5  }
0x190: {  	[tilespmem:s23+$0xC190] =	vst v3  }
0x191: {  	[tilespmem:s23+$0xC180] =	vst v1  }
0x192: {  	v12 =	vadd.f32 v8, v21;
	[tilespmem:s23+$0xC160] =	vst v20  }
0x193: {  	v0 =	vadd.f32 v13, v0;
	v13 =	vadd.f32 v2, v20;
	[tilespmem:s23+$0xC0B0] =	vst v16  }
0x194: {  	[tilespmem:s23+$0xC1D0] =	vst v12  }
0x195: {  	v22 =	vld [tilespmem:s23+$0x41F0];
	v2 =	vadd.f32 v4, v0;
	[tilespmem:s23+$0xC1E0] =	vst v13;
	v4 =	vadd.f32 v7, v18  }
0x196: {  	[tilespmem:s23+$0xC070] =	vst v0  }
0x197: {  	[tilespmem:s23+$0xC0F0] =	vst v2;
	v14 =	vadd.f32 v14, v4  }
0x198: {  	[tilespmem:s23+$0xC120] =	vst v4;
	v2 =	vadd.f32 v19, v2  }
0x199: {  	v4 =	vadd.f32 v10, v16;
	[tilespmem:s23+$0xC1A0] =	vst v14  }
0x19a: {  	s21 =	sadd.s32 $0x1, s21;
	v0 =	vadd.f32 v22, v2;
	[tilespmem:s23+$0xC170] =	vst v2  }
0x19b: {  	p0 =	sne.s32 s21, $0x20;
	v2 =	vadd.f32 v17, v11;
	v11 =	vadd.f32 v15, v4;
	[tilespmem:s23+$0xC130] =	vst v4  }
.Ltmp5:
0x19c: {  	[tilespmem:s23+$0xC1F0] =	vst v0;
	(pc) =	sbr.rel @p0 .LBB2_8-.Ltmp5, $4  }
0x19d: {  	v5 =	vadd.f32 v9, v2;
	[tilespmem:s23+$0xC1B0] =	vst v11  }
0x19e: {  	[tilespmem:s23+$0xC140] =	vst v2  }
0x19f: {  	s22 =	sadd.s32 s3, s22;
	[tilespmem:s23+$0xC1C0] =	vst v5  }
0x1a0: {  	[hbm4b:s22+s12] =	stream.strided.scatter [tilespmem:s17], [sflag:$0x4], $0x4000, s13, s12, $0x38;
	[tilespmem:$0x10000] =	vst v63  }
0x1a1: {  	_ =	swait.ge [sflag:s14], $0x4000  }
0x1a2: {  	[sflag:s14] =	ssyncset.done $0x0  }
0x1a3: {  	s20 =	sadd.s32 $0x1, s20;
	[sflag:s14] =	ssyncadd.s32 $0xFFFFC000  }
0x1a4: {  	p0 =	sne.s32 s20, s11;
	_ =	swait.ge [sflag:s18], $0x4000  }
.Ltmp6:
0x1a5: {  	[sflag:s18] =	ssyncset.done $0x0;
	(pc) =	sbr.rel @p0 .LBB2_1-.Ltmp6, $4  }
0x1a6: {  	[sflag:s18] =	ssyncadd.s32 $0xFFFFC000  }
0x1a7: {  	_ =	swait.ge [sflag:s19], $0x4000  }
0x1a8: {  	[sflag:s19] =	ssyncset.done $0x0  }
0x1a9: {  	[sflag:s19] =	ssyncadd.s32 $0xFFFFC000  }
0x1aa: {  	_ =	sfence.sel $0x180000  }
0x1ab: {  	[bflag:$0x0] =	sbarrier.arrive $0xFFFF  }
0x1ac: {  	p0 =	sne.s32 s1, $0x0;
	_ =	strace $0x90000047  }
0x1ad: {  	s0 =	sadd.s32 @!p0 $0x100000, s0;
	[bflag:$0x2] =	sbarrier.arrive $0xFFFF  }
0x1ae: {  	[sflag:s0] =	ssyncadd.tile.s32 @!p0 $0x1;
	_ =	shalt  }
.Lfunc_end2:
_tile_overlayer_lowered:
.L_overlay_start_2:
0x1af: {  	(tag) =	ssettag $0x2  }
0x1b0: {  	s0 =	rddreg [dreg:$0x0];
	s2 =	stileid.u32  }
0x1b1: {  	s1 =	rddreg [dreg:$0x1];
	p0 =	sne.s32 s2, $0x0  }
0x1b2: {  	s3 =	rddreg [dreg:$0x2];
	[bflag:$0x3] =	sbarrier.arrive $0xFFFF;
	s2 =	simm.s32 @!p0 $0x1C05  }
0x1b3: {  	[timem:s3], [sflag:s2] =	dma.local @!p0 [hbm:s0], s1  }
0x1b4: {  	s0 =	simm.s32 @!p0 $0x5  }
0x1b5: {  	_ =	swait.ge @!p0 [sflag:s0], s1  }
0x1b6: {  	s1 =	ssub.s32 @!p0 $0x0, s1;
	[sflag:s0] =	ssyncset.done @!p0 $0x0  }
0x1b7: {  	[sflag:s0] =	ssyncadd.s32 @!p0 s1  }
0x1b8: {  	[bflag:$0x3] =	sbarrier.arrive $0xFFFF  }
0x1b9: {  	_ =	shalt  }

</sc_bundles>
